<compile_context>
chip_gen: v7x
topology: tpu7x:2x2x1
jax: 0.10.2.dev20260603
libtpu: 0.0.44.dev20260713+nightly
codegen_flags: <defaults>
</compile_context>

<pallas_src>
import dataclasses

import jax
import jax.numpy as jnp
from jax.experimental import pallas as pl
from jax.experimental.pallas import tpu as pltpu
from jax.experimental.pallas import tpu_sc as plsc

_SC_PARAMS = pltpu.CompilerParams()
if "needs_layout_passes" in pltpu.CompilerParams.__dataclass_fields__:
    _SC_PARAMS = dataclasses.replace(_SC_PARAMS, needs_layout_passes=False)

N = 1024
FEAT = 32
NUM_FG = 40
NUM_BG = 2
NPTS = 48
L = 16
NCH = N // L
NEG_INF = float("-inf")
BIG_I = 1 << 30


def _prep_body(sim_ref, refneg_ref, rowmax_ref, rowarg_ref, colmax_ref,
               colarg_ref, colsum_ref, inv_ref):
    sim = sim_ref[...]
    refneg = refneg_ref[...]
    masked = sim + refneg
    rmax = jnp.max(masked, axis=1, keepdims=True)
    lane_iota = jax.lax.broadcasted_iota(jnp.int32, (N, N), 1)
    rowmax_ref[...] = rmax
    rowarg_ref[...] = jnp.min(
        jnp.where(masked == rmax, lane_iota, N), axis=1, keepdims=True)
    cmax = jnp.max(sim, axis=0, keepdims=True)
    row_iota = jax.lax.broadcasted_iota(jnp.int32, (N, N), 0)
    colmax_ref[...] = cmax
    colarg_ref[...] = jnp.min(
        jnp.where(sim == cmax, row_iota, N), axis=0, keepdims=True)
    mask01 = (refneg == 0.0).astype(jnp.float32)
    colsum_ref[...] = jnp.sum(sim * mask01, axis=0, keepdims=True)
    inv_ref[...] = jnp.full((1, 128), 1.0 / jnp.sum(mask01), jnp.float32)


def _lanes():
    return jax.lax.iota(jnp.int32, L)


def _splat(x):
    return jax.lax.broadcast(x, (L,))


def _chunk_of(i):
    return jax.lax.shift_right_logical(i, 4)


def _get_f32(ref, i):
    return jnp.max(plsc.load_gather(ref, [_splat(i)]))


def _get_i32(ref, i):
    return jnp.max(plsc.load_gather(ref, [_splat(i)]))


def _set_elem(ref, i, val):
    plsc.store_scatter(ref, [_splat(i)], _splat(val), mask=_lanes() == 0)


def _argmax_ref(ref):
    lanes = _lanes()

    def body(q, carry):
        vmv, vmi = carry
        v = ref[pl.ds(q * L, L)]
        m = v > vmv
        return jnp.where(m, v, vmv), jnp.where(m, lanes + q * L, vmi)

    vmv, vmi = jax.lax.fori_loop(1, NCH, body, (ref[pl.ds(0, L)], lanes))
    gmax = jnp.max(vmv)
    idx = jnp.min(jnp.where(vmv == gmax, vmi, jnp.int32(BIG_I)))
    return gmax, idx


def _argmax_hier(rb, chmax):
    lanes = _lanes()
    vmv = chmax[pl.ds(0, L)]
    vmi = lanes
    for g in range(1, NCH // L):
        v = chmax[pl.ds(g * L, L)]
        m = v > vmv
        vmv = jnp.where(m, v, vmv)
        vmi = jnp.where(m, lanes + g * L, vmi)
    gmax = jnp.max(vmv)
    q = jnp.min(jnp.where(vmv == gmax, vmi, jnp.int32(BIG_I)))
    v = plsc.load_gather(rb, [q * L + lanes])
    r = q * L + jnp.min(jnp.where(v == gmax, lanes, jnp.int32(BIG_I)))
    return gmax, r


def _update_chmax(rb, chmax, q):
    v = plsc.load_gather(rb, [q * L + _lanes()])
    _set_elem(chmax, q, jnp.max(v))


def _fill(ref, val):
    def body(q, _):
        ref[pl.ds(q * L, L)] = jnp.full((L,), val, ref.dtype)
        return 0
    jax.lax.fori_loop(0, ref.shape[0] // L, body, 0)


def _refresh(src_hbm, r, rb, ra, cneg, chmax, rowbuf, sem):
    pltpu.async_copy(src_hbm.at[r], rowbuf, sem).wait()
    lanes = _lanes()

    def body(q, carry):
        vmv, vmi = carry
        v = rowbuf[pl.ds(q * L, L)] + cneg[pl.ds(q * L, L)]
        m = v > vmv
        return jnp.where(m, v, vmv), jnp.where(m, lanes + q * L, vmi)

    init = (rowbuf[pl.ds(0, L)] + cneg[pl.ds(0, L)], lanes)
    vmv, vmi = jax.lax.fori_loop(1, NCH, body, init)
    gmax = jnp.max(vmv)
    idx = jnp.min(jnp.where(vmv == gmax, vmi, jnp.int32(BIG_I)))
    _set_elem(rb, r, gmax)
    _set_elem(ra, r, idx)
    _update_chmax(rb, chmax, _chunk_of(r))


def _greedy(src_hbm, num_valid, rb, ra, cneg, chmax, rowbuf, sem, record):
    def pop():
        gmax, r = _argmax_hier(rb, chmax)
        c = _get_i32(ra, r)
        active = _get_f32(cneg, c) == 0.0
        return r, c, gmax, active

    def w_cond(carry):
        return jnp.logical_not(carry[3])

    def w_body(carry):
        _refresh(src_hbm, carry[0], rb, ra, cneg, chmax, rowbuf, sem)
        return pop()

    def iter_body(i, _):
        r, c, v, _a = jax.lax.while_loop(w_cond, w_body, pop())
        record(i, r, c, v)
        _set_elem(rb, r, jnp.float32(NEG_INF))
        _update_chmax(rb, chmax, _chunk_of(r))
        _set_elem(cneg, c, jnp.float32(NEG_INF))
        return 0

    jax.lax.fori_loop(0, num_valid, iter_body, 0)


def _sc_match(sim, simT, rowmax, rowarg, colmax, colarg, colsum, refmask,
              osize, invnr):
    f32 = jnp.float32
    i32 = jnp.int32
    out_type = [
        jax.ShapeDtypeStruct((NPTS,), f32),
        jax.ShapeDtypeStruct((NPTS,), f32),
        jax.ShapeDtypeStruct((NPTS,), f32),
        jax.ShapeDtypeStruct((NPTS,), i32),
    ]
    scratch_types = [
        pltpu.VMEM((N,), f32),
        pltpu.VMEM((N,), i32),
        pltpu.VMEM((N,), f32),
        pltpu.VMEM((NCH,), f32),
        pltpu.VMEM((N,), f32),
        pltpu.VMEM((N,), i32),
        pltpu.VMEM((N,), f32),
        pltpu.VMEM((N,), f32),
        pltpu.VMEM((N,), i32),
        pltpu.VMEM((N,), i32),
        pltpu.VMEM((N,), i32),
        pltpu.VMEM((N,), f32),
        pltpu.VMEM((N,), i32),
        pltpu.VMEM((N,), f32),
        pltpu.VMEM((N,), i32),
        pltpu.VMEM((N,), f32),
        pltpu.VMEM((N,), i32),
        pltpu.VMEM((L,), i32),
        pltpu.VMEM((L,), f32),
        pltpu.VMEM((NPTS,), f32),
        pltpu.VMEM((NPTS,), f32),
        pltpu.VMEM((NPTS,), f32),
        pltpu.VMEM((NPTS,), i32),
        pltpu.SemaphoreType.DMA,
    ]

    @pl.kernel(out_type=out_type,
               mesh=plsc.VectorSubcoreMesh(core_axis_name="c",
                                           subcore_axis_name="s"),
               scratch_types=scratch_types,
               compiler_params=_SC_PARAMS)
    def run(sim_ref, simT_ref, rowmax_ref, rowarg_ref, colmax_ref, colarg_ref,
            colsum_ref, refmask_ref, osize_ref, invnr_ref, xo, yo, so, lo,
            rb, ra, cneg, chmax, rowbuf, colof, scoreof, slotscore, slottgt,
            fwslot, bwc, fgscore, fgtgt, colmax_s, colarg_s, colsum_s,
            refmask_s, osize_s, invnr_s, xs, ys, ss, ls, sem):
        cid = jax.lax.axis_index("c")
        sid = jax.lax.axis_index("s")

        @pl.when(jnp.logical_and(cid == 0, sid == 0))
        def _():
            lanes = _lanes()
            pltpu.async_copy(rowmax_ref, rb, sem).wait()
            pltpu.async_copy(rowarg_ref, ra, sem).wait()
            pltpu.async_copy(colmax_ref, colmax_s, sem).wait()
            pltpu.async_copy(colarg_ref, colarg_s, sem).wait()
            pltpu.async_copy(colsum_ref, colsum_s, sem).wait()
            pltpu.async_copy(refmask_ref, refmask_s, sem).wait()
            pltpu.async_copy(osize_ref, osize_s, sem).wait()
            pltpu.async_copy(invnr_ref, invnr_s, sem).wait()

            _fill(cneg, 0.0)
            _fill(slotscore, NEG_INF)
            _fill(slottgt, 0)
            _fill(fwslot, 0)
            _fill(bwc, 0)
            _fill(fgscore, NEG_INF)
            _fill(fgtgt, 0)
            _fill(xs, 0.0)
            _fill(ys, 0.0)
            _fill(ss, 0.0)
            _fill(ls, 0)

            def nr_body(q, acc):
                m = refmask_s[pl.ds(q * L, L)].astype(f32)
                _update_chmax(rb, chmax, q)
                return acc + jnp.sum(m)
            num_ref_f = jax.lax.fori_loop(0, NCH, nr_body, f32(0.0))
            num_ref = num_ref_f.astype(i32)

            def rec_f(i, r, c, v):
                _set_elem(colof, r, c)
                _set_elem(scoreof, r, v)
            _greedy(sim_ref, num_ref, rb, ra, cneg, chmax, rowbuf, sem, rec_f)

            def fc_body(r, cnt):
                is_ref = _get_i32(refmask_s, r) == 1

                @pl.when(is_ref)
                def _():
                    c = _get_i32(colof, r)
                    _set_elem(slotscore, cnt, _get_f32(scoreof, r))
                    _set_elem(slottgt, cnt, c)
                    _set_elem(fwslot, c, cnt)
                return cnt + jnp.where(is_ref, 1, 0).astype(i32)
            jax.lax.fori_loop(0, N, fc_body, i32(0))

            def bi_body(q, _):
                sl = pl.ds(q * L, L)
                picked = cneg[sl] < 0.0
                rb[sl] = jnp.where(picked, colmax_s[sl], f32(NEG_INF))
                ra[sl] = colarg_s[sl]
                cneg[sl] = jnp.zeros((L,), f32)
                _update_chmax(rb, chmax, q)
                return 0
            jax.lax.fori_loop(0, NCH, bi_body, 0)

            def rec_b(i, t, c, v):
                s = _get_i32(fwslot, t)
                _set_elem(bwc, s, c)
            _greedy(simT_ref, num_ref, rb, ra, cneg, chmax, rowbuf, sem,
                    rec_b)

            def vc_body(s, k):
                bc = _get_i32(bwc, s)
                ok = jnp.logical_and(s < num_ref,
                                     _get_i32(refmask_s, bc) == 1)

                @pl.when(ok)
                def _():
                    _set_elem(fgscore, k, _get_f32(slotscore, s))
                    _set_elem(fgtgt, k, _get_i32(slottgt, s))
                return k + jnp.where(ok, 1, 0).astype(i32)
            k = jax.lax.fori_loop(0, N, vc_body, i32(0))

            @pl.when(k == 0)
            def _():
                bv, b = _argmax_ref(slotscore)
                _set_elem(fgscore, 0, bv)
                _set_elem(fgtgt, 0, _get_i32(slottgt, b))

            n_fg = jnp.where(k == 0, i32(1), k)
            nf = jnp.minimum(i32(NUM_FG), n_fg)

            osv = osize_s[pl.ds(0, L)]
            h_f = jnp.max(jnp.where(lanes == 0, osv, i32(-BIG_I))).astype(f32)
            w_f = jnp.max(jnp.where(lanes == 1, osv, i32(-BIG_I))).astype(f32)

            def top_body(p, _):
                gmax, slot = _argmax_ref(fgscore)
                _set_elem(fgscore, slot, f32(NEG_INF))
                tgt = _get_i32(fgtgt, slot)
                ok = p < nf
                fx = ((jnp.bitwise_and(tgt, FEAT - 1).astype(f32) + 0.5)
                      * f32(1.0 / FEAT) * w_f)
                fy = ((jax.lax.shift_right_logical(tgt, 5).astype(f32) + 0.5)
                      * f32(1.0 / FEAT) * h_f)
                _set_elem(xs, p, jnp.where(ok, fx, f32(0.0)))
                _set_elem(ys, p, jnp.where(ok, fy, f32(0.0)))
                _set_elem(ss, p, jnp.where(ok, gmax, f32(0.0)))
                _set_elem(ls, p, jnp.where(ok, i32(1), i32(-1)))
                return 0
            jax.lax.fori_loop(0, NUM_FG, top_body, 0)

            inv_nr = jnp.max(invnr_s[pl.ds(0, L)])
            def avg_body(q, _):
                sl = pl.ds(q * L, L)
                rowbuf[sl] = -colsum_s[sl]
                return 0
            jax.lax.fori_loop(0, NCH, avg_body, 0)
            for q in range(NUM_BG):
                gmax, idx = _argmax_ref(rowbuf)
                _set_elem(rowbuf, idx, f32(NEG_INF))
                p = NUM_FG + q
                bx = ((jnp.bitwise_and(idx, FEAT - 1).astype(f32) + 0.5)
                      * f32(1.0 / FEAT) * w_f)
                by = ((jax.lax.shift_right_logical(idx, 5).astype(f32) + 0.5)
                      * f32(1.0 / FEAT) * h_f)
                _set_elem(xs, p, bx)
                _set_elem(ys, p, by)
                _set_elem(ss, p, -gmax * inv_nr)
                _set_elem(ls, p, i32(0))

            pltpu.async_copy(xs, xo, sem).wait()
            pltpu.async_copy(ys, yo, sem).wait()
            pltpu.async_copy(ss, so, sem).wait()
            pltpu.async_copy(ls, lo, sem).wait()

    return run(sim, simT, rowmax, rowarg, colmax, colarg, colsum, refmask,
               osize, invnr)


def kernel(similarity_map, ref_mask, original_size):
    f32 = jnp.float32
    i32 = jnp.int32
    sim = similarity_map.astype(f32)
    refneg = jnp.where(ref_mask, f32(0.0), f32(NEG_INF)).reshape(N, 1)
    rowmax, rowarg, colmax, colarg, colsum, inv = pl.pallas_call(
        _prep_body,
        out_shape=[
            jax.ShapeDtypeStruct((N, 1), f32),
            jax.ShapeDtypeStruct((N, 1), i32),
            jax.ShapeDtypeStruct((1, N), f32),
            jax.ShapeDtypeStruct((1, N), i32),
            jax.ShapeDtypeStruct((1, N), f32),
            jax.ShapeDtypeStruct((1, 128), f32),
        ],
    )(sim, refneg)
    simT = sim.T
    refmask_i32 = ref_mask.astype(i32)
    osize = jnp.zeros((L,), i32)
    osize = osize.at[0].set(original_size[0].astype(i32))
    osize = osize.at[1].set(original_size[1].astype(i32))
    x, y, s, labels = _sc_match(
        sim, simT, rowmax.reshape(N), rowarg.reshape(N), colmax.reshape(N),
        colarg.reshape(N), colsum.reshape(N), refmask_i32, osize,
        inv.reshape(128)[:L])
    m = NUM_FG + NUM_BG
    points = jnp.stack([x[:m], y[:m], s[:m]], axis=1)
    return points, labels[:m]

# --- scband reference (transcript-rebuilt; emitter-appended) ---
"""Pipeline reference for scband-bidirectional-prompt-generator-82162724373015 (READ-ONLY COPY).

The authoritative reference and input builder live on the scoring server;
editing this copy changes nothing except your own understanding.
"""

import jax, jax.numpy as jnp
import numpy as np

ENCODER_INPUT_SIZE = 512
PATCH_SIZE = 16
FEAT_SIZE = 32
NUM_FG = 40
NUM_BG = 2
MAX_POINTS = NUM_FG + NUM_BG


def greedy_assignment(sim, num_valid):
    # Greedy approximation of scipy.optimize.linear_sum_assignment(maximize=True),
    # fixed-shape form: sim is (N, N) with rows outside the active subset set to
    # -inf; num_valid (traced) is the number of greedy picks actually performed.
    # Slots >= num_valid hold the sentinel index N and sort to the end.
    N = sim.shape[1]
    rows0 = jnp.full((N,), N, dtype=jnp.int32)
    cols0 = jnp.full((N,), N, dtype=jnp.int32)

    def body(i, state):
        s, rows, cols = state
        flat = jnp.argmax(s)
        r = (flat // N).astype(jnp.int32)
        c = (flat % N).astype(jnp.int32)
        rows = rows.at[i].set(r)
        cols = cols.at[i].set(c)
        s = s.at[r, :].set(-jnp.inf).at[:, c].set(-jnp.inf)
        return s, rows, cols

    _, rows, cols = jax.lax.fori_loop(0, num_valid, body, (sim, rows0, cols0))
    order = jnp.argsort(rows)
    return rows[order], cols[order]


def bidirectional_match(sim, ref_mask):
    N = sim.shape[0]
    idx = jnp.arange(N, dtype=jnp.int32)
    num_ref = jnp.sum(ref_mask).astype(jnp.int32)
    valid_slot = idx < num_ref
    neg_inf = jnp.float32(-jnp.inf)
    # forward matching ref -> target (row indices come back as full-matrix
    # ref indices; the subset->full map is monotone so ordering matches)
    sim_f = jnp.where(ref_mask[:, None], sim, neg_inf)
    fw_r, fw_c = greedy_assignment(sim_f, num_ref)
    matched_ref = fw_r
    mr_c = jnp.clip(matched_ref, 0, N - 1)
    fc_c = jnp.clip(fw_c, 0, N - 1)
    fw_scores = jnp.where(valid_slot, sim[mr_c, fc_c], neg_inf)
    # backward matching target -> ref, bidirectional consistency check
    fw_c_safe = jnp.where(valid_slot, fw_c, N)
    tgt_mask = jnp.zeros((N + 1,), dtype=jnp.bool_).at[fw_c_safe].set(True)[:N]
    sim_b = jnp.where(tgt_mask[:, None], sim.T, neg_inf)
    bw_t, bw_c = greedy_assignment(sim_b, num_ref)
    # recover each backward row's position within the forward match list and
    # restore the subset-row ordering of the dense formulation
    inv = jnp.full((N + 1,), N, dtype=jnp.int32).at[fw_c_safe].set(
        jnp.where(valid_slot, idx, N))
    bw_r = jnp.where(valid_slot, inv[jnp.clip(bw_t, 0, N)], N)
    order = jnp.argsort(bw_r)
    bw_r = bw_r[order]
    bw_c = bw_c[order]
    valid = valid_slot & ref_mask[jnp.clip(bw_c, 0, N - 1)]
    k = jnp.sum(valid).astype(jnp.int32)
    vf = jnp.clip(bw_r, 0, N - 1)
    dest = jnp.where(valid, jnp.cumsum(valid) - 1, N)
    fg_ref = jnp.zeros((N + 1,), dtype=jnp.int32).at[dest].set(matched_ref[vf])[:N]
    fg_tgt = jnp.zeros((N + 1,), dtype=jnp.int32).at[dest].set(fw_c[vf])[:N]
    # fallback: best forward match
    b = jnp.argmax(fw_scores)
    fb_ref = jnp.zeros((N,), dtype=jnp.int32).at[0].set(matched_ref[b])
    fb_tgt = jnp.zeros((N,), dtype=jnp.int32).at[0].set(fw_c[b])
    use_fb = k == 0
    fg_ref = jnp.where(use_fb, fb_ref, fg_ref)
    fg_tgt = jnp.where(use_fb, fb_tgt, fg_tgt)
    n_fg = jnp.where(use_fb, jnp.int32(1), k)
    return fg_ref, fg_tgt, n_fg


def setup_inputs(seed: int = 0):
    key = jax.random.key(seed)
    k1, k2, k3 = jax.random.split(key, 3)
    n = FEAT_SIZE * FEAT_SIZE
    similarity_map = jax.random.normal(k1, (n, n), dtype=jnp.float32)
    ref_mask = jax.random.randint(k2, (n,), 0, 2).astype(jnp.bool_)
    original_size = jax.random.randint(k3, (2,), 512, 1024)
    return {"similarity_map": similarity_map, "ref_mask": ref_mask, "original_size": original_size}


def reference(similarity_map, ref_mask, original_size):
    N = similarity_map.shape[0]
    fg_ref, fg_tgt, n_fg = bidirectional_match(similarity_map, ref_mask)
    slot = jnp.arange(N, dtype=jnp.int32)
    fg_scores = jnp.where(slot < n_fg, similarity_map[fg_ref, fg_tgt], -jnp.inf)
    nf = jnp.minimum(jnp.int32(NUM_FG), n_fg)
    top_scores, top_pos = jax.lax.top_k(fg_scores, NUM_FG)
    sel_tgt = fg_tgt[top_pos]
    H = original_size[0].astype(jnp.float32)
    W = original_size[1].astype(jnp.float32)
    fx = ((sel_tgt % FEAT_SIZE).astype(jnp.float32) + 0.5) / FEAT_SIZE * W
    fy = ((sel_tgt // FEAT_SIZE).astype(jnp.float32) + 0.5) / FEAT_SIZE * H
    fg_valid = jnp.arange(NUM_FG, dtype=jnp.int32) < nf
    fg_points = jnp.stack([fx, fy, top_scores], axis=1)
    fg_points = jnp.where(fg_valid[:, None], fg_points, jnp.float32(0.0))
    fg_labels = jnp.where(fg_valid, jnp.int32(1), jnp.int32(-1))
    # background: lowest average similarity to masked ref features
    num_ref_f = jnp.sum(ref_mask).astype(jnp.float32)
    avg_sim = jnp.sum(jnp.where(ref_mask[:, None], similarity_map, jnp.float32(0.0)), axis=0) / num_ref_f
    neg_scores, bg_idx = jax.lax.top_k(-avg_sim, NUM_BG)
    bg_scores = -neg_scores
    bx = ((bg_idx % FEAT_SIZE).astype(jnp.float32) + 0.5) / FEAT_SIZE * W
    by = ((bg_idx // FEAT_SIZE).astype(jnp.float32) + 0.5) / FEAT_SIZE * H
    bg_points = jnp.stack([bx, by, bg_scores], axis=1)
    bg_labels = jnp.zeros((NUM_BG,), dtype=jnp.int32)
    points = jnp.concatenate([fg_points, bg_points], axis=0)
    labels = jnp.concatenate([fg_labels, bg_labels], axis=0)
    return points, labels

if __name__ == "__main__":
    import jax
    _d = setup_inputs()
    print(jax.jit(kernel)(*tuple(_d.values())))

</pallas_src>

<mosaic_0001>
#map = affine_map<(d0, d1) -> (0, 0)>
#map1 = affine_map<(d0, d1) -> (0)>
module attributes {stable_mosaic.version = 14 : i64} {
  func.func @run(%arg0: i32, %arg1: i32, %arg2: memref<1024x1024xf32, #tpu.memory_space<hbm>>, %arg3: memref<1024x1024xf32, #tpu.memory_space<hbm>>, %arg4: memref<1024xf32, #tpu.memory_space<hbm>>, %arg5: memref<1024xi32, #tpu.memory_space<hbm>>, %arg6: memref<1024xf32, #tpu.memory_space<hbm>>, %arg7: memref<1024xi32, #tpu.memory_space<hbm>>, %arg8: memref<1024xf32, #tpu.memory_space<hbm>>, %arg9: memref<1024xi32, #tpu.memory_space<hbm>>, %arg10: memref<16xi32, #tpu.memory_space<hbm>>, %arg11: memref<16xf32, #tpu.memory_space<hbm>>, %arg12: memref<48xf32, #tpu.memory_space<hbm>>, %arg13: memref<48xf32, #tpu.memory_space<hbm>>, %arg14: memref<48xf32, #tpu.memory_space<hbm>>, %arg15: memref<48xi32, #tpu.memory_space<hbm>>, %arg16: memref<1024xf32, #tpu.memory_space<vmem>>, %arg17: memref<1024xi32, #tpu.memory_space<vmem>>, %arg18: memref<1024xf32, #tpu.memory_space<vmem>>, %arg19: memref<64xf32, #tpu.memory_space<vmem>>, %arg20: memref<1024xf32, #tpu.memory_space<vmem>>, %arg21: memref<1024xi32, #tpu.memory_space<vmem>>, %arg22: memref<1024xf32, #tpu.memory_space<vmem>>, %arg23: memref<1024xf32, #tpu.memory_space<vmem>>, %arg24: memref<1024xi32, #tpu.memory_space<vmem>>, %arg25: memref<1024xi32, #tpu.memory_space<vmem>>, %arg26: memref<1024xi32, #tpu.memory_space<vmem>>, %arg27: memref<1024xf32, #tpu.memory_space<vmem>>, %arg28: memref<1024xi32, #tpu.memory_space<vmem>>, %arg29: memref<1024xf32, #tpu.memory_space<vmem>>, %arg30: memref<1024xi32, #tpu.memory_space<vmem>>, %arg31: memref<1024xf32, #tpu.memory_space<vmem>>, %arg32: memref<1024xi32, #tpu.memory_space<vmem>>, %arg33: memref<16xi32, #tpu.memory_space<vmem>>, %arg34: memref<16xf32, #tpu.memory_space<vmem>>, %arg35: memref<48xf32, #tpu.memory_space<vmem>>, %arg36: memref<48xf32, #tpu.memory_space<vmem>>, %arg37: memref<48xf32, #tpu.memory_space<vmem>>, %arg38: memref<48xi32, #tpu.memory_space<vmem>>, %arg39: memref<!tpu.dma_semaphore, #tpu.memory_space<semaphore_mem>>) attributes {dimension_semantics = [#tpu.dimension_semantics<core_parallel>, #tpu.dimension_semantics<subcore_parallel>], iteration_bounds = array<i64: 2, 16>, scalar_prefetch = 0 : i64, scratch_operands = 24 : i64, tpu.core_type = #tpu.core_type<sc_vector_subcore>, window_params = [{transform_indices = #map}, {transform_indices = #map}, {transform_indices = #map1}, {transform_indices = #map1}, {transform_indices = #map1}, {transform_indices = #map1}, {transform_indices = #map1}, {transform_indices = #map1}, {transform_indices = #map1}, {transform_indices = #map1}, {transform_indices = #map1}, {transform_indices = #map1}, {transform_indices = #map1}, {transform_indices = #map1}]} {
    %eq3A = arith.constant 0 : i32
    %eq3A_0 = arith.cmpi eq, %arg0, %eq3A : i32
    %eq3A_1 = arith.constant 0 : i32
    %eq3A_2 = arith.cmpi eq, %arg1, %eq3A_1 : i32
    %and3A = arith.andi %eq3A_0, %eq3A_2 : i1
    %convert_element_type3A = arith.extui %and3A : i1 to i32
    %cond3A = arith.constant 0 : i32
    %cond3A_3 = arith.cmpi ne, %convert_element_type3A, %cond3A : i32
    scf.if %cond3A_3 {
      %iota3A = tpu.iota {dimensions = array<i32: 0>} : vector<16xi32>
      tpu.enqueue_dma source(%arg4 : memref<1024xf32, #tpu.memory_space<hbm>>) target(%arg16 : memref<1024xf32, #tpu.memory_space<vmem>>) target_semaphore(%arg39 : memref<!tpu.dma_semaphore, #tpu.memory_space<semaphore_mem>>)
      tpu.wait_dma2 semaphore(%arg39 : memref<!tpu.dma_semaphore, #tpu.memory_space<semaphore_mem>>) src(%arg4 : memref<1024xf32, #tpu.memory_space<hbm>>) dst(%arg16 : memref<1024xf32, #tpu.memory_space<vmem>>)
      tpu.enqueue_dma source(%arg5 : memref<1024xi32, #tpu.memory_space<hbm>>) target(%arg17 : memref<1024xi32, #tpu.memory_space<vmem>>) target_semaphore(%arg39 : memref<!tpu.dma_semaphore, #tpu.memory_space<semaphore_mem>>)
      tpu.wait_dma2 semaphore(%arg39 : memref<!tpu.dma_semaphore, #tpu.memory_space<semaphore_mem>>) src(%arg5 : memref<1024xi32, #tpu.memory_space<hbm>>) dst(%arg17 : memref<1024xi32, #tpu.memory_space<vmem>>)
      tpu.enqueue_dma source(%arg6 : memref<1024xf32, #tpu.memory_space<hbm>>) target(%arg29 : memref<1024xf32, #tpu.memory_space<vmem>>) target_semaphore(%arg39 : memref<!tpu.dma_semaphore, #tpu.memory_space<semaphore_mem>>)
      tpu.wait_dma2 semaphore(%arg39 : memref<!tpu.dma_semaphore, #tpu.memory_space<semaphore_mem>>) src(%arg6 : memref<1024xf32, #tpu.memory_space<hbm>>) dst(%arg29 : memref<1024xf32, #tpu.memory_space<vmem>>)
      tpu.enqueue_dma source(%arg7 : memref<1024xi32, #tpu.memory_space<hbm>>) target(%arg30 : memref<1024xi32, #tpu.memory_space<vmem>>) target_semaphore(%arg39 : memref<!tpu.dma_semaphore, #tpu.memory_space<semaphore_mem>>)
      tpu.wait_dma2 semaphore(%arg39 : memref<!tpu.dma_semaphore, #tpu.memory_space<semaphore_mem>>) src(%arg7 : memref<1024xi32, #tpu.memory_space<hbm>>) dst(%arg30 : memref<1024xi32, #tpu.memory_space<vmem>>)
      tpu.enqueue_dma source(%arg8 : memref<1024xf32, #tpu.memory_space<hbm>>) target(%arg31 : memref<1024xf32, #tpu.memory_space<vmem>>) target_semaphore(%arg39 : memref<!tpu.dma_semaphore, #tpu.memory_space<semaphore_mem>>)
      tpu.wait_dma2 semaphore(%arg39 : memref<!tpu.dma_semaphore, #tpu.memory_space<semaphore_mem>>) src(%arg8 : memref<1024xf32, #tpu.memory_space<hbm>>) dst(%arg31 : memref<1024xf32, #tpu.memory_space<vmem>>)
      tpu.enqueue_dma source(%arg9 : memref<1024xi32, #tpu.memory_space<hbm>>) target(%arg32 : memref<1024xi32, #tpu.memory_space<vmem>>) target_semaphore(%arg39 : memref<!tpu.dma_semaphore, #tpu.memory_space<semaphore_mem>>)
      tpu.wait_dma2 semaphore(%arg39 : memref<!tpu.dma_semaphore, #tpu.memory_space<semaphore_mem>>) src(%arg9 : memref<1024xi32, #tpu.memory_space<hbm>>) dst(%arg32 : memref<1024xi32, #tpu.memory_space<vmem>>)
      tpu.enqueue_dma source(%arg10 : memref<16xi32, #tpu.memory_space<hbm>>) target(%arg33 : memref<16xi32, #tpu.memory_space<vmem>>) target_semaphore(%arg39 : memref<!tpu.dma_semaphore, #tpu.memory_space<semaphore_mem>>)
      tpu.wait_dma2 semaphore(%arg39 : memref<!tpu.dma_semaphore, #tpu.memory_space<semaphore_mem>>) src(%arg10 : memref<16xi32, #tpu.memory_space<hbm>>) dst(%arg33 : memref<16xi32, #tpu.memory_space<vmem>>)
      tpu.enqueue_dma source(%arg11 : memref<16xf32, #tpu.memory_space<hbm>>) target(%arg34 : memref<16xf32, #tpu.memory_space<vmem>>) target_semaphore(%arg39 : memref<!tpu.dma_semaphore, #tpu.memory_space<semaphore_mem>>)
      tpu.wait_dma2 semaphore(%arg39 : memref<!tpu.dma_semaphore, #tpu.memory_space<semaphore_mem>>) src(%arg11 : memref<16xf32, #tpu.memory_space<hbm>>) dst(%arg34 : memref<16xf32, #tpu.memory_space<vmem>>)
      %scan3A = arith.constant 0 : i32
      %scan3A_4 = arith.constant 0 : i32
      %scan3A_5 = arith.constant 64 : i32
      %scan3A_6 = arith.addi %scan3A_4, %scan3A_5 : i32
      %scan3A_7 = arith.constant 1 : i32
      %scan3A_8 = scf.for %scan3A_346 = %scan3A_4 to %scan3A_6 step %scan3A_7 iter_args(%scan3A_347 = %scan3A) -> (i32)  : i32 {
        %broadcast_in_dim3A_348 = arith.constant 0.000000e+00 : f32
        %broadcast_in_dim3A_349 = vector.broadcast %broadcast_in_dim3A_348 : f32 to vector<16xf32>
        %mul3A_350 = arith.constant 16 : i32
        %mul3A_351 = arith.muli %scan3A_346, %mul3A_350 : i32
        %swap3A = arith.index_cast %mul3A_351 : i32 to index
        %swap3A_352 = tpu.vector_load %arg18[%swap3A] {strides = array<i32>} : memref<1024xf32, #tpu.memory_space<vmem>>, vector<16xf32>,
        tpu.vector_store %arg18[%swap3A], %broadcast_in_dim3A_349 {strides = array<i32>} : memref<1024xf32, #tpu.memory_space<vmem>>, vector<16xf32>,
        %scan3A_353 = arith.constant 0 : i32
        scf.yield %scan3A_353 : i32
      }
      %scan3A_9 = arith.constant 64 : i32
      %scan3A_10 = arith.constant 0 : i32
      %scan3A_11 = arith.constant 0 : i32
      %scan3A_12 = arith.constant 64 : i32
      %scan3A_13 = arith.addi %scan3A_11, %scan3A_12 : i32
      %scan3A_14 = arith.constant 1 : i32
      %scan3A_15 = scf.for %scan3A_346 = %scan3A_11 to %scan3A_13 step %scan3A_14 iter_args(%scan3A_347 = %scan3A_10) -> (i32)  : i32 {
        %broadcast_in_dim3A_348 = arith.constant 0xFF800000 : f32
        %broadcast_in_dim3A_349 = vector.broadcast %broadcast_in_dim3A_348 : f32 to vector<16xf32>
        %mul3A_350 = arith.constant 16 : i32
        %mul3A_351 = arith.muli %scan3A_346, %mul3A_350 : i32
        %swap3A = arith.index_cast %mul3A_351 : i32 to index
        %swap3A_352 = tpu.vector_load %arg23[%swap3A] {strides = array<i32>} : memref<1024xf32, #tpu.memory_space<vmem>>, vector<16xf32>,
        tpu.vector_store %arg23[%swap3A], %broadcast_in_dim3A_349 {strides = array<i32>} : memref<1024xf32, #tpu.memory_space<vmem>>, vector<16xf32>,
        %scan3A_353 = arith.constant 0 : i32
        scf.yield %scan3A_353 : i32
      }
      %scan3A_16 = arith.constant 64 : i32
      %scan3A_17 = arith.constant 0 : i32
      %scan3A_18 = arith.constant 0 : i32
      %scan3A_19 = arith.constant 64 : i32
      %scan3A_20 = arith.addi %scan3A_18, %scan3A_19 : i32
      %scan3A_21 = arith.constant 1 : i32
      %scan3A_22 = scf.for %scan3A_346 = %scan3A_18 to %scan3A_20 step %scan3A_21 iter_args(%scan3A_347 = %scan3A_17) -> (i32)  : i32 {
        %broadcast_in_dim3A_348 = arith.constant 0 : i32
        %broadcast_in_dim3A_349 = vector.broadcast %broadcast_in_dim3A_348 : i32 to vector<16xi32>
        %mul3A_350 = arith.constant 16 : i32
        %mul3A_351 = arith.muli %scan3A_346, %mul3A_350 : i32
        %swap3A = arith.index_cast %mul3A_351 : i32 to index
        %swap3A_352 = tpu.vector_load %arg24[%swap3A] {strides = array<i32>} : memref<1024xi32, #tpu.memory_space<vmem>>, vector<16xi32>,
        tpu.vector_store %arg24[%swap3A], %broadcast_in_dim3A_349 {strides = array<i32>} : memref<1024xi32, #tpu.memory_space<vmem>>, vector<16xi32>,
        %scan3A_353 = arith.constant 0 : i32
        scf.yield %scan3A_353 : i32
      }
      %scan3A_23 = arith.constant 64 : i32
      %scan3A_24 = arith.constant 0 : i32
      %scan3A_25 = arith.constant 0 : i32
      %scan3A_26 = arith.constant 64 : i32
      %scan3A_27 = arith.addi %scan3A_25, %scan3A_26 : i32
      %scan3A_28 = arith.constant 1 : i32
      %scan3A_29 = scf.for %scan3A_346 = %scan3A_25 to %scan3A_27 step %scan3A_28 iter_args(%scan3A_347 = %scan3A_24) -> (i32)  : i32 {
        %broadcast_in_dim3A_348 = arith.constant 0 : i32
        %broadcast_in_dim3A_349 = vector.broadcast %broadcast_in_dim3A_348 : i32 to vector<16xi32>
        %mul3A_350 = arith.constant 16 : i32
        %mul3A_351 = arith.muli %scan3A_346, %mul3A_350 : i32
        %swap3A = arith.index_cast %mul3A_351 : i32 to index
        %swap3A_352 = tpu.vector_load %arg25[%swap3A] {strides = array<i32>} : memref<1024xi32, #tpu.memory_space<vmem>>, vector<16xi32>,
        tpu.vector_store %arg25[%swap3A], %broadcast_in_dim3A_349 {strides = array<i32>} : memref<1024xi32, #tpu.memory_space<vmem>>, vector<16xi32>,
        %scan3A_353 = arith.constant 0 : i32
        scf.yield %scan3A_353 : i32
      }
      %scan3A_30 = arith.constant 64 : i32
      %scan3A_31 = arith.constant 0 : i32
      %scan3A_32 = arith.constant 0 : i32
      %scan3A_33 = arith.constant 64 : i32
      %scan3A_34 = arith.addi %scan3A_32, %scan3A_33 : i32
      %scan3A_35 = arith.constant 1 : i32
      %scan3A_36 = scf.for %scan3A_346 = %scan3A_32 to %scan3A_34 step %scan3A_35 iter_args(%scan3A_347 = %scan3A_31) -> (i32)  : i32 {
        %broadcast_in_dim3A_348 = arith.constant 0 : i32
        %broadcast_in_dim3A_349 = vector.broadcast %broadcast_in_dim3A_348 : i32 to vector<16xi32>
        %mul3A_350 = arith.constant 16 : i32
        %mul3A_351 = arith.muli %scan3A_346, %mul3A_350 : i32
        %swap3A = arith.index_cast %mul3A_351 : i32 to index
        %swap3A_352 = tpu.vector_load %arg26[%swap3A] {strides = array<i32>} : memref<1024xi32, #tpu.memory_space<vmem>>, vector<16xi32>,
        tpu.vector_store %arg26[%swap3A], %broadcast_in_dim3A_349 {strides = array<i32>} : memref<1024xi32, #tpu.memory_space<vmem>>, vector<16xi32>,
        %scan3A_353 = arith.constant 0 : i32
        scf.yield %scan3A_353 : i32
      }
      %scan3A_37 = arith.constant 64 : i32
      %scan3A_38 = arith.constant 0 : i32
      %scan3A_39 = arith.constant 0 : i32
      %scan3A_40 = arith.constant 64 : i32
      %scan3A_41 = arith.addi %scan3A_39, %scan3A_40 : i32
      %scan3A_42 = arith.constant 1 : i32
      %scan3A_43 = scf.for %scan3A_346 = %scan3A_39 to %scan3A_41 step %scan3A_42 iter_args(%scan3A_347 = %scan3A_38) -> (i32)  : i32 {
        %broadcast_in_dim3A_348 = arith.constant 0xFF800000 : f32
        %broadcast_in_dim3A_349 = vector.broadcast %broadcast_in_dim3A_348 : f32 to vector<16xf32>
        %mul3A_350 = arith.constant 16 : i32
        %mul3A_351 = arith.muli %scan3A_346, %mul3A_350 : i32
        %swap3A = arith.index_cast %mul3A_351 : i32 to index
        %swap3A_352 = tpu.vector_load %arg27[%swap3A] {strides = array<i32>} : memref<1024xf32, #tpu.memory_space<vmem>>, vector<16xf32>,
        tpu.vector_store %arg27[%swap3A], %broadcast_in_dim3A_349 {strides = array<i32>} : memref<1024xf32, #tpu.memory_space<vmem>>, vector<16xf32>,
        %scan3A_353 = arith.constant 0 : i32
        scf.yield %scan3A_353 : i32
      }
      %scan3A_44 = arith.constant 64 : i32
      %scan3A_45 = arith.constant 0 : i32
      %scan3A_46 = arith.constant 0 : i32
      %scan3A_47 = arith.constant 64 : i32
      %scan3A_48 = arith.addi %scan3A_46, %scan3A_47 : i32
      %scan3A_49 = arith.constant 1 : i32
      %scan3A_50 = scf.for %scan3A_346 = %scan3A_46 to %scan3A_48 step %scan3A_49 iter_args(%scan3A_347 = %scan3A_45) -> (i32)  : i32 {
        %broadcast_in_dim3A_348 = arith.constant 0 : i32
        %broadcast_in_dim3A_349 = vector.broadcast %broadcast_in_dim3A_348 : i32 to vector<16xi32>
        %mul3A_350 = arith.constant 16 : i32
        %mul3A_351 = arith.muli %scan3A_346, %mul3A_350 : i32
        %swap3A = arith.index_cast %mul3A_351 : i32 to index
        %swap3A_352 = tpu.vector_load %arg28[%swap3A] {strides = array<i32>} : memref<1024xi32, #tpu.memory_space<vmem>>, vector<16xi32>,
        tpu.vector_store %arg28[%swap3A], %broadcast_in_dim3A_349 {strides = array<i32>} : memref<1024xi32, #tpu.memory_space<vmem>>, vector<16xi32>,
        %scan3A_353 = arith.constant 0 : i32
        scf.yield %scan3A_353 : i32
      }
      %scan3A_51 = arith.constant 64 : i32
      %scan3A_52 = arith.constant 0 : i32
      %scan3A_53 = arith.constant 0 : i32
      %scan3A_54 = arith.constant 3 : i32
      %scan3A_55 = arith.addi %scan3A_53, %scan3A_54 : i32
      %scan3A_56 = arith.constant 1 : i32
      %scan3A_57 = scf.for %scan3A_346 = %scan3A_53 to %scan3A_55 step %scan3A_56 iter_args(%scan3A_347 = %scan3A_52) -> (i32)  : i32 {
        %broadcast_in_dim3A_348 = arith.constant 0.000000e+00 : f32
        %broadcast_in_dim3A_349 = vector.broadcast %broadcast_in_dim3A_348 : f32 to vector<16xf32>
        %mul3A_350 = arith.constant 16 : i32
        %mul3A_351 = arith.muli %scan3A_346, %mul3A_350 : i32
        %swap3A = arith.index_cast %mul3A_351 : i32 to index
        %swap3A_352 = tpu.vector_load %arg35[%swap3A] {strides = array<i32>} : memref<48xf32, #tpu.memory_space<vmem>>, vector<16xf32>,
        tpu.vector_store %arg35[%swap3A], %broadcast_in_dim3A_349 {strides = array<i32>} : memref<48xf32, #tpu.memory_space<vmem>>, vector<16xf32>,
        %scan3A_353 = arith.constant 0 : i32
        scf.yield %scan3A_353 : i32
      }
      %scan3A_58 = arith.constant 3 : i32
      %scan3A_59 = arith.constant 0 : i32
      %scan3A_60 = arith.constant 0 : i32
      %scan3A_61 = arith.constant 3 : i32
      %scan3A_62 = arith.addi %scan3A_60, %scan3A_61 : i32
      %scan3A_63 = arith.constant 1 : i32
      %scan3A_64 = scf.for %scan3A_346 = %scan3A_60 to %scan3A_62 step %scan3A_63 iter_args(%scan3A_347 = %scan3A_59) -> (i32)  : i32 {
        %broadcast_in_dim3A_348 = arith.constant 0.000000e+00 : f32
        %broadcast_in_dim3A_349 = vector.broadcast %broadcast_in_dim3A_348 : f32 to vector<16xf32>
        %mul3A_350 = arith.constant 16 : i32
        %mul3A_351 = arith.muli %scan3A_346, %mul3A_350 : i32
        %swap3A = arith.index_cast %mul3A_351 : i32 to index
        %swap3A_352 = tpu.vector_load %arg36[%swap3A] {strides = array<i32>} : memref<48xf32, #tpu.memory_space<vmem>>, vector<16xf32>,
        tpu.vector_store %arg36[%swap3A], %broadcast_in_dim3A_349 {strides = array<i32>} : memref<48xf32, #tpu.memory_space<vmem>>, vector<16xf32>,
        %scan3A_353 = arith.constant 0 : i32
        scf.yield %scan3A_353 : i32
      }
      %scan3A_65 = arith.constant 3 : i32
      %scan3A_66 = arith.constant 0 : i32
      %scan3A_67 = arith.constant 0 : i32
      %scan3A_68 = arith.constant 3 : i32
      %scan3A_69 = arith.addi %scan3A_67, %scan3A_68 : i32
      %scan3A_70 = arith.constant 1 : i32
      %scan3A_71 = scf.for %scan3A_346 = %scan3A_67 to %scan3A_69 step %scan3A_70 iter_args(%scan3A_347 = %scan3A_66) -> (i32)  : i32 {
        %broadcast_in_dim3A_348 = arith.constant 0.000000e+00 : f32
        %broadcast_in_dim3A_349 = vector.broadcast %broadcast_in_dim3A_348 : f32 to vector<16xf32>
        %mul3A_350 = arith.constant 16 : i32
        %mul3A_351 = arith.muli %scan3A_346, %mul3A_350 : i32
        %swap3A = arith.index_cast %mul3A_351 : i32 to index
        %swap3A_352 = tpu.vector_load %arg37[%swap3A] {strides = array<i32>} : memref<48xf32, #tpu.memory_space<vmem>>, vector<16xf32>,
        tpu.vector_store %arg37[%swap3A], %broadcast_in_dim3A_349 {strides = array<i32>} : memref<48xf32, #tpu.memory_space<vmem>>, vector<16xf32>,
        %scan3A_353 = arith.constant 0 : i32
        scf.yield %scan3A_353 : i32
      }
      %scan3A_72 = arith.constant 3 : i32
      %scan3A_73 = arith.constant 0 : i32
      %scan3A_74 = arith.constant 0 : i32
      %scan3A_75 = arith.constant 3 : i32
      %scan3A_76 = arith.addi %scan3A_74, %scan3A_75 : i32
      %scan3A_77 = arith.constant 1 : i32
      %scan3A_78 = scf.for %scan3A_346 = %scan3A_74 to %scan3A_76 step %scan3A_77 iter_args(%scan3A_347 = %scan3A_73) -> (i32)  : i32 {
        %broadcast_in_dim3A_348 = arith.constant 0 : i32
        %broadcast_in_dim3A_349 = vector.broadcast %broadcast_in_dim3A_348 : i32 to vector<16xi32>
        %mul3A_350 = arith.constant 16 : i32
        %mul3A_351 = arith.muli %scan3A_346, %mul3A_350 : i32
        %swap3A = arith.index_cast %mul3A_351 : i32 to index
        %swap3A_352 = tpu.vector_load %arg38[%swap3A] {strides = array<i32>} : memref<48xi32, #tpu.memory_space<vmem>>, vector<16xi32>,
        tpu.vector_store %arg38[%swap3A], %broadcast_in_dim3A_349 {strides = array<i32>} : memref<48xi32, #tpu.memory_space<vmem>>, vector<16xi32>,
        %scan3A_353 = arith.constant 0 : i32
        scf.yield %scan3A_353 : i32
      }
      %scan3A_79 = arith.constant 3 : i32
      %scan3A_80 = arith.constant 0.000000e+00 : f32
      %scan3A_81 = arith.constant 0 : i32
      %scan3A_82 = arith.constant 64 : i32
      %scan3A_83 = arith.addi %scan3A_81, %scan3A_82 : i32
      %scan3A_84 = arith.constant 1 : i32
      %scan3A_85 = scf.for %scan3A_346 = %scan3A_81 to %scan3A_83 step %scan3A_84 iter_args(%scan3A_347 = %scan3A_80) -> (f32)  : i32 {
        %mul3A_348 = arith.constant 16 : i32
        %mul3A_349 = arith.muli %scan3A_346, %mul3A_348 : i32
        %get3A_350 = arith.index_cast %mul3A_349 : i32 to index
        %get3A_351 = tpu.vector_load %arg32[%get3A_350] {strides = array<i32>} : memref<1024xi32, #tpu.memory_space<vmem>>, vector<16xi32>,
        %convert_element_type3A_352 = arith.sitofp %get3A_351 : vector<16xi32> to vector<16xf32>
        %mul3A_353 = arith.constant 16 : i32
        %mul3A_354 = arith.muli %scan3A_346, %mul3A_353 : i32
        %iota3A_355 = tpu.iota {dimensions = array<i32: 0>} : vector<16xi32>
        %add3A_356 = vector.broadcast %mul3A_354 : i32 to vector<16xi32>
        %add3A_357 = arith.addi %add3A_356, %iota3A_355 : vector<16xi32>
        %gather3A = tpu.vector_load_idx %arg16[%add3A_357] : memref<1024xf32, #tpu.memory_space<vmem>>[vector<16xi32>], vector<16xf32>,
        %reduce_max3A_358 = arith.constant true
        %reduce_max3A_359 = vector.broadcast %reduce_max3A_358 : i1 to vector<16xi1>
        %reduce_max3A_360 = tpu.scan <max>, %gather3A masked %reduce_max3A_359 : vector<16xf32>, vector<16xi1> -> vector<16xf32>
        %reduce_max3A_361 = vector.extract %reduce_max3A_360[15] : f32 from vector<16xf32>
        %broadcast_in_dim3A_362 = vector.broadcast %scan3A_346 : i32 to vector<16xi32>
        %broadcast_in_dim3A_363 = vector.broadcast %reduce_max3A_361 : f32 to vector<16xf32>
        %iota3A_364 = tpu.iota {dimensions = array<i32: 0>} : vector<16xi32>
        %eq3A_365 = arith.constant 0 : i32
        %eq3A_366 = vector.broadcast %eq3A_365 : i32 to vector<16xi32>
        %eq3A_367 = arith.cmpi eq, %iota3A_364, %eq3A_366 : vector<16xi32>
        tpu.vector_store_idx %arg19[%broadcast_in_dim3A_362], %broadcast_in_dim3A_363 masked %eq3A_367 : memref<64xf32, #tpu.memory_space<vmem>>[vector<16xi32>], vector<16xf32>, vector<16xi1>
        %reduce_sum3A = arith.constant true
        %reduce_sum3A_368 = vector.broadcast %reduce_sum3A : i1 to vector<16xi1>
        %reduce_sum3A_369 = tpu.scan <sum>, %convert_element_type3A_352 masked %reduce_sum3A_368 : vector<16xf32>, vector<16xi1> -> vector<16xf32>
        %reduce_sum3A_370 = vector.extract %reduce_sum3A_369[15] : f32 from vector<16xf32>
        %add3A_371 = arith.addf %scan3A_347, %reduce_sum3A_370 : f32
        scf.yield %add3A_371 : f32
      }
      %scan3A_86 = arith.constant 64 : i32
      %convert_element_type3A_87 = arith.fptosi %scan3A_85 : f32 to i32
      %while3A = arith.constant 0 : i32
      %while3A_88 = arith.constant 0 : i32
      %while3A_89 = arith.subi %convert_element_type3A_87, %while3A : i32
      %while3A_90 = arith.addi %while3A, %while3A_89 : i32
      %while3A_91 = arith.constant 1 : i32
      %while3A_92 = arith.divsi %while3A_89, %while3A_91 : i32
      %while3A_93 = arith.muli %while3A_92, %while3A_91 : i32
      %while3A_94 = arith.addi %while3A, %while3A_93 : i32
      %while3A_95 = arith.constant 1 : i32
      %while3A_96 = scf.for %while3A_346 = %while3A to %while3A_94 step %while3A_95 iter_args(%while3A_347 = %while3A_88) -> (i32)  : i32 {
        %iota3A_348 = tpu.iota {dimensions = array<i32: 0>} : vector<16xi32>
        %get3A_349 = arith.constant 0 : index
        %get3A_350 = tpu.vector_load %arg19[%get3A_349] {strides = array<i32>} : memref<64xf32, #tpu.memory_space<vmem>>, vector<16xf32>,
        %get3A_351 = arith.constant 16 : index
        %get3A_352 = tpu.vector_load %arg19[%get3A_351] {strides = array<i32>} : memref<64xf32, #tpu.memory_space<vmem>>, vector<16xf32>,
        %gt3A = arith.cmpf ogt, %get3A_352, %get3A_350 : vector<16xf32>
        %select_n3A_353 = arith.select %gt3A, %get3A_352, %get3A_350 : vector<16xi1>, vector<16xf32>
        %add3A_354 = arith.constant 16 : i32
        %add3A_355 = vector.broadcast %add3A_354 : i32 to vector<16xi32>
        %add3A_356 = arith.addi %iota3A_348, %add3A_355 : vector<16xi32>
        %select_n3A_357 = arith.select %gt3A, %add3A_356, %iota3A_348 : vector<16xi1>, vector<16xi32>
        %get3A_358 = arith.constant 32 : index
        %get3A_359 = tpu.vector_load %arg19[%get3A_358] {strides = array<i32>} : memref<64xf32, #tpu.memory_space<vmem>>, vector<16xf32>,
        %gt3A_360 = arith.cmpf ogt, %get3A_359, %select_n3A_353 : vector<16xf32>
        %select_n3A_361 = arith.select %gt3A_360, %get3A_359, %select_n3A_353 : vector<16xi1>, vector<16xf32>
        %add3A_362 = arith.constant 32 : i32
        %add3A_363 = vector.broadcast %add3A_362 : i32 to vector<16xi32>
        %add3A_364 = arith.addi %iota3A_348, %add3A_363 : vector<16xi32>
        %select_n3A_365 = arith.select %gt3A_360, %add3A_364, %select_n3A_357 : vector<16xi1>, vector<16xi32>
        %get3A_366 = arith.constant 48 : index
        %get3A_367 = tpu.vector_load %arg19[%get3A_366] {strides = array<i32>} : memref<64xf32, #tpu.memory_space<vmem>>, vector<16xf32>,
        %gt3A_368 = arith.cmpf ogt, %get3A_367, %select_n3A_361 : vector<16xf32>
        %select_n3A_369 = arith.select %gt3A_368, %get3A_367, %select_n3A_361 : vector<16xi1>, vector<16xf32>
        %add3A_370 = arith.constant 48 : i32
        %add3A_371 = vector.broadcast %add3A_370 : i32 to vector<16xi32>
        %add3A_372 = arith.addi %iota3A_348, %add3A_371 : vector<16xi32>
        %select_n3A_373 = arith.select %gt3A_368, %add3A_372, %select_n3A_365 : vector<16xi1>, vector<16xi32>
        %reduce_max3A_374 = arith.constant true
        %reduce_max3A_375 = vector.broadcast %reduce_max3A_374 : i1 to vector<16xi1>
        %reduce_max3A_376 = tpu.scan <max>, %select_n3A_369 masked %reduce_max3A_375 : vector<16xf32>, vector<16xi1> -> vector<16xf32>
        %reduce_max3A_377 = vector.extract %reduce_max3A_376[15] : f32 from vector<16xf32>
        %eq3A_378 = vector.broadcast %reduce_max3A_377 : f32 to vector<16xf32>
        %eq3A_379 = arith.cmpf oeq, %select_n3A_369, %eq3A_378 : vector<16xf32>
        %jit3A_380 = arith.constant 1073741824 : i32
        %broadcast_in_dim3A_381 = vector.broadcast %jit3A_380 : i32 to vector<16xi32>
        %select_n3A_382 = arith.select %eq3A_379, %select_n3A_373, %broadcast_in_dim3A_381 : vector<16xi1>, vector<16xi32>
        %reduce_min3A_383 = arith.constant true
        %reduce_min3A_384 = vector.broadcast %reduce_min3A_383 : i1 to vector<16xi1>
        %reduce_min3A_385 = arith.constant -2147483648 : i32
        %reduce_min3A_386 = vector.broadcast %reduce_min3A_385 : i32 to vector<16xi32>
        %reduce_min3A_387 = arith.xori %select_n3A_382, %reduce_min3A_386 : vector<16xi32>
        %reduce_min3A_388 = tpu.scan <min>, %reduce_min3A_387 masked %reduce_min3A_384 : vector<16xi32>, vector<16xi1> -> vector<16xi32>
        %reduce_min3A_389 = arith.xori %reduce_min3A_388, %reduce_min3A_386 : vector<16xi32>
        %reduce_min3A_390 = vector.extract %reduce_min3A_389[15] : i32 from vector<16xi32>
        %mul3A_391 = arith.constant 16 : i32
        %mul3A_392 = arith.muli %reduce_min3A_390, %mul3A_391 : i32
        %add3A_393 = vector.broadcast %mul3A_392 : i32 to vector<16xi32>
        %add3A_394 = arith.addi %add3A_393, %iota3A_348 : vector<16xi32>
        %gather3A = tpu.vector_load_idx %arg16[%add3A_394] : memref<1024xf32, #tpu.memory_space<vmem>>[vector<16xi32>], vector<16xf32>,
        %mul3A_395 = arith.constant 16 : i32
        %mul3A_396 = arith.muli %reduce_min3A_390, %mul3A_395 : i32
        %eq3A_397 = vector.broadcast %reduce_max3A_377 : f32 to vector<16xf32>
        %eq3A_398 = arith.cmpf oeq, %gather3A, %eq3A_397 : vector<16xf32>
        %jit3A_399 = arith.constant 1073741824 : i32
        %broadcast_in_dim3A_400 = vector.broadcast %jit3A_399 : i32 to vector<16xi32>
        %select_n3A_401 = arith.select %eq3A_398, %iota3A_348, %broadcast_in_dim3A_400 : vector<16xi1>, vector<16xi32>
        %reduce_min3A_402 = arith.constant true
        %reduce_min3A_403 = vector.broadcast %reduce_min3A_402 : i1 to vector<16xi1>
        %reduce_min3A_404 = arith.constant -2147483648 : i32
        %reduce_min3A_405 = vector.broadcast %reduce_min3A_404 : i32 to vector<16xi32>
        %reduce_min3A_406 = arith.xori %select_n3A_401, %reduce_min3A_405 : vector<16xi32>
        %reduce_min3A_407 = tpu.scan <min>, %reduce_min3A_406 masked %reduce_min3A_403 : vector<16xi32>, vector<16xi1> -> vector<16xi32>
        %reduce_min3A_408 = arith.xori %reduce_min3A_407, %reduce_min3A_405 : vector<16xi32>
        %reduce_min3A_409 = vector.extract %reduce_min3A_408[15] : i32 from vector<16xi32>
        %add3A_410 = arith.addi %mul3A_396, %reduce_min3A_409 : i32
        %broadcast_in_dim3A_411 = vector.broadcast %add3A_410 : i32 to vector<16xi32>
        %gather3A_412 = tpu.vector_load_idx %arg17[%broadcast_in_dim3A_411] : memref<1024xi32, #tpu.memory_space<vmem>>[vector<16xi32>], vector<16xi32>,
        %reduce_max3A_413 = arith.constant true
        %reduce_max3A_414 = vector.broadcast %reduce_max3A_413 : i1 to vector<16xi1>
        %reduce_max3A_415 = arith.constant -2147483648 : i32
        %reduce_max3A_416 = vector.broadcast %reduce_max3A_415 : i32 to vector<16xi32>
        %reduce_max3A_417 = arith.xori %gather3A_412, %reduce_max3A_416 : vector<16xi32>
        %reduce_max3A_418 = tpu.scan <max>, %reduce_max3A_417 masked %reduce_max3A_414 : vector<16xi32>, vector<16xi1> -> vector<16xi32>
        %reduce_max3A_419 = arith.xori %reduce_max3A_418, %reduce_max3A_416 : vector<16xi32>
        %reduce_max3A_420 = vector.extract %reduce_max3A_419[15] : i32 from vector<16xi32>
        %broadcast_in_dim3A_421 = vector.broadcast %reduce_max3A_420 : i32 to vector<16xi32>
        %gather3A_422 = tpu.vector_load_idx %arg18[%broadcast_in_dim3A_421] : memref<1024xf32, #tpu.memory_space<vmem>>[vector<16xi32>], vector<16xf32>,
        %reduce_max3A_423 = arith.constant true
        %reduce_max3A_424 = vector.broadcast %reduce_max3A_423 : i1 to vector<16xi1>
        %reduce_max3A_425 = tpu.scan <max>, %gather3A_422 masked %reduce_max3A_424 : vector<16xf32>, vector<16xi1> -> vector<16xf32>
        %reduce_max3A_426 = vector.extract %reduce_max3A_425[15] : f32 from vector<16xf32>
        %eq3A_427 = arith.constant 0.000000e+00 : f32
        %eq3A_428 = arith.cmpf oeq, %reduce_max3A_426, %eq3A_427 : f32
        %while3A_429:4 = scf.while (%while3A_475 = %add3A_410, %while3A_476 = %reduce_max3A_420, %while3A_477 = %reduce_max3A_377, %while3A_478 = %eq3A_428) : (i32, i32, f32, i1) -> (i32, i32, f32, i1) {
          %not3A = arith.constant true
          %not3A_479 = arith.xori %while3A_478, %not3A : i1
          scf.condition(%not3A_479) %while3A_475, %while3A_476, %while3A_477, %while3A_478 : i32, i32, f32, i1
        } do {
        ^bb0(%while3A_475: i32, %while3A_476: i32, %while3A_477: f32, %while3A_478: i1):
          %dma_start3A = arith.constant 0 : i32
          %dma_start3A_479 = tpu.memref_slice %arg2[%while3A_475, %dma_start3A] : memref<1024x1024xf32, #tpu.memory_space<hbm>> -> memref<1x1024xf32, #tpu.memory_space<hbm>>
          %dma_start3A_480 = tpu.memref_squeeze %dma_start3A_479 : memref<1x1024xf32, #tpu.memory_space<hbm>> -> memref<1024xf32, #tpu.memory_space<hbm>>
          %dma_start3A_481 = arith.constant 0 : i32
          %dma_start3A_482 = tpu.memref_slice %arg2[%while3A_475, %dma_start3A_481] : memref<1024x1024xf32, #tpu.memory_space<hbm>> -> memref<1x1024xf32, #tpu.memory_space<hbm>>
          %dma_start3A_483 = tpu.memref_squeeze %dma_start3A_482 : memref<1x1024xf32, #tpu.memory_space<hbm>> -> memref<1024xf32, #tpu.memory_space<hbm>>
          tpu.enqueue_dma source(%dma_start3A_483 : memref<1024xf32, #tpu.memory_space<hbm>>) target(%arg20 : memref<1024xf32, #tpu.memory_space<vmem>>) target_semaphore(%arg39 : memref<!tpu.dma_semaphore, #tpu.memory_space<semaphore_mem>>)
          %dma_wait3A = arith.constant 0 : i32
          %dma_wait3A_484 = tpu.memref_slice %arg2[%while3A_475, %dma_wait3A] : memref<1024x1024xf32, #tpu.memory_space<hbm>> -> memref<1x1024xf32, #tpu.memory_space<hbm>>
          %dma_wait3A_485 = tpu.memref_squeeze %dma_wait3A_484 : memref<1x1024xf32, #tpu.memory_space<hbm>> -> memref<1024xf32, #tpu.memory_space<hbm>>
          %dma_wait3A_486 = arith.constant 0 : i32
          %dma_wait3A_487 = tpu.memref_slice %arg2[%while3A_475, %dma_wait3A_486] : memref<1024x1024xf32, #tpu.memory_space<hbm>> -> memref<1x1024xf32, #tpu.memory_space<hbm>>
          %dma_wait3A_488 = tpu.memref_squeeze %dma_wait3A_487 : memref<1x1024xf32, #tpu.memory_space<hbm>> -> memref<1024xf32, #tpu.memory_space<hbm>>
          tpu.wait_dma2 semaphore(%arg39 : memref<!tpu.dma_semaphore, #tpu.memory_space<semaphore_mem>>) src(%dma_wait3A_488 : memref<1024xf32, #tpu.memory_space<hbm>>) dst(%arg20 : memref<1024xf32, #tpu.memory_space<vmem>>)
          %iota3A_489 = tpu.iota {dimensions = array<i32: 0>} : vector<16xi32>
          %get3A_490 = arith.constant 0 : index
          %get3A_491 = tpu.vector_load %arg20[%get3A_490] {strides = array<i32>} : memref<1024xf32, #tpu.memory_space<vmem>>, vector<16xf32>,
          %get3A_492 = arith.constant 0 : index
          %get3A_493 = tpu.vector_load %arg18[%get3A_492] {strides = array<i32>} : memref<1024xf32, #tpu.memory_space<vmem>>, vector<16xf32>,
          %add3A_494 = arith.addf %get3A_491, %get3A_493 : vector<16xf32>
          %scan3A_495 = arith.constant 1 : i32
          %scan3A_496 = arith.constant 63 : i32
          %scan3A_497 = arith.addi %scan3A_495, %scan3A_496 : i32
          %scan3A_498 = arith.constant 1 : i32
          %scan3A_499:2 = scf.for %scan3A_631 = %scan3A_495 to %scan3A_497 step %scan3A_498 iter_args(%scan3A_632 = %add3A_494, %scan3A_633 = %iota3A_489) -> (vector<16xf32>, vector<16xi32>)  : i32 {
            %mul3A_634 = arith.constant 16 : i32
            %mul3A_635 = arith.muli %scan3A_631, %mul3A_634 : i32
            %get3A_636 = arith.index_cast %mul3A_635 : i32 to index
            %get3A_637 = tpu.vector_load %arg20[%get3A_636] {strides = array<i32>} : memref<1024xf32, #tpu.memory_space<vmem>>, vector<16xf32>,
            %mul3A_638 = arith.constant 16 : i32
            %mul3A_639 = arith.muli %scan3A_631, %mul3A_638 : i32
            %get3A_640 = arith.index_cast %mul3A_639 : i32 to index
            %get3A_641 = tpu.vector_load %arg18[%get3A_640] {strides = array<i32>} : memref<1024xf32, #tpu.memory_space<vmem>>, vector<16xf32>,
            %add3A_642 = arith.addf %get3A_637, %get3A_641 : vector<16xf32>
            %gt3A_643 = arith.cmpf ogt, %add3A_642, %scan3A_632 : vector<16xf32>
            %select_n3A_644 = arith.select %gt3A_643, %add3A_642, %scan3A_632 : vector<16xi1>, vector<16xf32>
            %mul3A_645 = arith.constant 16 : i32
            %mul3A_646 = arith.muli %scan3A_631, %mul3A_645 : i32
            %add3A_647 = vector.broadcast %mul3A_646 : i32 to vector<16xi32>
            %add3A_648 = arith.addi %iota3A_489, %add3A_647 : vector<16xi32>
            %select_n3A_649 = arith.select %gt3A_643, %add3A_648, %scan3A_633 : vector<16xi1>, vector<16xi32>
            scf.yield %select_n3A_644, %select_n3A_649 : vector<16xf32>, vector<16xi32>
          }
          %scan3A_500 = arith.constant 63 : i32
          %reduce_max3A_501 = arith.constant true
          %reduce_max3A_502 = vector.broadcast %reduce_max3A_501 : i1 to vector<16xi1>
          %reduce_max3A_503 = tpu.scan <max>, %scan3A_499#0 masked %reduce_max3A_502 : vector<16xf32>, vector<16xi1> -> vector<16xf32>
          %reduce_max3A_504 = vector.extract %reduce_max3A_503[15] : f32 from vector<16xf32>
          %eq3A_505 = vector.broadcast %reduce_max3A_504 : f32 to vector<16xf32>
          %eq3A_506 = arith.cmpf oeq, %scan3A_499#0, %eq3A_505 : vector<16xf32>
          %jit3A_507 = arith.constant 1073741824 : i32
          %broadcast_in_dim3A_508 = vector.broadcast %jit3A_507 : i32 to vector<16xi32>
          %select_n3A_509 = arith.select %eq3A_506, %scan3A_499#1, %broadcast_in_dim3A_508 : vector<16xi1>, vector<16xi32>
          %reduce_min3A_510 = arith.constant true
          %reduce_min3A_511 = vector.broadcast %reduce_min3A_510 : i1 to vector<16xi1>
          %reduce_min3A_512 = arith.constant -2147483648 : i32
          %reduce_min3A_513 = vector.broadcast %reduce_min3A_512 : i32 to vector<16xi32>
          %reduce_min3A_514 = arith.xori %select_n3A_509, %reduce_min3A_513 : vector<16xi32>
          %reduce_min3A_515 = tpu.scan <min>, %reduce_min3A_514 masked %reduce_min3A_511 : vector<16xi32>, vector<16xi1> -> vector<16xi32>
          %reduce_min3A_516 = arith.xori %reduce_min3A_515, %reduce_min3A_513 : vector<16xi32>
          %reduce_min3A_517 = vector.extract %reduce_min3A_516[15] : i32 from vector<16xi32>
          %broadcast_in_dim3A_518 = vector.broadcast %while3A_475 : i32 to vector<16xi32>
          %broadcast_in_dim3A_519 = vector.broadcast %reduce_max3A_504 : f32 to vector<16xf32>
          %iota3A_520 = tpu.iota {dimensions = array<i32: 0>} : vector<16xi32>
          %eq3A_521 = arith.constant 0 : i32
          %eq3A_522 = vector.broadcast %eq3A_521 : i32 to vector<16xi32>
          %eq3A_523 = arith.cmpi eq, %iota3A_520, %eq3A_522 : vector<16xi32>
          tpu.vector_store_idx %arg16[%broadcast_in_dim3A_518], %broadcast_in_dim3A_519 masked %eq3A_523 : memref<1024xf32, #tpu.memory_space<vmem>>[vector<16xi32>], vector<16xf32>, vector<16xi1>
          %broadcast_in_dim3A_524 = vector.broadcast %while3A_475 : i32 to vector<16xi32>
          %broadcast_in_dim3A_525 = vector.broadcast %reduce_min3A_517 : i32 to vector<16xi32>
          %iota3A_526 = tpu.iota {dimensions = array<i32: 0>} : vector<16xi32>
          %eq3A_527 = arith.constant 0 : i32
          %eq3A_528 = vector.broadcast %eq3A_527 : i32 to vector<16xi32>
          %eq3A_529 = arith.cmpi eq, %iota3A_526, %eq3A_528 : vector<16xi32>
          tpu.vector_store_idx %arg17[%broadcast_in_dim3A_524], %broadcast_in_dim3A_525 masked %eq3A_529 : memref<1024xi32, #tpu.memory_space<vmem>>[vector<16xi32>], vector<16xi32>, vector<16xi1>
          %shift_right_logical3A_530 = arith.constant 4 : i32
          %shift_right_logical3A_531 = arith.shrui %while3A_475, %shift_right_logical3A_530 : i32
          %mul3A_532 = arith.constant 16 : i32
          %mul3A_533 = arith.muli %shift_right_logical3A_531, %mul3A_532 : i32
          %iota3A_534 = tpu.iota {dimensions = array<i32: 0>} : vector<16xi32>
          %add3A_535 = vector.broadcast %mul3A_533 : i32 to vector<16xi32>
          %add3A_536 = arith.addi %add3A_535, %iota3A_534 : vector<16xi32>
          %gather3A_537 = tpu.vector_load_idx %arg16[%add3A_536] : memref<1024xf32, #tpu.memory_space<vmem>>[vector<16xi32>], vector<16xf32>,
          %reduce_max3A_538 = arith.constant true
          %reduce_max3A_539 = vector.broadcast %reduce_max3A_538 : i1 to vector<16xi1>
          %reduce_max3A_540 = tpu.scan <max>, %gather3A_537 masked %reduce_max3A_539 : vector<16xf32>, vector<16xi1> -> vector<16xf32>
          %reduce_max3A_541 = vector.extract %reduce_max3A_540[15] : f32 from vector<16xf32>
          %broadcast_in_dim3A_542 = vector.broadcast %shift_right_logical3A_531 : i32 to vector<16xi32>
          %broadcast_in_dim3A_543 = vector.broadcast %reduce_max3A_541 : f32 to vector<16xf32>
          %iota3A_544 = tpu.iota {dimensions = array<i32: 0>} : vector<16xi32>
          %eq3A_545 = arith.constant 0 : i32
          %eq3A_546 = vector.broadcast %eq3A_545 : i32 to vector<16xi32>
          %eq3A_547 = arith.cmpi eq, %iota3A_544, %eq3A_546 : vector<16xi32>
          tpu.vector_store_idx %arg19[%broadcast_in_dim3A_542], %broadcast_in_dim3A_543 masked %eq3A_547 : memref<64xf32, #tpu.memory_space<vmem>>[vector<16xi32>], vector<16xf32>, vector<16xi1>
          %iota3A_548 = tpu.iota {dimensions = array<i32: 0>} : vector<16xi32>
          %get3A_549 = arith.constant 0 : index
          %get3A_550 = tpu.vector_load %arg19[%get3A_549] {strides = array<i32>} : memref<64xf32, #tpu.memory_space<vmem>>, vector<16xf32>,
          %get3A_551 = arith.constant 16 : index
          %get3A_552 = tpu.vector_load %arg19[%get3A_551] {strides = array<i32>} : memref<64xf32, #tpu.memory_space<vmem>>, vector<16xf32>,
          %gt3A_553 = arith.cmpf ogt, %get3A_552, %get3A_550 : vector<16xf32>
          %select_n3A_554 = arith.select %gt3A_553, %get3A_552, %get3A_550 : vector<16xi1>, vector<16xf32>
          %add3A_555 = arith.constant 16 : i32
          %add3A_556 = vector.broadcast %add3A_555 : i32 to vector<16xi32>
          %add3A_557 = arith.addi %iota3A_548, %add3A_556 : vector<16xi32>
          %select_n3A_558 = arith.select %gt3A_553, %add3A_557, %iota3A_548 : vector<16xi1>, vector<16xi32>
          %get3A_559 = arith.constant 32 : index
          %get3A_560 = tpu.vector_load %arg19[%get3A_559] {strides = array<i32>} : memref<64xf32, #tpu.memory_space<vmem>>, vector<16xf32>,
          %gt3A_561 = arith.cmpf ogt, %get3A_560, %select_n3A_554 : vector<16xf32>
          %select_n3A_562 = arith.select %gt3A_561, %get3A_560, %select_n3A_554 : vector<16xi1>, vector<16xf32>
          %add3A_563 = arith.constant 32 : i32
          %add3A_564 = vector.broadcast %add3A_563 : i32 to vector<16xi32>
          %add3A_565 = arith.addi %iota3A_548, %add3A_564 : vector<16xi32>
          %select_n3A_566 = arith.select %gt3A_561, %add3A_565, %select_n3A_558 : vector<16xi1>, vector<16xi32>
          %get3A_567 = arith.constant 48 : index
          %get3A_568 = tpu.vector_load %arg19[%get3A_567] {strides = array<i32>} : memref<64xf32, #tpu.memory_space<vmem>>, vector<16xf32>,
          %gt3A_569 = arith.cmpf ogt, %get3A_568, %select_n3A_562 : vector<16xf32>
          %select_n3A_570 = arith.select %gt3A_569, %get3A_568, %select_n3A_562 : vector<16xi1>, vector<16xf32>
          %add3A_571 = arith.constant 48 : i32
          %add3A_572 = vector.broadcast %add3A_571 : i32 to vector<16xi32>
          %add3A_573 = arith.addi %iota3A_548, %add3A_572 : vector<16xi32>
          %select_n3A_574 = arith.select %gt3A_569, %add3A_573, %select_n3A_566 : vector<16xi1>, vector<16xi32>
          %reduce_max3A_575 = arith.constant true
          %reduce_max3A_576 = vector.broadcast %reduce_max3A_575 : i1 to vector<16xi1>
          %reduce_max3A_577 = tpu.scan <max>, %select_n3A_570 masked %reduce_max3A_576 : vector<16xf32>, vector<16xi1> -> vector<16xf32>
          %reduce_max3A_578 = vector.extract %reduce_max3A_577[15] : f32 from vector<16xf32>
          %eq3A_579 = vector.broadcast %reduce_max3A_578 : f32 to vector<16xf32>
          %eq3A_580 = arith.cmpf oeq, %select_n3A_570, %eq3A_579 : vector<16xf32>
          %jit3A_581 = arith.constant 1073741824 : i32
          %broadcast_in_dim3A_582 = vector.broadcast %jit3A_581 : i32 to vector<16xi32>
          %select_n3A_583 = arith.select %eq3A_580, %select_n3A_574, %broadcast_in_dim3A_582 : vector<16xi1>, vector<16xi32>
          %reduce_min3A_584 = arith.constant true
          %reduce_min3A_585 = vector.broadcast %reduce_min3A_584 : i1 to vector<16xi1>
          %reduce_min3A_586 = arith.constant -2147483648 : i32
          %reduce_min3A_587 = vector.broadcast %reduce_min3A_586 : i32 to vector<16xi32>
          %reduce_min3A_588 = arith.xori %select_n3A_583, %reduce_min3A_587 : vector<16xi32>
          %reduce_min3A_589 = tpu.scan <min>, %reduce_min3A_588 masked %reduce_min3A_585 : vector<16xi32>, vector<16xi1> -> vector<16xi32>
          %reduce_min3A_590 = arith.xori %reduce_min3A_589, %reduce_min3A_587 : vector<16xi32>
          %reduce_min3A_591 = vector.extract %reduce_min3A_590[15] : i32 from vector<16xi32>
          %mul3A_592 = arith.constant 16 : i32
          %mul3A_593 = arith.muli %reduce_min3A_591, %mul3A_592 : i32
          %add3A_594 = vector.broadcast %mul3A_593 : i32 to vector<16xi32>
          %add3A_595 = arith.addi %add3A_594, %iota3A_548 : vector<16xi32>
          %gather3A_596 = tpu.vector_load_idx %arg16[%add3A_595] : memref<1024xf32, #tpu.memory_space<vmem>>[vector<16xi32>], vector<16xf32>,
          %mul3A_597 = arith.constant 16 : i32
          %mul3A_598 = arith.muli %reduce_min3A_591, %mul3A_597 : i32
          %eq3A_599 = vector.broadcast %reduce_max3A_578 : f32 to vector<16xf32>
          %eq3A_600 = arith.cmpf oeq, %gather3A_596, %eq3A_599 : vector<16xf32>
          %jit3A_601 = arith.constant 1073741824 : i32
          %broadcast_in_dim3A_602 = vector.broadcast %jit3A_601 : i32 to vector<16xi32>
          %select_n3A_603 = arith.select %eq3A_600, %iota3A_548, %broadcast_in_dim3A_602 : vector<16xi1>, vector<16xi32>
          %reduce_min3A_604 = arith.constant true
          %reduce_min3A_605 = vector.broadcast %reduce_min3A_604 : i1 to vector<16xi1>
          %reduce_min3A_606 = arith.constant -2147483648 : i32
          %reduce_min3A_607 = vector.broadcast %reduce_min3A_606 : i32 to vector<16xi32>
          %reduce_min3A_608 = arith.xori %select_n3A_603, %reduce_min3A_607 : vector<16xi32>
          %reduce_min3A_609 = tpu.scan <min>, %reduce_min3A_608 masked %reduce_min3A_605 : vector<16xi32>, vector<16xi1> -> vector<16xi32>
          %reduce_min3A_610 = arith.xori %reduce_min3A_609, %reduce_min3A_607 : vector<16xi32>
          %reduce_min3A_611 = vector.extract %reduce_min3A_610[15] : i32 from vector<16xi32>
          %add3A_612 = arith.addi %mul3A_598, %reduce_min3A_611 : i32
          %broadcast_in_dim3A_613 = vector.broadcast %add3A_612 : i32 to vector<16xi32>
          %gather3A_614 = tpu.vector_load_idx %arg17[%broadcast_in_dim3A_613] : memref<1024xi32, #tpu.memory_space<vmem>>[vector<16xi32>], vector<16xi32>,
          %reduce_max3A_615 = arith.constant true
          %reduce_max3A_616 = vector.broadcast %reduce_max3A_615 : i1 to vector<16xi1>
          %reduce_max3A_617 = arith.constant -2147483648 : i32
          %reduce_max3A_618 = vector.broadcast %reduce_max3A_617 : i32 to vector<16xi32>
          %reduce_max3A_619 = arith.xori %gather3A_614, %reduce_max3A_618 : vector<16xi32>
          %reduce_max3A_620 = tpu.scan <max>, %reduce_max3A_619 masked %reduce_max3A_616 : vector<16xi32>, vector<16xi1> -> vector<16xi32>
          %reduce_max3A_621 = arith.xori %reduce_max3A_620, %reduce_max3A_618 : vector<16xi32>
          %reduce_max3A_622 = vector.extract %reduce_max3A_621[15] : i32 from vector<16xi32>
          %broadcast_in_dim3A_623 = vector.broadcast %reduce_max3A_622 : i32 to vector<16xi32>
          %gather3A_624 = tpu.vector_load_idx %arg18[%broadcast_in_dim3A_623] : memref<1024xf32, #tpu.memory_space<vmem>>[vector<16xi32>], vector<16xf32>,
          %reduce_max3A_625 = arith.constant true
          %reduce_max3A_626 = vector.broadcast %reduce_max3A_625 : i1 to vector<16xi1>
          %reduce_max3A_627 = tpu.scan <max>, %gather3A_624 masked %reduce_max3A_626 : vector<16xf32>, vector<16xi1> -> vector<16xf32>
          %reduce_max3A_628 = vector.extract %reduce_max3A_627[15] : f32 from vector<16xf32>
          %eq3A_629 = arith.constant 0.000000e+00 : f32
          %eq3A_630 = arith.cmpf oeq, %reduce_max3A_628, %eq3A_629 : f32
          scf.yield %add3A_612, %reduce_max3A_622, %reduce_max3A_578, %eq3A_630 : i32, i32, f32, i1
        }
        %broadcast_in_dim3A_430 = vector.broadcast %while3A_429#0 : i32 to vector<16xi32>
        %broadcast_in_dim3A_431 = vector.broadcast %while3A_429#1 : i32 to vector<16xi32>
        %iota3A_432 = tpu.iota {dimensions = array<i32: 0>} : vector<16xi32>
        %eq3A_433 = arith.constant 0 : i32
        %eq3A_434 = vector.broadcast %eq3A_433 : i32 to vector<16xi32>
        %eq3A_435 = arith.cmpi eq, %iota3A_432, %eq3A_434 : vector<16xi32>
        tpu.vector_store_idx %arg21[%broadcast_in_dim3A_430], %broadcast_in_dim3A_431 masked %eq3A_435 : memref<1024xi32, #tpu.memory_space<vmem>>[vector<16xi32>], vector<16xi32>, vector<16xi1>
        %broadcast_in_dim3A_436 = vector.broadcast %while3A_429#0 : i32 to vector<16xi32>
        %broadcast_in_dim3A_437 = vector.broadcast %while3A_429#2 : f32 to vector<16xf32>
        %iota3A_438 = tpu.iota {dimensions = array<i32: 0>} : vector<16xi32>
        %eq3A_439 = arith.constant 0 : i32
        %eq3A_440 = vector.broadcast %eq3A_439 : i32 to vector<16xi32>
        %eq3A_441 = arith.cmpi eq, %iota3A_438, %eq3A_440 : vector<16xi32>
        tpu.vector_store_idx %arg22[%broadcast_in_dim3A_436], %broadcast_in_dim3A_437 masked %eq3A_441 : memref<1024xf32, #tpu.memory_space<vmem>>[vector<16xi32>], vector<16xf32>, vector<16xi1>
        %broadcast_in_dim3A_442 = vector.broadcast %while3A_429#0 : i32 to vector<16xi32>
        %broadcast_in_dim3A_443 = arith.constant 0xFF800000 : f32
        %broadcast_in_dim3A_444 = vector.broadcast %broadcast_in_dim3A_443 : f32 to vector<16xf32>
        %iota3A_445 = tpu.iota {dimensions = array<i32: 0>} : vector<16xi32>
        %eq3A_446 = arith.constant 0 : i32
        %eq3A_447 = vector.broadcast %eq3A_446 : i32 to vector<16xi32>
        %eq3A_448 = arith.cmpi eq, %iota3A_445, %eq3A_447 : vector<16xi32>
        tpu.vector_store_idx %arg16[%broadcast_in_dim3A_442], %broadcast_in_dim3A_444 masked %eq3A_448 : memref<1024xf32, #tpu.memory_space<vmem>>[vector<16xi32>], vector<16xf32>, vector<16xi1>
        %shift_right_logical3A_449 = arith.constant 4 : i32
        %shift_right_logical3A_450 = arith.shrui %while3A_429#0, %shift_right_logical3A_449 : i32
        %mul3A_451 = arith.constant 16 : i32
        %mul3A_452 = arith.muli %shift_right_logical3A_450, %mul3A_451 : i32
        %iota3A_453 = tpu.iota {dimensions = array<i32: 0>} : vector<16xi32>
        %add3A_454 = vector.broadcast %mul3A_452 : i32 to vector<16xi32>
        %add3A_455 = arith.addi %add3A_454, %iota3A_453 : vector<16xi32>
        %gather3A_456 = tpu.vector_load_idx %arg16[%add3A_455] : memref<1024xf32, #tpu.memory_space<vmem>>[vector<16xi32>], vector<16xf32>,
        %reduce_max3A_457 = arith.constant true
        %reduce_max3A_458 = vector.broadcast %reduce_max3A_457 : i1 to vector<16xi1>
        %reduce_max3A_459 = tpu.scan <max>, %gather3A_456 masked %reduce_max3A_458 : vector<16xf32>, vector<16xi1> -> vector<16xf32>
        %reduce_max3A_460 = vector.extract %reduce_max3A_459[15] : f32 from vector<16xf32>
        %broadcast_in_dim3A_461 = vector.broadcast %shift_right_logical3A_450 : i32 to vector<16xi32>
        %broadcast_in_dim3A_462 = vector.broadcast %reduce_max3A_460 : f32 to vector<16xf32>
        %iota3A_463 = tpu.iota {dimensions = array<i32: 0>} : vector<16xi32>
        %eq3A_464 = arith.constant 0 : i32
        %eq3A_465 = vector.broadcast %eq3A_464 : i32 to vector<16xi32>
        %eq3A_466 = arith.cmpi eq, %iota3A_463, %eq3A_465 : vector<16xi32>
        tpu.vector_store_idx %arg19[%broadcast_in_dim3A_461], %broadcast_in_dim3A_462 masked %eq3A_466 : memref<64xf32, #tpu.memory_space<vmem>>[vector<16xi32>], vector<16xf32>, vector<16xi1>
        %broadcast_in_dim3A_467 = vector.broadcast %while3A_429#1 : i32 to vector<16xi32>
        %broadcast_in_dim3A_468 = arith.constant 0xFF800000 : f32
        %broadcast_in_dim3A_469 = vector.broadcast %broadcast_in_dim3A_468 : f32 to vector<16xf32>
        %iota3A_470 = tpu.iota {dimensions = array<i32: 0>} : vector<16xi32>
        %eq3A_471 = arith.constant 0 : i32
        %eq3A_472 = vector.broadcast %eq3A_471 : i32 to vector<16xi32>
        %eq3A_473 = arith.cmpi eq, %iota3A_470, %eq3A_472 : vector<16xi32>
        tpu.vector_store_idx %arg18[%broadcast_in_dim3A_467], %broadcast_in_dim3A_469 masked %eq3A_473 : memref<1024xf32, #tpu.memory_space<vmem>>[vector<16xi32>], vector<16xf32>, vector<16xi1>
        %while3A_474 = arith.constant 0 : i32
        scf.yield %while3A_474 : i32
      }
      %while3A_97 = arith.constant 1 : i32
      %while3A_98 = scf.for %while3A_346 = %while3A_94 to %while3A_90 step %while3A_97 iter_args(%while3A_347 = %while3A_96) -> (i32)  : i32 {
        %iota3A_348 = tpu.iota {dimensions = array<i32: 0>} : vector<16xi32>
        %get3A_349 = arith.constant 0 : index
        %get3A_350 = tpu.vector_load %arg19[%get3A_349] {strides = array<i32>} : memref<64xf32, #tpu.memory_space<vmem>>, vector<16xf32>,
        %get3A_351 = arith.constant 16 : index
        %get3A_352 = tpu.vector_load %arg19[%get3A_351] {strides = array<i32>} : memref<64xf32, #tpu.memory_space<vmem>>, vector<16xf32>,
        %gt3A = arith.cmpf ogt, %get3A_352, %get3A_350 : vector<16xf32>
        %select_n3A_353 = arith.select %gt3A, %get3A_352, %get3A_350 : vector<16xi1>, vector<16xf32>
        %add3A_354 = arith.constant 16 : i32
        %add3A_355 = vector.broadcast %add3A_354 : i32 to vector<16xi32>
        %add3A_356 = arith.addi %iota3A_348, %add3A_355 : vector<16xi32>
        %select_n3A_357 = arith.select %gt3A, %add3A_356, %iota3A_348 : vector<16xi1>, vector<16xi32>
        %get3A_358 = arith.constant 32 : index
        %get3A_359 = tpu.vector_load %arg19[%get3A_358] {strides = array<i32>} : memref<64xf32, #tpu.memory_space<vmem>>, vector<16xf32>,
        %gt3A_360 = arith.cmpf ogt, %get3A_359, %select_n3A_353 : vector<16xf32>
        %select_n3A_361 = arith.select %gt3A_360, %get3A_359, %select_n3A_353 : vector<16xi1>, vector<16xf32>
        %add3A_362 = arith.constant 32 : i32
        %add3A_363 = vector.broadcast %add3A_362 : i32 to vector<16xi32>
        %add3A_364 = arith.addi %iota3A_348, %add3A_363 : vector<16xi32>
        %select_n3A_365 = arith.select %gt3A_360, %add3A_364, %select_n3A_357 : vector<16xi1>, vector<16xi32>
        %get3A_366 = arith.constant 48 : index
        %get3A_367 = tpu.vector_load %arg19[%get3A_366] {strides = array<i32>} : memref<64xf32, #tpu.memory_space<vmem>>, vector<16xf32>,
        %gt3A_368 = arith.cmpf ogt, %get3A_367, %select_n3A_361 : vector<16xf32>
        %select_n3A_369 = arith.select %gt3A_368, %get3A_367, %select_n3A_361 : vector<16xi1>, vector<16xf32>
        %add3A_370 = arith.constant 48 : i32
        %add3A_371 = vector.broadcast %add3A_370 : i32 to vector<16xi32>
        %add3A_372 = arith.addi %iota3A_348, %add3A_371 : vector<16xi32>
        %select_n3A_373 = arith.select %gt3A_368, %add3A_372, %select_n3A_365 : vector<16xi1>, vector<16xi32>
        %reduce_max3A_374 = arith.constant true
        %reduce_max3A_375 = vector.broadcast %reduce_max3A_374 : i1 to vector<16xi1>
        %reduce_max3A_376 = tpu.scan <max>, %select_n3A_369 masked %reduce_max3A_375 : vector<16xf32>, vector<16xi1> -> vector<16xf32>
        %reduce_max3A_377 = vector.extract %reduce_max3A_376[15] : f32 from vector<16xf32>
        %eq3A_378 = vector.broadcast %reduce_max3A_377 : f32 to vector<16xf32>
        %eq3A_379 = arith.cmpf oeq, %select_n3A_369, %eq3A_378 : vector<16xf32>
        %jit3A_380 = arith.constant 1073741824 : i32
        %broadcast_in_dim3A_381 = vector.broadcast %jit3A_380 : i32 to vector<16xi32>
        %select_n3A_382 = arith.select %eq3A_379, %select_n3A_373, %broadcast_in_dim3A_381 : vector<16xi1>, vector<16xi32>
        %reduce_min3A_383 = arith.constant true
        %reduce_min3A_384 = vector.broadcast %reduce_min3A_383 : i1 to vector<16xi1>
        %reduce_min3A_385 = arith.constant -2147483648 : i32
        %reduce_min3A_386 = vector.broadcast %reduce_min3A_385 : i32 to vector<16xi32>
        %reduce_min3A_387 = arith.xori %select_n3A_382, %reduce_min3A_386 : vector<16xi32>
        %reduce_min3A_388 = tpu.scan <min>, %reduce_min3A_387 masked %reduce_min3A_384 : vector<16xi32>, vector<16xi1> -> vector<16xi32>
        %reduce_min3A_389 = arith.xori %reduce_min3A_388, %reduce_min3A_386 : vector<16xi32>
        %reduce_min3A_390 = vector.extract %reduce_min3A_389[15] : i32 from vector<16xi32>
        %mul3A_391 = arith.constant 16 : i32
        %mul3A_392 = arith.muli %reduce_min3A_390, %mul3A_391 : i32
        %add3A_393 = vector.broadcast %mul3A_392 : i32 to vector<16xi32>
        %add3A_394 = arith.addi %add3A_393, %iota3A_348 : vector<16xi32>
        %gather3A = tpu.vector_load_idx %arg16[%add3A_394] : memref<1024xf32, #tpu.memory_space<vmem>>[vector<16xi32>], vector<16xf32>,
        %mul3A_395 = arith.constant 16 : i32
        %mul3A_396 = arith.muli %reduce_min3A_390, %mul3A_395 : i32
        %eq3A_397 = vector.broadcast %reduce_max3A_377 : f32 to vector<16xf32>
        %eq3A_398 = arith.cmpf oeq, %gather3A, %eq3A_397 : vector<16xf32>
        %jit3A_399 = arith.constant 1073741824 : i32
        %broadcast_in_dim3A_400 = vector.broadcast %jit3A_399 : i32 to vector<16xi32>
        %select_n3A_401 = arith.select %eq3A_398, %iota3A_348, %broadcast_in_dim3A_400 : vector<16xi1>, vector<16xi32>
        %reduce_min3A_402 = arith.constant true
        %reduce_min3A_403 = vector.broadcast %reduce_min3A_402 : i1 to vector<16xi1>
        %reduce_min3A_404 = arith.constant -2147483648 : i32
        %reduce_min3A_405 = vector.broadcast %reduce_min3A_404 : i32 to vector<16xi32>
        %reduce_min3A_406 = arith.xori %select_n3A_401, %reduce_min3A_405 : vector<16xi32>
        %reduce_min3A_407 = tpu.scan <min>, %reduce_min3A_406 masked %reduce_min3A_403 : vector<16xi32>, vector<16xi1> -> vector<16xi32>
        %reduce_min3A_408 = arith.xori %reduce_min3A_407, %reduce_min3A_405 : vector<16xi32>
        %reduce_min3A_409 = vector.extract %reduce_min3A_408[15] : i32 from vector<16xi32>
        %add3A_410 = arith.addi %mul3A_396, %reduce_min3A_409 : i32
        %broadcast_in_dim3A_411 = vector.broadcast %add3A_410 : i32 to vector<16xi32>
        %gather3A_412 = tpu.vector_load_idx %arg17[%broadcast_in_dim3A_411] : memref<1024xi32, #tpu.memory_space<vmem>>[vector<16xi32>], vector<16xi32>,
        %reduce_max3A_413 = arith.constant true
        %reduce_max3A_414 = vector.broadcast %reduce_max3A_413 : i1 to vector<16xi1>
        %reduce_max3A_415 = arith.constant -2147483648 : i32
        %reduce_max3A_416 = vector.broadcast %reduce_max3A_415 : i32 to vector<16xi32>
        %reduce_max3A_417 = arith.xori %gather3A_412, %reduce_max3A_416 : vector<16xi32>
        %reduce_max3A_418 = tpu.scan <max>, %reduce_max3A_417 masked %reduce_max3A_414 : vector<16xi32>, vector<16xi1> -> vector<16xi32>
        %reduce_max3A_419 = arith.xori %reduce_max3A_418, %reduce_max3A_416 : vector<16xi32>
        %reduce_max3A_420 = vector.extract %reduce_max3A_419[15] : i32 from vector<16xi32>
        %broadcast_in_dim3A_421 = vector.broadcast %reduce_max3A_420 : i32 to vector<16xi32>
        %gather3A_422 = tpu.vector_load_idx %arg18[%broadcast_in_dim3A_421] : memref<1024xf32, #tpu.memory_space<vmem>>[vector<16xi32>], vector<16xf32>,
        %reduce_max3A_423 = arith.constant true
        %reduce_max3A_424 = vector.broadcast %reduce_max3A_423 : i1 to vector<16xi1>
        %reduce_max3A_425 = tpu.scan <max>, %gather3A_422 masked %reduce_max3A_424 : vector<16xf32>, vector<16xi1> -> vector<16xf32>
        %reduce_max3A_426 = vector.extract %reduce_max3A_425[15] : f32 from vector<16xf32>
        %eq3A_427 = arith.constant 0.000000e+00 : f32
        %eq3A_428 = arith.cmpf oeq, %reduce_max3A_426, %eq3A_427 : f32
        %while3A_429:4 = scf.while (%while3A_475 = %add3A_410, %while3A_476 = %reduce_max3A_420, %while3A_477 = %reduce_max3A_377, %while3A_478 = %eq3A_428) : (i32, i32, f32, i1) -> (i32, i32, f32, i1) {
          %not3A = arith.constant true
          %not3A_479 = arith.xori %while3A_478, %not3A : i1
          scf.condition(%not3A_479) %while3A_475, %while3A_476, %while3A_477, %while3A_478 : i32, i32, f32, i1
        } do {
        ^bb0(%while3A_475: i32, %while3A_476: i32, %while3A_477: f32, %while3A_478: i1):
          %dma_start3A = arith.constant 0 : i32
          %dma_start3A_479 = tpu.memref_slice %arg2[%while3A_475, %dma_start3A] : memref<1024x1024xf32, #tpu.memory_space<hbm>> -> memref<1x1024xf32, #tpu.memory_space<hbm>>
          %dma_start3A_480 = tpu.memref_squeeze %dma_start3A_479 : memref<1x1024xf32, #tpu.memory_space<hbm>> -> memref<1024xf32, #tpu.memory_space<hbm>>
          %dma_start3A_481 = arith.constant 0 : i32
          %dma_start3A_482 = tpu.memref_slice %arg2[%while3A_475, %dma_start3A_481] : memref<1024x1024xf32, #tpu.memory_space<hbm>> -> memref<1x1024xf32, #tpu.memory_space<hbm>>
          %dma_start3A_483 = tpu.memref_squeeze %dma_start3A_482 : memref<1x1024xf32, #tpu.memory_space<hbm>> -> memref<1024xf32, #tpu.memory_space<hbm>>
          tpu.enqueue_dma source(%dma_start3A_483 : memref<1024xf32, #tpu.memory_space<hbm>>) target(%arg20 : memref<1024xf32, #tpu.memory_space<vmem>>) target_semaphore(%arg39 : memref<!tpu.dma_semaphore, #tpu.memory_space<semaphore_mem>>)
          %dma_wait3A = arith.constant 0 : i32
          %dma_wait3A_484 = tpu.memref_slice %arg2[%while3A_475, %dma_wait3A] : memref<1024x1024xf32, #tpu.memory_space<hbm>> -> memref<1x1024xf32, #tpu.memory_space<hbm>>
          %dma_wait3A_485 = tpu.memref_squeeze %dma_wait3A_484 : memref<1x1024xf32, #tpu.memory_space<hbm>> -> memref<1024xf32, #tpu.memory_space<hbm>>
          %dma_wait3A_486 = arith.constant 0 : i32
          %dma_wait3A_487 = tpu.memref_slice %arg2[%while3A_475, %dma_wait3A_486] : memref<1024x1024xf32, #tpu.memory_space<hbm>> -> memref<1x1024xf32, #tpu.memory_space<hbm>>
          %dma_wait3A_488 = tpu.memref_squeeze %dma_wait3A_487 : memref<1x1024xf32, #tpu.memory_space<hbm>> -> memref<1024xf32, #tpu.memory_space<hbm>>
          tpu.wait_dma2 semaphore(%arg39 : memref<!tpu.dma_semaphore, #tpu.memory_space<semaphore_mem>>) src(%dma_wait3A_488 : memref<1024xf32, #tpu.memory_space<hbm>>) dst(%arg20 : memref<1024xf32, #tpu.memory_space<vmem>>)
          %iota3A_489 = tpu.iota {dimensions = array<i32: 0>} : vector<16xi32>
          %get3A_490 = arith.constant 0 : index
          %get3A_491 = tpu.vector_load %arg20[%get3A_490] {strides = array<i32>} : memref<1024xf32, #tpu.memory_space<vmem>>, vector<16xf32>,
          %get3A_492 = arith.constant 0 : index
          %get3A_493 = tpu.vector_load %arg18[%get3A_492] {strides = array<i32>} : memref<1024xf32, #tpu.memory_space<vmem>>, vector<16xf32>,
          %add3A_494 = arith.addf %get3A_491, %get3A_493 : vector<16xf32>
          %scan3A_495 = arith.constant 1 : i32
          %scan3A_496 = arith.constant 63 : i32
          %scan3A_497 = arith.addi %scan3A_495, %scan3A_496 : i32
          %scan3A_498 = arith.constant 1 : i32
          %scan3A_499:2 = scf.for %scan3A_631 = %scan3A_495 to %scan3A_497 step %scan3A_498 iter_args(%scan3A_632 = %add3A_494, %scan3A_633 = %iota3A_489) -> (vector<16xf32>, vector<16xi32>)  : i32 {
            %mul3A_634 = arith.constant 16 : i32
            %mul3A_635 = arith.muli %scan3A_631, %mul3A_634 : i32
            %get3A_636 = arith.index_cast %mul3A_635 : i32 to index
            %get3A_637 = tpu.vector_load %arg20[%get3A_636] {strides = array<i32>} : memref<1024xf32, #tpu.memory_space<vmem>>, vector<16xf32>,
            %mul3A_638 = arith.constant 16 : i32
            %mul3A_639 = arith.muli %scan3A_631, %mul3A_638 : i32
            %get3A_640 = arith.index_cast %mul3A_639 : i32 to index
            %get3A_641 = tpu.vector_load %arg18[%get3A_640] {strides = array<i32>} : memref<1024xf32, #tpu.memory_space<vmem>>, vector<16xf32>,
            %add3A_642 = arith.addf %get3A_637, %get3A_641 : vector<16xf32>
            %gt3A_643 = arith.cmpf ogt, %add3A_642, %scan3A_632 : vector<16xf32>
            %select_n3A_644 = arith.select %gt3A_643, %add3A_642, %scan3A_632 : vector<16xi1>, vector<16xf32>
            %mul3A_645 = arith.constant 16 : i32
            %mul3A_646 = arith.muli %scan3A_631, %mul3A_645 : i32
            %add3A_647 = vector.broadcast %mul3A_646 : i32 to vector<16xi32>
            %add3A_648 = arith.addi %iota3A_489, %add3A_647 : vector<16xi32>
            %select_n3A_649 = arith.select %gt3A_643, %add3A_648, %scan3A_633 : vector<16xi1>, vector<16xi32>
            scf.yield %select_n3A_644, %select_n3A_649 : vector<16xf32>, vector<16xi32>
          }
          %scan3A_500 = arith.constant 63 : i32
          %reduce_max3A_501 = arith.constant true
          %reduce_max3A_502 = vector.broadcast %reduce_max3A_501 : i1 to vector<16xi1>
          %reduce_max3A_503 = tpu.scan <max>, %scan3A_499#0 masked %reduce_max3A_502 : vector<16xf32>, vector<16xi1> -> vector<16xf32>
          %reduce_max3A_504 = vector.extract %reduce_max3A_503[15] : f32 from vector<16xf32>
          %eq3A_505 = vector.broadcast %reduce_max3A_504 : f32 to vector<16xf32>
          %eq3A_506 = arith.cmpf oeq, %scan3A_499#0, %eq3A_505 : vector<16xf32>
          %jit3A_507 = arith.constant 1073741824 : i32
          %broadcast_in_dim3A_508 = vector.broadcast %jit3A_507 : i32 to vector<16xi32>
          %select_n3A_509 = arith.select %eq3A_506, %scan3A_499#1, %broadcast_in_dim3A_508 : vector<16xi1>, vector<16xi32>
          %reduce_min3A_510 = arith.constant true
          %reduce_min3A_511 = vector.broadcast %reduce_min3A_510 : i1 to vector<16xi1>
          %reduce_min3A_512 = arith.constant -2147483648 : i32
          %reduce_min3A_513 = vector.broadcast %reduce_min3A_512 : i32 to vector<16xi32>
          %reduce_min3A_514 = arith.xori %select_n3A_509, %reduce_min3A_513 : vector<16xi32>
          %reduce_min3A_515 = tpu.scan <min>, %reduce_min3A_514 masked %reduce_min3A_511 : vector<16xi32>, vector<16xi1> -> vector<16xi32>
          %reduce_min3A_516 = arith.xori %reduce_min3A_515, %reduce_min3A_513 : vector<16xi32>
          %reduce_min3A_517 = vector.extract %reduce_min3A_516[15] : i32 from vector<16xi32>
          %broadcast_in_dim3A_518 = vector.broadcast %while3A_475 : i32 to vector<16xi32>
          %broadcast_in_dim3A_519 = vector.broadcast %reduce_max3A_504 : f32 to vector<16xf32>
          %iota3A_520 = tpu.iota {dimensions = array<i32: 0>} : vector<16xi32>
          %eq3A_521 = arith.constant 0 : i32
          %eq3A_522 = vector.broadcast %eq3A_521 : i32 to vector<16xi32>
          %eq3A_523 = arith.cmpi eq, %iota3A_520, %eq3A_522 : vector<16xi32>
          tpu.vector_store_idx %arg16[%broadcast_in_dim3A_518], %broadcast_in_dim3A_519 masked %eq3A_523 : memref<1024xf32, #tpu.memory_space<vmem>>[vector<16xi32>], vector<16xf32>, vector<16xi1>
          %broadcast_in_dim3A_524 = vector.broadcast %while3A_475 : i32 to vector<16xi32>
          %broadcast_in_dim3A_525 = vector.broadcast %reduce_min3A_517 : i32 to vector<16xi32>
          %iota3A_526 = tpu.iota {dimensions = array<i32: 0>} : vector<16xi32>
          %eq3A_527 = arith.constant 0 : i32
          %eq3A_528 = vector.broadcast %eq3A_527 : i32 to vector<16xi32>
          %eq3A_529 = arith.cmpi eq, %iota3A_526, %eq3A_528 : vector<16xi32>
          tpu.vector_store_idx %arg17[%broadcast_in_dim3A_524], %broadcast_in_dim3A_525 masked %eq3A_529 : memref<1024xi32, #tpu.memory_space<vmem>>[vector<16xi32>], vector<16xi32>, vector<16xi1>
          %shift_right_logical3A_530 = arith.constant 4 : i32
          %shift_right_logical3A_531 = arith.shrui %while3A_475, %shift_right_logical3A_530 : i32
          %mul3A_532 = arith.constant 16 : i32
          %mul3A_533 = arith.muli %shift_right_logical3A_531, %mul3A_532 : i32
          %iota3A_534 = tpu.iota {dimensions = array<i32: 0>} : vector<16xi32>
          %add3A_535 = vector.broadcast %mul3A_533 : i32 to vector<16xi32>
          %add3A_536 = arith.addi %add3A_535, %iota3A_534 : vector<16xi32>
          %gather3A_537 = tpu.vector_load_idx %arg16[%add3A_536] : memref<1024xf32, #tpu.memory_space<vmem>>[vector<16xi32>], vector<16xf32>,
          %reduce_max3A_538 = arith.constant true
          %reduce_max3A_539 = vector.broadcast %reduce_max3A_538 : i1 to vector<16xi1>
          %reduce_max3A_540 = tpu.scan <max>, %gather3A_537 masked %reduce_max3A_539 : vector<16xf32>, vector<16xi1> -> vector<16xf32>
          %reduce_max3A_541 = vector.extract %reduce_max3A_540[15] : f32 from vector<16xf32>
          %broadcast_in_dim3A_542 = vector.broadcast %shift_right_logical3A_531 : i32 to vector<16xi32>
          %broadcast_in_dim3A_543 = vector.broadcast %reduce_max3A_541 : f32 to vector<16xf32>
          %iota3A_544 = tpu.iota {dimensions = array<i32: 0>} : vector<16xi32>
          %eq3A_545 = arith.constant 0 : i32
          %eq3A_546 = vector.broadcast %eq3A_545 : i32 to vector<16xi32>
          %eq3A_547 = arith.cmpi eq, %iota3A_544, %eq3A_546 : vector<16xi32>
          tpu.vector_store_idx %arg19[%broadcast_in_dim3A_542], %broadcast_in_dim3A_543 masked %eq3A_547 : memref<64xf32, #tpu.memory_space<vmem>>[vector<16xi32>], vector<16xf32>, vector<16xi1>
          %iota3A_548 = tpu.iota {dimensions = array<i32: 0>} : vector<16xi32>
          %get3A_549 = arith.constant 0 : index
          %get3A_550 = tpu.vector_load %arg19[%get3A_549] {strides = array<i32>} : memref<64xf32, #tpu.memory_space<vmem>>, vector<16xf32>,
          %get3A_551 = arith.constant 16 : index
          %get3A_552 = tpu.vector_load %arg19[%get3A_551] {strides = array<i32>} : memref<64xf32, #tpu.memory_space<vmem>>, vector<16xf32>,
          %gt3A_553 = arith.cmpf ogt, %get3A_552, %get3A_550 : vector<16xf32>
          %select_n3A_554 = arith.select %gt3A_553, %get3A_552, %get3A_550 : vector<16xi1>, vector<16xf32>
          %add3A_555 = arith.constant 16 : i32
          %add3A_556 = vector.broadcast %add3A_555 : i32 to vector<16xi32>
          %add3A_557 = arith.addi %iota3A_548, %add3A_556 : vector<16xi32>
          %select_n3A_558 = arith.select %gt3A_553, %add3A_557, %iota3A_548 : vector<16xi1>, vector<16xi32>
          %get3A_559 = arith.constant 32 : index
          %get3A_560 = tpu.vector_load %arg19[%get3A_559] {strides = array<i32>} : memref<64xf32, #tpu.memory_space<vmem>>, vector<16xf32>,
          %gt3A_561 = arith.cmpf ogt, %get3A_560, %select_n3A_554 : vector<16xf32>
          %select_n3A_562 = arith.select %gt3A_561, %get3A_560, %select_n3A_554 : vector<16xi1>, vector<16xf32>
          %add3A_563 = arith.constant 32 : i32
          %add3A_564 = vector.broadcast %add3A_563 : i32 to vector<16xi32>
          %add3A_565 = arith.addi %iota3A_548, %add3A_564 : vector<16xi32>
          %select_n3A_566 = arith.select %gt3A_561, %add3A_565, %select_n3A_558 : vector<16xi1>, vector<16xi32>
          %get3A_567 = arith.constant 48 : index
          %get3A_568 = tpu.vector_load %arg19[%get3A_567] {strides = array<i32>} : memref<64xf32, #tpu.memory_space<vmem>>, vector<16xf32>,
          %gt3A_569 = arith.cmpf ogt, %get3A_568, %select_n3A_562 : vector<16xf32>
          %select_n3A_570 = arith.select %gt3A_569, %get3A_568, %select_n3A_562 : vector<16xi1>, vector<16xf32>
          %add3A_571 = arith.constant 48 : i32
          %add3A_572 = vector.broadcast %add3A_571 : i32 to vector<16xi32>
          %add3A_573 = arith.addi %iota3A_548, %add3A_572 : vector<16xi32>
          %select_n3A_574 = arith.select %gt3A_569, %add3A_573, %select_n3A_566 : vector<16xi1>, vector<16xi32>
          %reduce_max3A_575 = arith.constant true
          %reduce_max3A_576 = vector.broadcast %reduce_max3A_575 : i1 to vector<16xi1>
          %reduce_max3A_577 = tpu.scan <max>, %select_n3A_570 masked %reduce_max3A_576 : vector<16xf32>, vector<16xi1> -> vector<16xf32>
          %reduce_max3A_578 = vector.extract %reduce_max3A_577[15] : f32 from vector<16xf32>
          %eq3A_579 = vector.broadcast %reduce_max3A_578 : f32 to vector<16xf32>
          %eq3A_580 = arith.cmpf oeq, %select_n3A_570, %eq3A_579 : vector<16xf32>
          %jit3A_581 = arith.constant 1073741824 : i32
          %broadcast_in_dim3A_582 = vector.broadcast %jit3A_581 : i32 to vector<16xi32>
          %select_n3A_583 = arith.select %eq3A_580, %select_n3A_574, %broadcast_in_dim3A_582 : vector<16xi1>, vector<16xi32>
          %reduce_min3A_584 = arith.constant true
          %reduce_min3A_585 = vector.broadcast %reduce_min3A_584 : i1 to vector<16xi1>
          %reduce_min3A_586 = arith.constant -2147483648 : i32
          %reduce_min3A_587 = vector.broadcast %reduce_min3A_586 : i32 to vector<16xi32>
          %reduce_min3A_588 = arith.xori %select_n3A_583, %reduce_min3A_587 : vector<16xi32>
          %reduce_min3A_589 = tpu.scan <min>, %reduce_min3A_588 masked %reduce_min3A_585 : vector<16xi32>, vector<16xi1> -> vector<16xi32>
          %reduce_min3A_590 = arith.xori %reduce_min3A_589, %reduce_min3A_587 : vector<16xi32>
          %reduce_min3A_591 = vector.extract %reduce_min3A_590[15] : i32 from vector<16xi32>
          %mul3A_592 = arith.constant 16 : i32
          %mul3A_593 = arith.muli %reduce_min3A_591, %mul3A_592 : i32
          %add3A_594 = vector.broadcast %mul3A_593 : i32 to vector<16xi32>
          %add3A_595 = arith.addi %add3A_594, %iota3A_548 : vector<16xi32>
          %gather3A_596 = tpu.vector_load_idx %arg16[%add3A_595] : memref<1024xf32, #tpu.memory_space<vmem>>[vector<16xi32>], vector<16xf32>,
          %mul3A_597 = arith.constant 16 : i32
          %mul3A_598 = arith.muli %reduce_min3A_591, %mul3A_597 : i32
          %eq3A_599 = vector.broadcast %reduce_max3A_578 : f32 to vector<16xf32>
          %eq3A_600 = arith.cmpf oeq, %gather3A_596, %eq3A_599 : vector<16xf32>
          %jit3A_601 = arith.constant 1073741824 : i32
          %broadcast_in_dim3A_602 = vector.broadcast %jit3A_601 : i32 to vector<16xi32>
          %select_n3A_603 = arith.select %eq3A_600, %iota3A_548, %broadcast_in_dim3A_602 : vector<16xi1>, vector<16xi32>
          %reduce_min3A_604 = arith.constant true
          %reduce_min3A_605 = vector.broadcast %reduce_min3A_604 : i1 to vector<16xi1>
          %reduce_min3A_606 = arith.constant -2147483648 : i32
          %reduce_min3A_607 = vector.broadcast %reduce_min3A_606 : i32 to vector<16xi32>
          %reduce_min3A_608 = arith.xori %select_n3A_603, %reduce_min3A_607 : vector<16xi32>
          %reduce_min3A_609 = tpu.scan <min>, %reduce_min3A_608 masked %reduce_min3A_605 : vector<16xi32>, vector<16xi1> -> vector<16xi32>
          %reduce_min3A_610 = arith.xori %reduce_min3A_609, %reduce_min3A_607 : vector<16xi32>
          %reduce_min3A_611 = vector.extract %reduce_min3A_610[15] : i32 from vector<16xi32>
          %add3A_612 = arith.addi %mul3A_598, %reduce_min3A_611 : i32
          %broadcast_in_dim3A_613 = vector.broadcast %add3A_612 : i32 to vector<16xi32>
          %gather3A_614 = tpu.vector_load_idx %arg17[%broadcast_in_dim3A_613] : memref<1024xi32, #tpu.memory_space<vmem>>[vector<16xi32>], vector<16xi32>,
          %reduce_max3A_615 = arith.constant true
          %reduce_max3A_616 = vector.broadcast %reduce_max3A_615 : i1 to vector<16xi1>
          %reduce_max3A_617 = arith.constant -2147483648 : i32
          %reduce_max3A_618 = vector.broadcast %reduce_max3A_617 : i32 to vector<16xi32>
          %reduce_max3A_619 = arith.xori %gather3A_614, %reduce_max3A_618 : vector<16xi32>
          %reduce_max3A_620 = tpu.scan <max>, %reduce_max3A_619 masked %reduce_max3A_616 : vector<16xi32>, vector<16xi1> -> vector<16xi32>
          %reduce_max3A_621 = arith.xori %reduce_max3A_620, %reduce_max3A_618 : vector<16xi32>
          %reduce_max3A_622 = vector.extract %reduce_max3A_621[15] : i32 from vector<16xi32>
          %broadcast_in_dim3A_623 = vector.broadcast %reduce_max3A_622 : i32 to vector<16xi32>
          %gather3A_624 = tpu.vector_load_idx %arg18[%broadcast_in_dim3A_623] : memref<1024xf32, #tpu.memory_space<vmem>>[vector<16xi32>], vector<16xf32>,
          %reduce_max3A_625 = arith.constant true
          %reduce_max3A_626 = vector.broadcast %reduce_max3A_625 : i1 to vector<16xi1>
          %reduce_max3A_627 = tpu.scan <max>, %gather3A_624 masked %reduce_max3A_626 : vector<16xf32>, vector<16xi1> -> vector<16xf32>
          %reduce_max3A_628 = vector.extract %reduce_max3A_627[15] : f32 from vector<16xf32>
          %eq3A_629 = arith.constant 0.000000e+00 : f32
          %eq3A_630 = arith.cmpf oeq, %reduce_max3A_628, %eq3A_629 : f32
          scf.yield %add3A_612, %reduce_max3A_622, %reduce_max3A_578, %eq3A_630 : i32, i32, f32, i1
        }
        %broadcast_in_dim3A_430 = vector.broadcast %while3A_429#0 : i32 to vector<16xi32>
        %broadcast_in_dim3A_431 = vector.broadcast %while3A_429#1 : i32 to vector<16xi32>
        %iota3A_432 = tpu.iota {dimensions = array<i32: 0>} : vector<16xi32>
        %eq3A_433 = arith.constant 0 : i32
        %eq3A_434 = vector.broadcast %eq3A_433 : i32 to vector<16xi32>
        %eq3A_435 = arith.cmpi eq, %iota3A_432, %eq3A_434 : vector<16xi32>
        tpu.vector_store_idx %arg21[%broadcast_in_dim3A_430], %broadcast_in_dim3A_431 masked %eq3A_435 : memref<1024xi32, #tpu.memory_space<vmem>>[vector<16xi32>], vector<16xi32>, vector<16xi1>
        %broadcast_in_dim3A_436 = vector.broadcast %while3A_429#0 : i32 to vector<16xi32>
        %broadcast_in_dim3A_437 = vector.broadcast %while3A_429#2 : f32 to vector<16xf32>
        %iota3A_438 = tpu.iota {dimensions = array<i32: 0>} : vector<16xi32>
        %eq3A_439 = arith.constant 0 : i32
        %eq3A_440 = vector.broadcast %eq3A_439 : i32 to vector<16xi32>
        %eq3A_441 = arith.cmpi eq, %iota3A_438, %eq3A_440 : vector<16xi32>
        tpu.vector_store_idx %arg22[%broadcast_in_dim3A_436], %broadcast_in_dim3A_437 masked %eq3A_441 : memref<1024xf32, #tpu.memory_space<vmem>>[vector<16xi32>], vector<16xf32>, vector<16xi1>
        %broadcast_in_dim3A_442 = vector.broadcast %while3A_429#0 : i32 to vector<16xi32>
        %broadcast_in_dim3A_443 = arith.constant 0xFF800000 : f32
        %broadcast_in_dim3A_444 = vector.broadcast %broadcast_in_dim3A_443 : f32 to vector<16xf32>
        %iota3A_445 = tpu.iota {dimensions = array<i32: 0>} : vector<16xi32>
        %eq3A_446 = arith.constant 0 : i32
        %eq3A_447 = vector.broadcast %eq3A_446 : i32 to vector<16xi32>
        %eq3A_448 = arith.cmpi eq, %iota3A_445, %eq3A_447 : vector<16xi32>
        tpu.vector_store_idx %arg16[%broadcast_in_dim3A_442], %broadcast_in_dim3A_444 masked %eq3A_448 : memref<1024xf32, #tpu.memory_space<vmem>>[vector<16xi32>], vector<16xf32>, vector<16xi1>
        %shift_right_logical3A_449 = arith.constant 4 : i32
        %shift_right_logical3A_450 = arith.shrui %while3A_429#0, %shift_right_logical3A_449 : i32
        %mul3A_451 = arith.constant 16 : i32
        %mul3A_452 = arith.muli %shift_right_logical3A_450, %mul3A_451 : i32
        %iota3A_453 = tpu.iota {dimensions = array<i32: 0>} : vector<16xi32>
        %add3A_454 = vector.broadcast %mul3A_452 : i32 to vector<16xi32>
        %add3A_455 = arith.addi %add3A_454, %iota3A_453 : vector<16xi32>
        %gather3A_456 = tpu.vector_load_idx %arg16[%add3A_455] : memref<1024xf32, #tpu.memory_space<vmem>>[vector<16xi32>], vector<16xf32>,
        %reduce_max3A_457 = arith.constant true
        %reduce_max3A_458 = vector.broadcast %reduce_max3A_457 : i1 to vector<16xi1>
        %reduce_max3A_459 = tpu.scan <max>, %gather3A_456 masked %reduce_max3A_458 : vector<16xf32>, vector<16xi1> -> vector<16xf32>
        %reduce_max3A_460 = vector.extract %reduce_max3A_459[15] : f32 from vector<16xf32>
        %broadcast_in_dim3A_461 = vector.broadcast %shift_right_logical3A_450 : i32 to vector<16xi32>
        %broadcast_in_dim3A_462 = vector.broadcast %reduce_max3A_460 : f32 to vector<16xf32>
        %iota3A_463 = tpu.iota {dimensions = array<i32: 0>} : vector<16xi32>
        %eq3A_464 = arith.constant 0 : i32
        %eq3A_465 = vector.broadcast %eq3A_464 : i32 to vector<16xi32>
        %eq3A_466 = arith.cmpi eq, %iota3A_463, %eq3A_465 : vector<16xi32>
        tpu.vector_store_idx %arg19[%broadcast_in_dim3A_461], %broadcast_in_dim3A_462 masked %eq3A_466 : memref<64xf32, #tpu.memory_space<vmem>>[vector<16xi32>], vector<16xf32>, vector<16xi1>
        %broadcast_in_dim3A_467 = vector.broadcast %while3A_429#1 : i32 to vector<16xi32>
        %broadcast_in_dim3A_468 = arith.constant 0xFF800000 : f32
        %broadcast_in_dim3A_469 = vector.broadcast %broadcast_in_dim3A_468 : f32 to vector<16xf32>
        %iota3A_470 = tpu.iota {dimensions = array<i32: 0>} : vector<16xi32>
        %eq3A_471 = arith.constant 0 : i32
        %eq3A_472 = vector.broadcast %eq3A_471 : i32 to vector<16xi32>
        %eq3A_473 = arith.cmpi eq, %iota3A_470, %eq3A_472 : vector<16xi32>
        tpu.vector_store_idx %arg18[%broadcast_in_dim3A_467], %broadcast_in_dim3A_469 masked %eq3A_473 : memref<1024xf32, #tpu.memory_space<vmem>>[vector<16xi32>], vector<16xf32>, vector<16xi1>
        %while3A_474 = arith.constant 0 : i32
        scf.yield %while3A_474 : i32
      }
      %scan3A_99 = arith.constant 0 : i32
      %scan3A_100 = arith.constant 0 : i32
      %scan3A_101 = arith.constant 1024 : i32
      %scan3A_102 = arith.addi %scan3A_100, %scan3A_101 : i32
      %scan3A_103 = arith.constant 1 : i32
      %scan3A_104 = scf.for %scan3A_346 = %scan3A_100 to %scan3A_102 step %scan3A_103 iter_args(%scan3A_347 = %scan3A_99) -> (i32)  : i32 {
        %broadcast_in_dim3A_348 = vector.broadcast %scan3A_346 : i32 to vector<16xi32>
        %gather3A = tpu.vector_load_idx %arg32[%broadcast_in_dim3A_348] : memref<1024xi32, #tpu.memory_space<vmem>>[vector<16xi32>], vector<16xi32>,
        %reduce_max3A_349 = arith.constant true
        %reduce_max3A_350 = vector.broadcast %reduce_max3A_349 : i1 to vector<16xi1>
        %reduce_max3A_351 = arith.constant -2147483648 : i32
        %reduce_max3A_352 = vector.broadcast %reduce_max3A_351 : i32 to vector<16xi32>
        %reduce_max3A_353 = arith.xori %gather3A, %reduce_max3A_352 : vector<16xi32>
        %reduce_max3A_354 = tpu.scan <max>, %reduce_max3A_353 masked %reduce_max3A_350 : vector<16xi32>, vector<16xi1> -> vector<16xi32>
        %reduce_max3A_355 = arith.xori %reduce_max3A_354, %reduce_max3A_352 : vector<16xi32>
        %reduce_max3A_356 = vector.extract %reduce_max3A_355[15] : i32 from vector<16xi32>
        %eq3A_357 = arith.constant 1 : i32
        %eq3A_358 = arith.cmpi eq, %reduce_max3A_356, %eq3A_357 : i32
        %convert_element_type3A_359 = arith.extui %eq3A_358 : i1 to i32
        %cond3A_360 = arith.constant 0 : i32
        %cond3A_361 = arith.cmpi ne, %convert_element_type3A_359, %cond3A_360 : i32
        scf.if %cond3A_361 {
          %broadcast_in_dim3A_366 = vector.broadcast %scan3A_346 : i32 to vector<16xi32>
          %gather3A_367 = tpu.vector_load_idx %arg21[%broadcast_in_dim3A_366] : memref<1024xi32, #tpu.memory_space<vmem>>[vector<16xi32>], vector<16xi32>,
          %reduce_max3A_368 = arith.constant true
          %reduce_max3A_369 = vector.broadcast %reduce_max3A_368 : i1 to vector<16xi1>
          %reduce_max3A_370 = arith.constant -2147483648 : i32
          %reduce_max3A_371 = vector.broadcast %reduce_max3A_370 : i32 to vector<16xi32>
          %reduce_max3A_372 = arith.xori %gather3A_367, %reduce_max3A_371 : vector<16xi32>
          %reduce_max3A_373 = tpu.scan <max>, %reduce_max3A_372 masked %reduce_max3A_369 : vector<16xi32>, vector<16xi1> -> vector<16xi32>
          %reduce_max3A_374 = arith.xori %reduce_max3A_373, %reduce_max3A_371 : vector<16xi32>
          %reduce_max3A_375 = vector.extract %reduce_max3A_374[15] : i32 from vector<16xi32>
          %broadcast_in_dim3A_376 = vector.broadcast %scan3A_346 : i32 to vector<16xi32>
          %gather3A_377 = tpu.vector_load_idx %arg22[%broadcast_in_dim3A_376] : memref<1024xf32, #tpu.memory_space<vmem>>[vector<16xi32>], vector<16xf32>,
          %reduce_max3A_378 = arith.constant true
          %reduce_max3A_379 = vector.broadcast %reduce_max3A_378 : i1 to vector<16xi1>
          %reduce_max3A_380 = tpu.scan <max>, %gather3A_377 masked %reduce_max3A_379 : vector<16xf32>, vector<16xi1> -> vector<16xf32>
          %reduce_max3A_381 = vector.extract %reduce_max3A_380[15] : f32 from vector<16xf32>
          %broadcast_in_dim3A_382 = vector.broadcast %scan3A_347 : i32 to vector<16xi32>
          %broadcast_in_dim3A_383 = vector.broadcast %reduce_max3A_381 : f32 to vector<16xf32>
          %iota3A_384 = tpu.iota {dimensions = array<i32: 0>} : vector<16xi32>
          %eq3A_385 = arith.constant 0 : i32
          %eq3A_386 = vector.broadcast %eq3A_385 : i32 to vector<16xi32>
          %eq3A_387 = arith.cmpi eq, %iota3A_384, %eq3A_386 : vector<16xi32>
          tpu.vector_store_idx %arg23[%broadcast_in_dim3A_382], %broadcast_in_dim3A_383 masked %eq3A_387 : memref<1024xf32, #tpu.memory_space<vmem>>[vector<16xi32>], vector<16xf32>, vector<16xi1>
          %broadcast_in_dim3A_388 = vector.broadcast %scan3A_347 : i32 to vector<16xi32>
          %broadcast_in_dim3A_389 = vector.broadcast %reduce_max3A_375 : i32 to vector<16xi32>
          %iota3A_390 = tpu.iota {dimensions = array<i32: 0>} : vector<16xi32>
          %eq3A_391 = arith.constant 0 : i32
          %eq3A_392 = vector.broadcast %eq3A_391 : i32 to vector<16xi32>
          %eq3A_393 = arith.cmpi eq, %iota3A_390, %eq3A_392 : vector<16xi32>
          tpu.vector_store_idx %arg24[%broadcast_in_dim3A_388], %broadcast_in_dim3A_389 masked %eq3A_393 : memref<1024xi32, #tpu.memory_space<vmem>>[vector<16xi32>], vector<16xi32>, vector<16xi1>
          %broadcast_in_dim3A_394 = vector.broadcast %reduce_max3A_375 : i32 to vector<16xi32>
          %broadcast_in_dim3A_395 = vector.broadcast %scan3A_347 : i32 to vector<16xi32>
          %iota3A_396 = tpu.iota {dimensions = array<i32: 0>} : vector<16xi32>
          %eq3A_397 = arith.constant 0 : i32
          %eq3A_398 = vector.broadcast %eq3A_397 : i32 to vector<16xi32>
          %eq3A_399 = arith.cmpi eq, %iota3A_396, %eq3A_398 : vector<16xi32>
          tpu.vector_store_idx %arg25[%broadcast_in_dim3A_394], %broadcast_in_dim3A_395 masked %eq3A_399 : memref<1024xi32, #tpu.memory_space<vmem>>[vector<16xi32>], vector<16xi32>, vector<16xi1>
        } else {
        }
        %jit3A_362 = arith.constant 1 : i32
        %jit3A_363 = arith.constant 0 : i32
        %select_n3A_364 = arith.select %eq3A_358, %jit3A_362, %jit3A_363 : i32
        %add3A_365 = arith.addi %scan3A_347, %select_n3A_364 : i32
        scf.yield %add3A_365 : i32
      }
      %scan3A_105 = arith.constant 1024 : i32
      %scan3A_106 = arith.constant 0 : i32
      %scan3A_107 = arith.constant 0 : i32
      %scan3A_108 = arith.constant 64 : i32
      %scan3A_109 = arith.addi %scan3A_107, %scan3A_108 : i32
      %scan3A_110 = arith.constant 1 : i32
      %scan3A_111 = scf.for %scan3A_346 = %scan3A_107 to %scan3A_109 step %scan3A_110 iter_args(%scan3A_347 = %scan3A_106) -> (i32)  : i32 {
        %mul3A_348 = arith.constant 16 : i32
        %mul3A_349 = arith.muli %scan3A_346, %mul3A_348 : i32
        %get3A_350 = arith.index_cast %mul3A_349 : i32 to index
        %get3A_351 = tpu.vector_load %arg18[%get3A_350] {strides = array<i32>} : memref<1024xf32, #tpu.memory_space<vmem>>, vector<16xf32>,
        %lt3A = arith.constant 0.000000e+00 : f32
        %lt3A_352 = vector.broadcast %lt3A : f32 to vector<16xf32>
        %lt3A_353 = arith.cmpf olt, %get3A_351, %lt3A_352 : vector<16xf32>
        %get3A_354 = arith.index_cast %mul3A_349 : i32 to index
        %get3A_355 = tpu.vector_load %arg29[%get3A_354] {strides = array<i32>} : memref<1024xf32, #tpu.memory_space<vmem>>, vector<16xf32>,
        %jit3A_356 = arith.constant 0xFF800000 : f32
        %broadcast_in_dim3A_357 = vector.broadcast %jit3A_356 : f32 to vector<16xf32>
        %select_n3A_358 = arith.select %lt3A_353, %get3A_355, %broadcast_in_dim3A_357 : vector<16xi1>, vector<16xf32>
        %swap3A = arith.index_cast %mul3A_349 : i32 to index
        %swap3A_359 = tpu.vector_load %arg16[%swap3A] {strides = array<i32>} : memref<1024xf32, #tpu.memory_space<vmem>>, vector<16xf32>,
        tpu.vector_store %arg16[%swap3A], %select_n3A_358 {strides = array<i32>} : memref<1024xf32, #tpu.memory_space<vmem>>, vector<16xf32>,
        %get3A_360 = arith.index_cast %mul3A_349 : i32 to index
        %get3A_361 = tpu.vector_load %arg30[%get3A_360] {strides = array<i32>} : memref<1024xi32, #tpu.memory_space<vmem>>, vector<16xi32>,
        %swap3A_362 = arith.index_cast %mul3A_349 : i32 to index
        %swap3A_363 = tpu.vector_load %arg17[%swap3A_362] {strides = array<i32>} : memref<1024xi32, #tpu.memory_space<vmem>>, vector<16xi32>,
        tpu.vector_store %arg17[%swap3A_362], %get3A_361 {strides = array<i32>} : memref<1024xi32, #tpu.memory_space<vmem>>, vector<16xi32>,
        %broadcast_in_dim3A_364 = arith.constant 0.000000e+00 : f32
        %broadcast_in_dim3A_365 = vector.broadcast %broadcast_in_dim3A_364 : f32 to vector<16xf32>
        %swap3A_366 = arith.index_cast %mul3A_349 : i32 to index
        %swap3A_367 = tpu.vector_load %arg18[%swap3A_366] {strides = array<i32>} : memref<1024xf32, #tpu.memory_space<vmem>>, vector<16xf32>,
        tpu.vector_store %arg18[%swap3A_366], %broadcast_in_dim3A_365 {strides = array<i32>} : memref<1024xf32, #tpu.memory_space<vmem>>, vector<16xf32>,
        %mul3A_368 = arith.constant 16 : i32
        %mul3A_369 = arith.muli %scan3A_346, %mul3A_368 : i32
        %iota3A_370 = tpu.iota {dimensions = array<i32: 0>} : vector<16xi32>
        %add3A_371 = vector.broadcast %mul3A_369 : i32 to vector<16xi32>
        %add3A_372 = arith.addi %add3A_371, %iota3A_370 : vector<16xi32>
        %gather3A = tpu.vector_load_idx %arg16[%add3A_372] : memref<1024xf32, #tpu.memory_space<vmem>>[vector<16xi32>], vector<16xf32>,
        %reduce_max3A_373 = arith.constant true
        %reduce_max3A_374 = vector.broadcast %reduce_max3A_373 : i1 to vector<16xi1>
        %reduce_max3A_375 = tpu.scan <max>, %gather3A masked %reduce_max3A_374 : vector<16xf32>, vector<16xi1> -> vector<16xf32>
        %reduce_max3A_376 = vector.extract %reduce_max3A_375[15] : f32 from vector<16xf32>
        %broadcast_in_dim3A_377 = vector.broadcast %scan3A_346 : i32 to vector<16xi32>
        %broadcast_in_dim3A_378 = vector.broadcast %reduce_max3A_376 : f32 to vector<16xf32>
        %iota3A_379 = tpu.iota {dimensions = array<i32: 0>} : vector<16xi32>
        %eq3A_380 = arith.constant 0 : i32
        %eq3A_381 = vector.broadcast %eq3A_380 : i32 to vector<16xi32>
        %eq3A_382 = arith.cmpi eq, %iota3A_379, %eq3A_381 : vector<16xi32>
        tpu.vector_store_idx %arg19[%broadcast_in_dim3A_377], %broadcast_in_dim3A_378 masked %eq3A_382 : memref<64xf32, #tpu.memory_space<vmem>>[vector<16xi32>], vector<16xf32>, vector<16xi1>
        %scan3A_383 = arith.constant 0 : i32
        scf.yield %scan3A_383 : i32
      }
      %scan3A_112 = arith.constant 64 : i32
      %while3A_113 = arith.constant 0 : i32
      %while3A_114 = arith.constant 0 : i32
      %while3A_115 = arith.subi %convert_element_type3A_87, %while3A_113 : i32
      %while3A_116 = arith.addi %while3A_113, %while3A_115 : i32
      %while3A_117 = arith.constant 1 : i32
      %while3A_118 = arith.divsi %while3A_115, %while3A_117 : i32
      %while3A_119 = arith.muli %while3A_118, %while3A_117 : i32
      %while3A_120 = arith.addi %while3A_113, %while3A_119 : i32
      %while3A_121 = arith.constant 1 : i32
      %while3A_122 = scf.for %while3A_346 = %while3A_113 to %while3A_120 step %while3A_121 iter_args(%while3A_347 = %while3A_114) -> (i32)  : i32 {
        %iota3A_348 = tpu.iota {dimensions = array<i32: 0>} : vector<16xi32>
        %get3A_349 = arith.constant 0 : index
        %get3A_350 = tpu.vector_load %arg19[%get3A_349] {strides = array<i32>} : memref<64xf32, #tpu.memory_space<vmem>>, vector<16xf32>,
        %get3A_351 = arith.constant 16 : index
        %get3A_352 = tpu.vector_load %arg19[%get3A_351] {strides = array<i32>} : memref<64xf32, #tpu.memory_space<vmem>>, vector<16xf32>,
        %gt3A = arith.cmpf ogt, %get3A_352, %get3A_350 : vector<16xf32>
        %select_n3A_353 = arith.select %gt3A, %get3A_352, %get3A_350 : vector<16xi1>, vector<16xf32>
        %add3A_354 = arith.constant 16 : i32
        %add3A_355 = vector.broadcast %add3A_354 : i32 to vector<16xi32>
        %add3A_356 = arith.addi %iota3A_348, %add3A_355 : vector<16xi32>
        %select_n3A_357 = arith.select %gt3A, %add3A_356, %iota3A_348 : vector<16xi1>, vector<16xi32>
        %get3A_358 = arith.constant 32 : index
        %get3A_359 = tpu.vector_load %arg19[%get3A_358] {strides = array<i32>} : memref<64xf32, #tpu.memory_space<vmem>>, vector<16xf32>,
        %gt3A_360 = arith.cmpf ogt, %get3A_359, %select_n3A_353 : vector<16xf32>
        %select_n3A_361 = arith.select %gt3A_360, %get3A_359, %select_n3A_353 : vector<16xi1>, vector<16xf32>
        %add3A_362 = arith.constant 32 : i32
        %add3A_363 = vector.broadcast %add3A_362 : i32 to vector<16xi32>
        %add3A_364 = arith.addi %iota3A_348, %add3A_363 : vector<16xi32>
        %select_n3A_365 = arith.select %gt3A_360, %add3A_364, %select_n3A_357 : vector<16xi1>, vector<16xi32>
        %get3A_366 = arith.constant 48 : index
        %get3A_367 = tpu.vector_load %arg19[%get3A_366] {strides = array<i32>} : memref<64xf32, #tpu.memory_space<vmem>>, vector<16xf32>,
        %gt3A_368 = arith.cmpf ogt, %get3A_367, %select_n3A_361 : vector<16xf32>
        %select_n3A_369 = arith.select %gt3A_368, %get3A_367, %select_n3A_361 : vector<16xi1>, vector<16xf32>
        %add3A_370 = arith.constant 48 : i32
        %add3A_371 = vector.broadcast %add3A_370 : i32 to vector<16xi32>
        %add3A_372 = arith.addi %iota3A_348, %add3A_371 : vector<16xi32>
        %select_n3A_373 = arith.select %gt3A_368, %add3A_372, %select_n3A_365 : vector<16xi1>, vector<16xi32>
        %reduce_max3A_374 = arith.constant true
        %reduce_max3A_375 = vector.broadcast %reduce_max3A_374 : i1 to vector<16xi1>
        %reduce_max3A_376 = tpu.scan <max>, %select_n3A_369 masked %reduce_max3A_375 : vector<16xf32>, vector<16xi1> -> vector<16xf32>
        %reduce_max3A_377 = vector.extract %reduce_max3A_376[15] : f32 from vector<16xf32>
        %eq3A_378 = vector.broadcast %reduce_max3A_377 : f32 to vector<16xf32>
        %eq3A_379 = arith.cmpf oeq, %select_n3A_369, %eq3A_378 : vector<16xf32>
        %jit3A_380 = arith.constant 1073741824 : i32
        %broadcast_in_dim3A_381 = vector.broadcast %jit3A_380 : i32 to vector<16xi32>
        %select_n3A_382 = arith.select %eq3A_379, %select_n3A_373, %broadcast_in_dim3A_381 : vector<16xi1>, vector<16xi32>
        %reduce_min3A_383 = arith.constant true
        %reduce_min3A_384 = vector.broadcast %reduce_min3A_383 : i1 to vector<16xi1>
        %reduce_min3A_385 = arith.constant -2147483648 : i32
        %reduce_min3A_386 = vector.broadcast %reduce_min3A_385 : i32 to vector<16xi32>
        %reduce_min3A_387 = arith.xori %select_n3A_382, %reduce_min3A_386 : vector<16xi32>
        %reduce_min3A_388 = tpu.scan <min>, %reduce_min3A_387 masked %reduce_min3A_384 : vector<16xi32>, vector<16xi1> -> vector<16xi32>
        %reduce_min3A_389 = arith.xori %reduce_min3A_388, %reduce_min3A_386 : vector<16xi32>
        %reduce_min3A_390 = vector.extract %reduce_min3A_389[15] : i32 from vector<16xi32>
        %mul3A_391 = arith.constant 16 : i32
        %mul3A_392 = arith.muli %reduce_min3A_390, %mul3A_391 : i32
        %add3A_393 = vector.broadcast %mul3A_392 : i32 to vector<16xi32>
        %add3A_394 = arith.addi %add3A_393, %iota3A_348 : vector<16xi32>
        %gather3A = tpu.vector_load_idx %arg16[%add3A_394] : memref<1024xf32, #tpu.memory_space<vmem>>[vector<16xi32>], vector<16xf32>,
        %mul3A_395 = arith.constant 16 : i32
        %mul3A_396 = arith.muli %reduce_min3A_390, %mul3A_395 : i32
        %eq3A_397 = vector.broadcast %reduce_max3A_377 : f32 to vector<16xf32>
        %eq3A_398 = arith.cmpf oeq, %gather3A, %eq3A_397 : vector<16xf32>
        %jit3A_399 = arith.constant 1073741824 : i32
        %broadcast_in_dim3A_400 = vector.broadcast %jit3A_399 : i32 to vector<16xi32>
        %select_n3A_401 = arith.select %eq3A_398, %iota3A_348, %broadcast_in_dim3A_400 : vector<16xi1>, vector<16xi32>
        %reduce_min3A_402 = arith.constant true
        %reduce_min3A_403 = vector.broadcast %reduce_min3A_402 : i1 to vector<16xi1>
        %reduce_min3A_404 = arith.constant -2147483648 : i32
        %reduce_min3A_405 = vector.broadcast %reduce_min3A_404 : i32 to vector<16xi32>
        %reduce_min3A_406 = arith.xori %select_n3A_401, %reduce_min3A_405 : vector<16xi32>
        %reduce_min3A_407 = tpu.scan <min>, %reduce_min3A_406 masked %reduce_min3A_403 : vector<16xi32>, vector<16xi1> -> vector<16xi32>
        %reduce_min3A_408 = arith.xori %reduce_min3A_407, %reduce_min3A_405 : vector<16xi32>
        %reduce_min3A_409 = vector.extract %reduce_min3A_408[15] : i32 from vector<16xi32>
        %add3A_410 = arith.addi %mul3A_396, %reduce_min3A_409 : i32
        %broadcast_in_dim3A_411 = vector.broadcast %add3A_410 : i32 to vector<16xi32>
        %gather3A_412 = tpu.vector_load_idx %arg17[%broadcast_in_dim3A_411] : memref<1024xi32, #tpu.memory_space<vmem>>[vector<16xi32>], vector<16xi32>,
        %reduce_max3A_413 = arith.constant true
        %reduce_max3A_414 = vector.broadcast %reduce_max3A_413 : i1 to vector<16xi1>
        %reduce_max3A_415 = arith.constant -2147483648 : i32
        %reduce_max3A_416 = vector.broadcast %reduce_max3A_415 : i32 to vector<16xi32>
        %reduce_max3A_417 = arith.xori %gather3A_412, %reduce_max3A_416 : vector<16xi32>
        %reduce_max3A_418 = tpu.scan <max>, %reduce_max3A_417 masked %reduce_max3A_414 : vector<16xi32>, vector<16xi1> -> vector<16xi32>
        %reduce_max3A_419 = arith.xori %reduce_max3A_418, %reduce_max3A_416 : vector<16xi32>
        %reduce_max3A_420 = vector.extract %reduce_max3A_419[15] : i32 from vector<16xi32>
        %broadcast_in_dim3A_421 = vector.broadcast %reduce_max3A_420 : i32 to vector<16xi32>
        %gather3A_422 = tpu.vector_load_idx %arg18[%broadcast_in_dim3A_421] : memref<1024xf32, #tpu.memory_space<vmem>>[vector<16xi32>], vector<16xf32>,
        %reduce_max3A_423 = arith.constant true
        %reduce_max3A_424 = vector.broadcast %reduce_max3A_423 : i1 to vector<16xi1>
        %reduce_max3A_425 = tpu.scan <max>, %gather3A_422 masked %reduce_max3A_424 : vector<16xf32>, vector<16xi1> -> vector<16xf32>
        %reduce_max3A_426 = vector.extract %reduce_max3A_425[15] : f32 from vector<16xf32>
        %eq3A_427 = arith.constant 0.000000e+00 : f32
        %eq3A_428 = arith.cmpf oeq, %reduce_max3A_426, %eq3A_427 : f32
        %while3A_429:4 = scf.while (%while3A_479 = %add3A_410, %while3A_480 = %reduce_max3A_420, %while3A_481 = %reduce_max3A_377, %while3A_482 = %eq3A_428) : (i32, i32, f32, i1) -> (i32, i32, f32, i1) {
          %not3A = arith.constant true
          %not3A_483 = arith.xori %while3A_482, %not3A : i1
          scf.condition(%not3A_483) %while3A_479, %while3A_480, %while3A_481, %while3A_482 : i32, i32, f32, i1
        } do {
        ^bb0(%while3A_479: i32, %while3A_480: i32, %while3A_481: f32, %while3A_482: i1):
          %dma_start3A = arith.constant 0 : i32
          %dma_start3A_483 = tpu.memref_slice %arg3[%while3A_479, %dma_start3A] : memref<1024x1024xf32, #tpu.memory_space<hbm>> -> memref<1x1024xf32, #tpu.memory_space<hbm>>
          %dma_start3A_484 = tpu.memref_squeeze %dma_start3A_483 : memref<1x1024xf32, #tpu.memory_space<hbm>> -> memref<1024xf32, #tpu.memory_space<hbm>>
          %dma_start3A_485 = arith.constant 0 : i32
          %dma_start3A_486 = tpu.memref_slice %arg3[%while3A_479, %dma_start3A_485] : memref<1024x1024xf32, #tpu.memory_space<hbm>> -> memref<1x1024xf32, #tpu.memory_space<hbm>>
          %dma_start3A_487 = tpu.memref_squeeze %dma_start3A_486 : memref<1x1024xf32, #tpu.memory_space<hbm>> -> memref<1024xf32, #tpu.memory_space<hbm>>
          tpu.enqueue_dma source(%dma_start3A_487 : memref<1024xf32, #tpu.memory_space<hbm>>) target(%arg20 : memref<1024xf32, #tpu.memory_space<vmem>>) target_semaphore(%arg39 : memref<!tpu.dma_semaphore, #tpu.memory_space<semaphore_mem>>)
          %dma_wait3A = arith.constant 0 : i32
          %dma_wait3A_488 = tpu.memref_slice %arg3[%while3A_479, %dma_wait3A] : memref<1024x1024xf32, #tpu.memory_space<hbm>> -> memref<1x1024xf32, #tpu.memory_space<hbm>>
          %dma_wait3A_489 = tpu.memref_squeeze %dma_wait3A_488 : memref<1x1024xf32, #tpu.memory_space<hbm>> -> memref<1024xf32, #tpu.memory_space<hbm>>
          %dma_wait3A_490 = arith.constant 0 : i32
          %dma_wait3A_491 = tpu.memref_slice %arg3[%while3A_479, %dma_wait3A_490] : memref<1024x1024xf32, #tpu.memory_space<hbm>> -> memref<1x1024xf32, #tpu.memory_space<hbm>>
          %dma_wait3A_492 = tpu.memref_squeeze %dma_wait3A_491 : memref<1x1024xf32, #tpu.memory_space<hbm>> -> memref<1024xf32, #tpu.memory_space<hbm>>
          tpu.wait_dma2 semaphore(%arg39 : memref<!tpu.dma_semaphore, #tpu.memory_space<semaphore_mem>>) src(%dma_wait3A_492 : memref<1024xf32, #tpu.memory_space<hbm>>) dst(%arg20 : memref<1024xf32, #tpu.memory_space<vmem>>)
          %iota3A_493 = tpu.iota {dimensions = array<i32: 0>} : vector<16xi32>
          %get3A_494 = arith.constant 0 : index
          %get3A_495 = tpu.vector_load %arg20[%get3A_494] {strides = array<i32>} : memref<1024xf32, #tpu.memory_space<vmem>>, vector<16xf32>,
          %get3A_496 = arith.constant 0 : index
          %get3A_497 = tpu.vector_load %arg18[%get3A_496] {strides = array<i32>} : memref<1024xf32, #tpu.memory_space<vmem>>, vector<16xf32>,
          %add3A_498 = arith.addf %get3A_495, %get3A_497 : vector<16xf32>
          %scan3A_499 = arith.constant 1 : i32
          %scan3A_500 = arith.constant 63 : i32
          %scan3A_501 = arith.addi %scan3A_499, %scan3A_500 : i32
          %scan3A_502 = arith.constant 1 : i32
          %scan3A_503:2 = scf.for %scan3A_635 = %scan3A_499 to %scan3A_501 step %scan3A_502 iter_args(%scan3A_636 = %add3A_498, %scan3A_637 = %iota3A_493) -> (vector<16xf32>, vector<16xi32>)  : i32 {
            %mul3A_638 = arith.constant 16 : i32
            %mul3A_639 = arith.muli %scan3A_635, %mul3A_638 : i32
            %get3A_640 = arith.index_cast %mul3A_639 : i32 to index
            %get3A_641 = tpu.vector_load %arg20[%get3A_640] {strides = array<i32>} : memref<1024xf32, #tpu.memory_space<vmem>>, vector<16xf32>,
            %mul3A_642 = arith.constant 16 : i32
            %mul3A_643 = arith.muli %scan3A_635, %mul3A_642 : i32
            %get3A_644 = arith.index_cast %mul3A_643 : i32 to index
            %get3A_645 = tpu.vector_load %arg18[%get3A_644] {strides = array<i32>} : memref<1024xf32, #tpu.memory_space<vmem>>, vector<16xf32>,
            %add3A_646 = arith.addf %get3A_641, %get3A_645 : vector<16xf32>
            %gt3A_647 = arith.cmpf ogt, %add3A_646, %scan3A_636 : vector<16xf32>
            %select_n3A_648 = arith.select %gt3A_647, %add3A_646, %scan3A_636 : vector<16xi1>, vector<16xf32>
            %mul3A_649 = arith.constant 16 : i32
            %mul3A_650 = arith.muli %scan3A_635, %mul3A_649 : i32
            %add3A_651 = vector.broadcast %mul3A_650 : i32 to vector<16xi32>
            %add3A_652 = arith.addi %iota3A_493, %add3A_651 : vector<16xi32>
            %select_n3A_653 = arith.select %gt3A_647, %add3A_652, %scan3A_637 : vector<16xi1>, vector<16xi32>
            scf.yield %select_n3A_648, %select_n3A_653 : vector<16xf32>, vector<16xi32>
          }
          %scan3A_504 = arith.constant 63 : i32
          %reduce_max3A_505 = arith.constant true
          %reduce_max3A_506 = vector.broadcast %reduce_max3A_505 : i1 to vector<16xi1>
          %reduce_max3A_507 = tpu.scan <max>, %scan3A_503#0 masked %reduce_max3A_506 : vector<16xf32>, vector<16xi1> -> vector<16xf32>
          %reduce_max3A_508 = vector.extract %reduce_max3A_507[15] : f32 from vector<16xf32>
          %eq3A_509 = vector.broadcast %reduce_max3A_508 : f32 to vector<16xf32>
          %eq3A_510 = arith.cmpf oeq, %scan3A_503#0, %eq3A_509 : vector<16xf32>
          %jit3A_511 = arith.constant 1073741824 : i32
          %broadcast_in_dim3A_512 = vector.broadcast %jit3A_511 : i32 to vector<16xi32>
          %select_n3A_513 = arith.select %eq3A_510, %scan3A_503#1, %broadcast_in_dim3A_512 : vector<16xi1>, vector<16xi32>
          %reduce_min3A_514 = arith.constant true
          %reduce_min3A_515 = vector.broadcast %reduce_min3A_514 : i1 to vector<16xi1>
          %reduce_min3A_516 = arith.constant -2147483648 : i32
          %reduce_min3A_517 = vector.broadcast %reduce_min3A_516 : i32 to vector<16xi32>
          %reduce_min3A_518 = arith.xori %select_n3A_513, %reduce_min3A_517 : vector<16xi32>
          %reduce_min3A_519 = tpu.scan <min>, %reduce_min3A_518 masked %reduce_min3A_515 : vector<16xi32>, vector<16xi1> -> vector<16xi32>
          %reduce_min3A_520 = arith.xori %reduce_min3A_519, %reduce_min3A_517 : vector<16xi32>
          %reduce_min3A_521 = vector.extract %reduce_min3A_520[15] : i32 from vector<16xi32>
          %broadcast_in_dim3A_522 = vector.broadcast %while3A_479 : i32 to vector<16xi32>
          %broadcast_in_dim3A_523 = vector.broadcast %reduce_max3A_508 : f32 to vector<16xf32>
          %iota3A_524 = tpu.iota {dimensions = array<i32: 0>} : vector<16xi32>
          %eq3A_525 = arith.constant 0 : i32
          %eq3A_526 = vector.broadcast %eq3A_525 : i32 to vector<16xi32>
          %eq3A_527 = arith.cmpi eq, %iota3A_524, %eq3A_526 : vector<16xi32>
          tpu.vector_store_idx %arg16[%broadcast_in_dim3A_522], %broadcast_in_dim3A_523 masked %eq3A_527 : memref<1024xf32, #tpu.memory_space<vmem>>[vector<16xi32>], vector<16xf32>, vector<16xi1>
          %broadcast_in_dim3A_528 = vector.broadcast %while3A_479 : i32 to vector<16xi32>
          %broadcast_in_dim3A_529 = vector.broadcast %reduce_min3A_521 : i32 to vector<16xi32>
          %iota3A_530 = tpu.iota {dimensions = array<i32: 0>} : vector<16xi32>
          %eq3A_531 = arith.constant 0 : i32
          %eq3A_532 = vector.broadcast %eq3A_531 : i32 to vector<16xi32>
          %eq3A_533 = arith.cmpi eq, %iota3A_530, %eq3A_532 : vector<16xi32>
          tpu.vector_store_idx %arg17[%broadcast_in_dim3A_528], %broadcast_in_dim3A_529 masked %eq3A_533 : memref<1024xi32, #tpu.memory_space<vmem>>[vector<16xi32>], vector<16xi32>, vector<16xi1>
          %shift_right_logical3A_534 = arith.constant 4 : i32
          %shift_right_logical3A_535 = arith.shrui %while3A_479, %shift_right_logical3A_534 : i32
          %mul3A_536 = arith.constant 16 : i32
          %mul3A_537 = arith.muli %shift_right_logical3A_535, %mul3A_536 : i32
          %iota3A_538 = tpu.iota {dimensions = array<i32: 0>} : vector<16xi32>
          %add3A_539 = vector.broadcast %mul3A_537 : i32 to vector<16xi32>
          %add3A_540 = arith.addi %add3A_539, %iota3A_538 : vector<16xi32>
          %gather3A_541 = tpu.vector_load_idx %arg16[%add3A_540] : memref<1024xf32, #tpu.memory_space<vmem>>[vector<16xi32>], vector<16xf32>,
          %reduce_max3A_542 = arith.constant true
          %reduce_max3A_543 = vector.broadcast %reduce_max3A_542 : i1 to vector<16xi1>
          %reduce_max3A_544 = tpu.scan <max>, %gather3A_541 masked %reduce_max3A_543 : vector<16xf32>, vector<16xi1> -> vector<16xf32>
          %reduce_max3A_545 = vector.extract %reduce_max3A_544[15] : f32 from vector<16xf32>
          %broadcast_in_dim3A_546 = vector.broadcast %shift_right_logical3A_535 : i32 to vector<16xi32>
          %broadcast_in_dim3A_547 = vector.broadcast %reduce_max3A_545 : f32 to vector<16xf32>
          %iota3A_548 = tpu.iota {dimensions = array<i32: 0>} : vector<16xi32>
          %eq3A_549 = arith.constant 0 : i32
          %eq3A_550 = vector.broadcast %eq3A_549 : i32 to vector<16xi32>
          %eq3A_551 = arith.cmpi eq, %iota3A_548, %eq3A_550 : vector<16xi32>
          tpu.vector_store_idx %arg19[%broadcast_in_dim3A_546], %broadcast_in_dim3A_547 masked %eq3A_551 : memref<64xf32, #tpu.memory_space<vmem>>[vector<16xi32>], vector<16xf32>, vector<16xi1>
          %iota3A_552 = tpu.iota {dimensions = array<i32: 0>} : vector<16xi32>
          %get3A_553 = arith.constant 0 : index
          %get3A_554 = tpu.vector_load %arg19[%get3A_553] {strides = array<i32>} : memref<64xf32, #tpu.memory_space<vmem>>, vector<16xf32>,
          %get3A_555 = arith.constant 16 : index
          %get3A_556 = tpu.vector_load %arg19[%get3A_555] {strides = array<i32>} : memref<64xf32, #tpu.memory_space<vmem>>, vector<16xf32>,
          %gt3A_557 = arith.cmpf ogt, %get3A_556, %get3A_554 : vector<16xf32>
          %select_n3A_558 = arith.select %gt3A_557, %get3A_556, %get3A_554 : vector<16xi1>, vector<16xf32>
          %add3A_559 = arith.constant 16 : i32
          %add3A_560 = vector.broadcast %add3A_559 : i32 to vector<16xi32>
          %add3A_561 = arith.addi %iota3A_552, %add3A_560 : vector<16xi32>
          %select_n3A_562 = arith.select %gt3A_557, %add3A_561, %iota3A_552 : vector<16xi1>, vector<16xi32>
          %get3A_563 = arith.constant 32 : index
          %get3A_564 = tpu.vector_load %arg19[%get3A_563] {strides = array<i32>} : memref<64xf32, #tpu.memory_space<vmem>>, vector<16xf32>,
          %gt3A_565 = arith.cmpf ogt, %get3A_564, %select_n3A_558 : vector<16xf32>
          %select_n3A_566 = arith.select %gt3A_565, %get3A_564, %select_n3A_558 : vector<16xi1>, vector<16xf32>
          %add3A_567 = arith.constant 32 : i32
          %add3A_568 = vector.broadcast %add3A_567 : i32 to vector<16xi32>
          %add3A_569 = arith.addi %iota3A_552, %add3A_568 : vector<16xi32>
          %select_n3A_570 = arith.select %gt3A_565, %add3A_569, %select_n3A_562 : vector<16xi1>, vector<16xi32>
          %get3A_571 = arith.constant 48 : index
          %get3A_572 = tpu.vector_load %arg19[%get3A_571] {strides = array<i32>} : memref<64xf32, #tpu.memory_space<vmem>>, vector<16xf32>,
          %gt3A_573 = arith.cmpf ogt, %get3A_572, %select_n3A_566 : vector<16xf32>
          %select_n3A_574 = arith.select %gt3A_573, %get3A_572, %select_n3A_566 : vector<16xi1>, vector<16xf32>
          %add3A_575 = arith.constant 48 : i32
          %add3A_576 = vector.broadcast %add3A_575 : i32 to vector<16xi32>
          %add3A_577 = arith.addi %iota3A_552, %add3A_576 : vector<16xi32>
          %select_n3A_578 = arith.select %gt3A_573, %add3A_577, %select_n3A_570 : vector<16xi1>, vector<16xi32>
          %reduce_max3A_579 = arith.constant true
          %reduce_max3A_580 = vector.broadcast %reduce_max3A_579 : i1 to vector<16xi1>
          %reduce_max3A_581 = tpu.scan <max>, %select_n3A_574 masked %reduce_max3A_580 : vector<16xf32>, vector<16xi1> -> vector<16xf32>
          %reduce_max3A_582 = vector.extract %reduce_max3A_581[15] : f32 from vector<16xf32>
          %eq3A_583 = vector.broadcast %reduce_max3A_582 : f32 to vector<16xf32>
          %eq3A_584 = arith.cmpf oeq, %select_n3A_574, %eq3A_583 : vector<16xf32>
          %jit3A_585 = arith.constant 1073741824 : i32
          %broadcast_in_dim3A_586 = vector.broadcast %jit3A_585 : i32 to vector<16xi32>
          %select_n3A_587 = arith.select %eq3A_584, %select_n3A_578, %broadcast_in_dim3A_586 : vector<16xi1>, vector<16xi32>
          %reduce_min3A_588 = arith.constant true
          %reduce_min3A_589 = vector.broadcast %reduce_min3A_588 : i1 to vector<16xi1>
          %reduce_min3A_590 = arith.constant -2147483648 : i32
          %reduce_min3A_591 = vector.broadcast %reduce_min3A_590 : i32 to vector<16xi32>
          %reduce_min3A_592 = arith.xori %select_n3A_587, %reduce_min3A_591 : vector<16xi32>
          %reduce_min3A_593 = tpu.scan <min>, %reduce_min3A_592 masked %reduce_min3A_589 : vector<16xi32>, vector<16xi1> -> vector<16xi32>
          %reduce_min3A_594 = arith.xori %reduce_min3A_593, %reduce_min3A_591 : vector<16xi32>
          %reduce_min3A_595 = vector.extract %reduce_min3A_594[15] : i32 from vector<16xi32>
          %mul3A_596 = arith.constant 16 : i32
          %mul3A_597 = arith.muli %reduce_min3A_595, %mul3A_596 : i32
          %add3A_598 = vector.broadcast %mul3A_597 : i32 to vector<16xi32>
          %add3A_599 = arith.addi %add3A_598, %iota3A_552 : vector<16xi32>
          %gather3A_600 = tpu.vector_load_idx %arg16[%add3A_599] : memref<1024xf32, #tpu.memory_space<vmem>>[vector<16xi32>], vector<16xf32>,
          %mul3A_601 = arith.constant 16 : i32
          %mul3A_602 = arith.muli %reduce_min3A_595, %mul3A_601 : i32
          %eq3A_603 = vector.broadcast %reduce_max3A_582 : f32 to vector<16xf32>
          %eq3A_604 = arith.cmpf oeq, %gather3A_600, %eq3A_603 : vector<16xf32>
          %jit3A_605 = arith.constant 1073741824 : i32
          %broadcast_in_dim3A_606 = vector.broadcast %jit3A_605 : i32 to vector<16xi32>
          %select_n3A_607 = arith.select %eq3A_604, %iota3A_552, %broadcast_in_dim3A_606 : vector<16xi1>, vector<16xi32>
          %reduce_min3A_608 = arith.constant true
          %reduce_min3A_609 = vector.broadcast %reduce_min3A_608 : i1 to vector<16xi1>
          %reduce_min3A_610 = arith.constant -2147483648 : i32
          %reduce_min3A_611 = vector.broadcast %reduce_min3A_610 : i32 to vector<16xi32>
          %reduce_min3A_612 = arith.xori %select_n3A_607, %reduce_min3A_611 : vector<16xi32>
          %reduce_min3A_613 = tpu.scan <min>, %reduce_min3A_612 masked %reduce_min3A_609 : vector<16xi32>, vector<16xi1> -> vector<16xi32>
          %reduce_min3A_614 = arith.xori %reduce_min3A_613, %reduce_min3A_611 : vector<16xi32>
          %reduce_min3A_615 = vector.extract %reduce_min3A_614[15] : i32 from vector<16xi32>
          %add3A_616 = arith.addi %mul3A_602, %reduce_min3A_615 : i32
          %broadcast_in_dim3A_617 = vector.broadcast %add3A_616 : i32 to vector<16xi32>
          %gather3A_618 = tpu.vector_load_idx %arg17[%broadcast_in_dim3A_617] : memref<1024xi32, #tpu.memory_space<vmem>>[vector<16xi32>], vector<16xi32>,
          %reduce_max3A_619 = arith.constant true
          %reduce_max3A_620 = vector.broadcast %reduce_max3A_619 : i1 to vector<16xi1>
          %reduce_max3A_621 = arith.constant -2147483648 : i32
          %reduce_max3A_622 = vector.broadcast %reduce_max3A_621 : i32 to vector<16xi32>
          %reduce_max3A_623 = arith.xori %gather3A_618, %reduce_max3A_622 : vector<16xi32>
          %reduce_max3A_624 = tpu.scan <max>, %reduce_max3A_623 masked %reduce_max3A_620 : vector<16xi32>, vector<16xi1> -> vector<16xi32>
          %reduce_max3A_625 = arith.xori %reduce_max3A_624, %reduce_max3A_622 : vector<16xi32>
          %reduce_max3A_626 = vector.extract %reduce_max3A_625[15] : i32 from vector<16xi32>
          %broadcast_in_dim3A_627 = vector.broadcast %reduce_max3A_626 : i32 to vector<16xi32>
          %gather3A_628 = tpu.vector_load_idx %arg18[%broadcast_in_dim3A_627] : memref<1024xf32, #tpu.memory_space<vmem>>[vector<16xi32>], vector<16xf32>,
          %reduce_max3A_629 = arith.constant true
          %reduce_max3A_630 = vector.broadcast %reduce_max3A_629 : i1 to vector<16xi1>
          %reduce_max3A_631 = tpu.scan <max>, %gather3A_628 masked %reduce_max3A_630 : vector<16xf32>, vector<16xi1> -> vector<16xf32>
          %reduce_max3A_632 = vector.extract %reduce_max3A_631[15] : f32 from vector<16xf32>
          %eq3A_633 = arith.constant 0.000000e+00 : f32
          %eq3A_634 = arith.cmpf oeq, %reduce_max3A_632, %eq3A_633 : f32
          scf.yield %add3A_616, %reduce_max3A_626, %reduce_max3A_582, %eq3A_634 : i32, i32, f32, i1
        }
        %broadcast_in_dim3A_430 = vector.broadcast %while3A_429#0 : i32 to vector<16xi32>
        %gather3A_431 = tpu.vector_load_idx %arg25[%broadcast_in_dim3A_430] : memref<1024xi32, #tpu.memory_space<vmem>>[vector<16xi32>], vector<16xi32>,
        %reduce_max3A_432 = arith.constant true
        %reduce_max3A_433 = vector.broadcast %reduce_max3A_432 : i1 to vector<16xi1>
        %reduce_max3A_434 = arith.constant -2147483648 : i32
        %reduce_max3A_435 = vector.broadcast %reduce_max3A_434 : i32 to vector<16xi32>
        %reduce_max3A_436 = arith.xori %gather3A_431, %reduce_max3A_435 : vector<16xi32>
        %reduce_max3A_437 = tpu.scan <max>, %reduce_max3A_436 masked %reduce_max3A_433 : vector<16xi32>, vector<16xi1> -> vector<16xi32>
        %reduce_max3A_438 = arith.xori %reduce_max3A_437, %reduce_max3A_435 : vector<16xi32>
        %reduce_max3A_439 = vector.extract %reduce_max3A_438[15] : i32 from vector<16xi32>
        %broadcast_in_dim3A_440 = vector.broadcast %reduce_max3A_439 : i32 to vector<16xi32>
        %broadcast_in_dim3A_441 = vector.broadcast %while3A_429#1 : i32 to vector<16xi32>
        %iota3A_442 = tpu.iota {dimensions = array<i32: 0>} : vector<16xi32>
        %eq3A_443 = arith.constant 0 : i32
        %eq3A_444 = vector.broadcast %eq3A_443 : i32 to vector<16xi32>
        %eq3A_445 = arith.cmpi eq, %iota3A_442, %eq3A_444 : vector<16xi32>
        tpu.vector_store_idx %arg26[%broadcast_in_dim3A_440], %broadcast_in_dim3A_441 masked %eq3A_445 : memref<1024xi32, #tpu.memory_space<vmem>>[vector<16xi32>], vector<16xi32>, vector<16xi1>
        %broadcast_in_dim3A_446 = vector.broadcast %while3A_429#0 : i32 to vector<16xi32>
        %broadcast_in_dim3A_447 = arith.constant 0xFF800000 : f32
        %broadcast_in_dim3A_448 = vector.broadcast %broadcast_in_dim3A_447 : f32 to vector<16xf32>
        %iota3A_449 = tpu.iota {dimensions = array<i32: 0>} : vector<16xi32>
        %eq3A_450 = arith.constant 0 : i32
        %eq3A_451 = vector.broadcast %eq3A_450 : i32 to vector<16xi32>
        %eq3A_452 = arith.cmpi eq, %iota3A_449, %eq3A_451 : vector<16xi32>
        tpu.vector_store_idx %arg16[%broadcast_in_dim3A_446], %broadcast_in_dim3A_448 masked %eq3A_452 : memref<1024xf32, #tpu.memory_space<vmem>>[vector<16xi32>], vector<16xf32>, vector<16xi1>
        %shift_right_logical3A_453 = arith.constant 4 : i32
        %shift_right_logical3A_454 = arith.shrui %while3A_429#0, %shift_right_logical3A_453 : i32
        %mul3A_455 = arith.constant 16 : i32
        %mul3A_456 = arith.muli %shift_right_logical3A_454, %mul3A_455 : i32
        %iota3A_457 = tpu.iota {dimensions = array<i32: 0>} : vector<16xi32>
        %add3A_458 = vector.broadcast %mul3A_456 : i32 to vector<16xi32>
        %add3A_459 = arith.addi %add3A_458, %iota3A_457 : vector<16xi32>
        %gather3A_460 = tpu.vector_load_idx %arg16[%add3A_459] : memref<1024xf32, #tpu.memory_space<vmem>>[vector<16xi32>], vector<16xf32>,
        %reduce_max3A_461 = arith.constant true
        %reduce_max3A_462 = vector.broadcast %reduce_max3A_461 : i1 to vector<16xi1>
        %reduce_max3A_463 = tpu.scan <max>, %gather3A_460 masked %reduce_max3A_462 : vector<16xf32>, vector<16xi1> -> vector<16xf32>
        %reduce_max3A_464 = vector.extract %reduce_max3A_463[15] : f32 from vector<16xf32>
        %broadcast_in_dim3A_465 = vector.broadcast %shift_right_logical3A_454 : i32 to vector<16xi32>
        %broadcast_in_dim3A_466 = vector.broadcast %reduce_max3A_464 : f32 to vector<16xf32>
        %iota3A_467 = tpu.iota {dimensions = array<i32: 0>} : vector<16xi32>
        %eq3A_468 = arith.constant 0 : i32
        %eq3A_469 = vector.broadcast %eq3A_468 : i32 to vector<16xi32>
        %eq3A_470 = arith.cmpi eq, %iota3A_467, %eq3A_469 : vector<16xi32>
        tpu.vector_store_idx %arg19[%broadcast_in_dim3A_465], %broadcast_in_dim3A_466 masked %eq3A_470 : memref<64xf32, #tpu.memory_space<vmem>>[vector<16xi32>], vector<16xf32>, vector<16xi1>
        %broadcast_in_dim3A_471 = vector.broadcast %while3A_429#1 : i32 to vector<16xi32>
        %broadcast_in_dim3A_472 = arith.constant 0xFF800000 : f32
        %broadcast_in_dim3A_473 = vector.broadcast %broadcast_in_dim3A_472 : f32 to vector<16xf32>
        %iota3A_474 = tpu.iota {dimensions = array<i32: 0>} : vector<16xi32>
        %eq3A_475 = arith.constant 0 : i32
        %eq3A_476 = vector.broadcast %eq3A_475 : i32 to vector<16xi32>
        %eq3A_477 = arith.cmpi eq, %iota3A_474, %eq3A_476 : vector<16xi32>
        tpu.vector_store_idx %arg18[%broadcast_in_dim3A_471], %broadcast_in_dim3A_473 masked %eq3A_477 : memref<1024xf32, #tpu.memory_space<vmem>>[vector<16xi32>], vector<16xf32>, vector<16xi1>
        %while3A_478 = arith.constant 0 : i32
        scf.yield %while3A_478 : i32
      }
      %while3A_123 = arith.constant 1 : i32
      %while3A_124 = scf.for %while3A_346 = %while3A_120 to %while3A_116 step %while3A_123 iter_args(%while3A_347 = %while3A_122) -> (i32)  : i32 {
        %iota3A_348 = tpu.iota {dimensions = array<i32: 0>} : vector<16xi32>
        %get3A_349 = arith.constant 0 : index
        %get3A_350 = tpu.vector_load %arg19[%get3A_349] {strides = array<i32>} : memref<64xf32, #tpu.memory_space<vmem>>, vector<16xf32>,
        %get3A_351 = arith.constant 16 : index
        %get3A_352 = tpu.vector_load %arg19[%get3A_351] {strides = array<i32>} : memref<64xf32, #tpu.memory_space<vmem>>, vector<16xf32>,
        %gt3A = arith.cmpf ogt, %get3A_352, %get3A_350 : vector<16xf32>
        %select_n3A_353 = arith.select %gt3A, %get3A_352, %get3A_350 : vector<16xi1>, vector<16xf32>
        %add3A_354 = arith.constant 16 : i32
        %add3A_355 = vector.broadcast %add3A_354 : i32 to vector<16xi32>
        %add3A_356 = arith.addi %iota3A_348, %add3A_355 : vector<16xi32>
        %select_n3A_357 = arith.select %gt3A, %add3A_356, %iota3A_348 : vector<16xi1>, vector<16xi32>
        %get3A_358 = arith.constant 32 : index
        %get3A_359 = tpu.vector_load %arg19[%get3A_358] {strides = array<i32>} : memref<64xf32, #tpu.memory_space<vmem>>, vector<16xf32>,
        %gt3A_360 = arith.cmpf ogt, %get3A_359, %select_n3A_353 : vector<16xf32>
        %select_n3A_361 = arith.select %gt3A_360, %get3A_359, %select_n3A_353 : vector<16xi1>, vector<16xf32>
        %add3A_362 = arith.constant 32 : i32
        %add3A_363 = vector.broadcast %add3A_362 : i32 to vector<16xi32>
        %add3A_364 = arith.addi %iota3A_348, %add3A_363 : vector<16xi32>
        %select_n3A_365 = arith.select %gt3A_360, %add3A_364, %select_n3A_357 : vector<16xi1>, vector<16xi32>
        %get3A_366 = arith.constant 48 : index
        %get3A_367 = tpu.vector_load %arg19[%get3A_366] {strides = array<i32>} : memref<64xf32, #tpu.memory_space<vmem>>, vector<16xf32>,
        %gt3A_368 = arith.cmpf ogt, %get3A_367, %select_n3A_361 : vector<16xf32>
        %select_n3A_369 = arith.select %gt3A_368, %get3A_367, %select_n3A_361 : vector<16xi1>, vector<16xf32>
        %add3A_370 = arith.constant 48 : i32
        %add3A_371 = vector.broadcast %add3A_370 : i32 to vector<16xi32>
        %add3A_372 = arith.addi %iota3A_348, %add3A_371 : vector<16xi32>
        %select_n3A_373 = arith.select %gt3A_368, %add3A_372, %select_n3A_365 : vector<16xi1>, vector<16xi32>
        %reduce_max3A_374 = arith.constant true
        %reduce_max3A_375 = vector.broadcast %reduce_max3A_374 : i1 to vector<16xi1>
        %reduce_max3A_376 = tpu.scan <max>, %select_n3A_369 masked %reduce_max3A_375 : vector<16xf32>, vector<16xi1> -> vector<16xf32>
        %reduce_max3A_377 = vector.extract %reduce_max3A_376[15] : f32 from vector<16xf32>
        %eq3A_378 = vector.broadcast %reduce_max3A_377 : f32 to vector<16xf32>
        %eq3A_379 = arith.cmpf oeq, %select_n3A_369, %eq3A_378 : vector<16xf32>
        %jit3A_380 = arith.constant 1073741824 : i32
        %broadcast_in_dim3A_381 = vector.broadcast %jit3A_380 : i32 to vector<16xi32>
        %select_n3A_382 = arith.select %eq3A_379, %select_n3A_373, %broadcast_in_dim3A_381 : vector<16xi1>, vector<16xi32>
        %reduce_min3A_383 = arith.constant true
        %reduce_min3A_384 = vector.broadcast %reduce_min3A_383 : i1 to vector<16xi1>
        %reduce_min3A_385 = arith.constant -2147483648 : i32
        %reduce_min3A_386 = vector.broadcast %reduce_min3A_385 : i32 to vector<16xi32>
        %reduce_min3A_387 = arith.xori %select_n3A_382, %reduce_min3A_386 : vector<16xi32>
        %reduce_min3A_388 = tpu.scan <min>, %reduce_min3A_387 masked %reduce_min3A_384 : vector<16xi32>, vector<16xi1> -> vector<16xi32>
        %reduce_min3A_389 = arith.xori %reduce_min3A_388, %reduce_min3A_386 : vector<16xi32>
        %reduce_min3A_390 = vector.extract %reduce_min3A_389[15] : i32 from vector<16xi32>
        %mul3A_391 = arith.constant 16 : i32
        %mul3A_392 = arith.muli %reduce_min3A_390, %mul3A_391 : i32
        %add3A_393 = vector.broadcast %mul3A_392 : i32 to vector<16xi32>
        %add3A_394 = arith.addi %add3A_393, %iota3A_348 : vector<16xi32>
        %gather3A = tpu.vector_load_idx %arg16[%add3A_394] : memref<1024xf32, #tpu.memory_space<vmem>>[vector<16xi32>], vector<16xf32>,
        %mul3A_395 = arith.constant 16 : i32
        %mul3A_396 = arith.muli %reduce_min3A_390, %mul3A_395 : i32
        %eq3A_397 = vector.broadcast %reduce_max3A_377 : f32 to vector<16xf32>
        %eq3A_398 = arith.cmpf oeq, %gather3A, %eq3A_397 : vector<16xf32>
        %jit3A_399 = arith.constant 1073741824 : i32
        %broadcast_in_dim3A_400 = vector.broadcast %jit3A_399 : i32 to vector<16xi32>
        %select_n3A_401 = arith.select %eq3A_398, %iota3A_348, %broadcast_in_dim3A_400 : vector<16xi1>, vector<16xi32>
        %reduce_min3A_402 = arith.constant true
        %reduce_min3A_403 = vector.broadcast %reduce_min3A_402 : i1 to vector<16xi1>
        %reduce_min3A_404 = arith.constant -2147483648 : i32
        %reduce_min3A_405 = vector.broadcast %reduce_min3A_404 : i32 to vector<16xi32>
        %reduce_min3A_406 = arith.xori %select_n3A_401, %reduce_min3A_405 : vector<16xi32>
        %reduce_min3A_407 = tpu.scan <min>, %reduce_min3A_406 masked %reduce_min3A_403 : vector<16xi32>, vector<16xi1> -> vector<16xi32>
        %reduce_min3A_408 = arith.xori %reduce_min3A_407, %reduce_min3A_405 : vector<16xi32>
        %reduce_min3A_409 = vector.extract %reduce_min3A_408[15] : i32 from vector<16xi32>
        %add3A_410 = arith.addi %mul3A_396, %reduce_min3A_409 : i32
        %broadcast_in_dim3A_411 = vector.broadcast %add3A_410 : i32 to vector<16xi32>
        %gather3A_412 = tpu.vector_load_idx %arg17[%broadcast_in_dim3A_411] : memref<1024xi32, #tpu.memory_space<vmem>>[vector<16xi32>], vector<16xi32>,
        %reduce_max3A_413 = arith.constant true
        %reduce_max3A_414 = vector.broadcast %reduce_max3A_413 : i1 to vector<16xi1>
        %reduce_max3A_415 = arith.constant -2147483648 : i32
        %reduce_max3A_416 = vector.broadcast %reduce_max3A_415 : i32 to vector<16xi32>
        %reduce_max3A_417 = arith.xori %gather3A_412, %reduce_max3A_416 : vector<16xi32>
        %reduce_max3A_418 = tpu.scan <max>, %reduce_max3A_417 masked %reduce_max3A_414 : vector<16xi32>, vector<16xi1> -> vector<16xi32>
        %reduce_max3A_419 = arith.xori %reduce_max3A_418, %reduce_max3A_416 : vector<16xi32>
        %reduce_max3A_420 = vector.extract %reduce_max3A_419[15] : i32 from vector<16xi32>
        %broadcast_in_dim3A_421 = vector.broadcast %reduce_max3A_420 : i32 to vector<16xi32>
        %gather3A_422 = tpu.vector_load_idx %arg18[%broadcast_in_dim3A_421] : memref<1024xf32, #tpu.memory_space<vmem>>[vector<16xi32>], vector<16xf32>,
        %reduce_max3A_423 = arith.constant true
        %reduce_max3A_424 = vector.broadcast %reduce_max3A_423 : i1 to vector<16xi1>
        %reduce_max3A_425 = tpu.scan <max>, %gather3A_422 masked %reduce_max3A_424 : vector<16xf32>, vector<16xi1> -> vector<16xf32>
        %reduce_max3A_426 = vector.extract %reduce_max3A_425[15] : f32 from vector<16xf32>
        %eq3A_427 = arith.constant 0.000000e+00 : f32
        %eq3A_428 = arith.cmpf oeq, %reduce_max3A_426, %eq3A_427 : f32
        %while3A_429:4 = scf.while (%while3A_479 = %add3A_410, %while3A_480 = %reduce_max3A_420, %while3A_481 = %reduce_max3A_377, %while3A_482 = %eq3A_428) : (i32, i32, f32, i1) -> (i32, i32, f32, i1) {
          %not3A = arith.constant true
          %not3A_483 = arith.xori %while3A_482, %not3A : i1
          scf.condition(%not3A_483) %while3A_479, %while3A_480, %while3A_481, %while3A_482 : i32, i32, f32, i1
        } do {
        ^bb0(%while3A_479: i32, %while3A_480: i32, %while3A_481: f32, %while3A_482: i1):
          %dma_start3A = arith.constant 0 : i32
          %dma_start3A_483 = tpu.memref_slice %arg3[%while3A_479, %dma_start3A] : memref<1024x1024xf32, #tpu.memory_space<hbm>> -> memref<1x1024xf32, #tpu.memory_space<hbm>>
          %dma_start3A_484 = tpu.memref_squeeze %dma_start3A_483 : memref<1x1024xf32, #tpu.memory_space<hbm>> -> memref<1024xf32, #tpu.memory_space<hbm>>
          %dma_start3A_485 = arith.constant 0 : i32
          %dma_start3A_486 = tpu.memref_slice %arg3[%while3A_479, %dma_start3A_485] : memref<1024x1024xf32, #tpu.memory_space<hbm>> -> memref<1x1024xf32, #tpu.memory_space<hbm>>
          %dma_start3A_487 = tpu.memref_squeeze %dma_start3A_486 : memref<1x1024xf32, #tpu.memory_space<hbm>> -> memref<1024xf32, #tpu.memory_space<hbm>>
          tpu.enqueue_dma source(%dma_start3A_487 : memref<1024xf32, #tpu.memory_space<hbm>>) target(%arg20 : memref<1024xf32, #tpu.memory_space<vmem>>) target_semaphore(%arg39 : memref<!tpu.dma_semaphore, #tpu.memory_space<semaphore_mem>>)
          %dma_wait3A = arith.constant 0 : i32
          %dma_wait3A_488 = tpu.memref_slice %arg3[%while3A_479, %dma_wait3A] : memref<1024x1024xf32, #tpu.memory_space<hbm>> -> memref<1x1024xf32, #tpu.memory_space<hbm>>
          %dma_wait3A_489 = tpu.memref_squeeze %dma_wait3A_488 : memref<1x1024xf32, #tpu.memory_space<hbm>> -> memref<1024xf32, #tpu.memory_space<hbm>>
          %dma_wait3A_490 = arith.constant 0 : i32
          %dma_wait3A_491 = tpu.memref_slice %arg3[%while3A_479, %dma_wait3A_490] : memref<1024x1024xf32, #tpu.memory_space<hbm>> -> memref<1x1024xf32, #tpu.memory_space<hbm>>
          %dma_wait3A_492 = tpu.memref_squeeze %dma_wait3A_491 : memref<1x1024xf32, #tpu.memory_space<hbm>> -> memref<1024xf32, #tpu.memory_space<hbm>>
          tpu.wait_dma2 semaphore(%arg39 : memref<!tpu.dma_semaphore, #tpu.memory_space<semaphore_mem>>) src(%dma_wait3A_492 : memref<1024xf32, #tpu.memory_space<hbm>>) dst(%arg20 : memref<1024xf32, #tpu.memory_space<vmem>>)
          %iota3A_493 = tpu.iota {dimensions = array<i32: 0>} : vector<16xi32>
          %get3A_494 = arith.constant 0 : index
          %get3A_495 = tpu.vector_load %arg20[%get3A_494] {strides = array<i32>} : memref<1024xf32, #tpu.memory_space<vmem>>, vector<16xf32>,
          %get3A_496 = arith.constant 0 : index
          %get3A_497 = tpu.vector_load %arg18[%get3A_496] {strides = array<i32>} : memref<1024xf32, #tpu.memory_space<vmem>>, vector<16xf32>,
          %add3A_498 = arith.addf %get3A_495, %get3A_497 : vector<16xf32>
          %scan3A_499 = arith.constant 1 : i32
          %scan3A_500 = arith.constant 63 : i32
          %scan3A_501 = arith.addi %scan3A_499, %scan3A_500 : i32
          %scan3A_502 = arith.constant 1 : i32
          %scan3A_503:2 = scf.for %scan3A_635 = %scan3A_499 to %scan3A_501 step %scan3A_502 iter_args(%scan3A_636 = %add3A_498, %scan3A_637 = %iota3A_493) -> (vector<16xf32>, vector<16xi32>)  : i32 {
            %mul3A_638 = arith.constant 16 : i32
            %mul3A_639 = arith.muli %scan3A_635, %mul3A_638 : i32
            %get3A_640 = arith.index_cast %mul3A_639 : i32 to index
            %get3A_641 = tpu.vector_load %arg20[%get3A_640] {strides = array<i32>} : memref<1024xf32, #tpu.memory_space<vmem>>, vector<16xf32>,
            %mul3A_642 = arith.constant 16 : i32
            %mul3A_643 = arith.muli %scan3A_635, %mul3A_642 : i32
            %get3A_644 = arith.index_cast %mul3A_643 : i32 to index
            %get3A_645 = tpu.vector_load %arg18[%get3A_644] {strides = array<i32>} : memref<1024xf32, #tpu.memory_space<vmem>>, vector<16xf32>,
            %add3A_646 = arith.addf %get3A_641, %get3A_645 : vector<16xf32>
            %gt3A_647 = arith.cmpf ogt, %add3A_646, %scan3A_636 : vector<16xf32>
            %select_n3A_648 = arith.select %gt3A_647, %add3A_646, %scan3A_636 : vector<16xi1>, vector<16xf32>
            %mul3A_649 = arith.constant 16 : i32
            %mul3A_650 = arith.muli %scan3A_635, %mul3A_649 : i32
            %add3A_651 = vector.broadcast %mul3A_650 : i32 to vector<16xi32>
            %add3A_652 = arith.addi %iota3A_493, %add3A_651 : vector<16xi32>
            %select_n3A_653 = arith.select %gt3A_647, %add3A_652, %scan3A_637 : vector<16xi1>, vector<16xi32>
            scf.yield %select_n3A_648, %select_n3A_653 : vector<16xf32>, vector<16xi32>
          }
          %scan3A_504 = arith.constant 63 : i32
          %reduce_max3A_505 = arith.constant true
          %reduce_max3A_506 = vector.broadcast %reduce_max3A_505 : i1 to vector<16xi1>
          %reduce_max3A_507 = tpu.scan <max>, %scan3A_503#0 masked %reduce_max3A_506 : vector<16xf32>, vector<16xi1> -> vector<16xf32>
          %reduce_max3A_508 = vector.extract %reduce_max3A_507[15] : f32 from vector<16xf32>
          %eq3A_509 = vector.broadcast %reduce_max3A_508 : f32 to vector<16xf32>
          %eq3A_510 = arith.cmpf oeq, %scan3A_503#0, %eq3A_509 : vector<16xf32>
          %jit3A_511 = arith.constant 1073741824 : i32
          %broadcast_in_dim3A_512 = vector.broadcast %jit3A_511 : i32 to vector<16xi32>
          %select_n3A_513 = arith.select %eq3A_510, %scan3A_503#1, %broadcast_in_dim3A_512 : vector<16xi1>, vector<16xi32>
          %reduce_min3A_514 = arith.constant true
          %reduce_min3A_515 = vector.broadcast %reduce_min3A_514 : i1 to vector<16xi1>
          %reduce_min3A_516 = arith.constant -2147483648 : i32
          %reduce_min3A_517 = vector.broadcast %reduce_min3A_516 : i32 to vector<16xi32>
          %reduce_min3A_518 = arith.xori %select_n3A_513, %reduce_min3A_517 : vector<16xi32>
          %reduce_min3A_519 = tpu.scan <min>, %reduce_min3A_518 masked %reduce_min3A_515 : vector<16xi32>, vector<16xi1> -> vector<16xi32>
          %reduce_min3A_520 = arith.xori %reduce_min3A_519, %reduce_min3A_517 : vector<16xi32>
          %reduce_min3A_521 = vector.extract %reduce_min3A_520[15] : i32 from vector<16xi32>
          %broadcast_in_dim3A_522 = vector.broadcast %while3A_479 : i32 to vector<16xi32>
          %broadcast_in_dim3A_523 = vector.broadcast %reduce_max3A_508 : f32 to vector<16xf32>
          %iota3A_524 = tpu.iota {dimensions = array<i32: 0>} : vector<16xi32>
          %eq3A_525 = arith.constant 0 : i32
          %eq3A_526 = vector.broadcast %eq3A_525 : i32 to vector<16xi32>
          %eq3A_527 = arith.cmpi eq, %iota3A_524, %eq3A_526 : vector<16xi32>
          tpu.vector_store_idx %arg16[%broadcast_in_dim3A_522], %broadcast_in_dim3A_523 masked %eq3A_527 : memref<1024xf32, #tpu.memory_space<vmem>>[vector<16xi32>], vector<16xf32>, vector<16xi1>
          %broadcast_in_dim3A_528 = vector.broadcast %while3A_479 : i32 to vector<16xi32>
          %broadcast_in_dim3A_529 = vector.broadcast %reduce_min3A_521 : i32 to vector<16xi32>
          %iota3A_530 = tpu.iota {dimensions = array<i32: 0>} : vector<16xi32>
          %eq3A_531 = arith.constant 0 : i32
          %eq3A_532 = vector.broadcast %eq3A_531 : i32 to vector<16xi32>
          %eq3A_533 = arith.cmpi eq, %iota3A_530, %eq3A_532 : vector<16xi32>
          tpu.vector_store_idx %arg17[%broadcast_in_dim3A_528], %broadcast_in_dim3A_529 masked %eq3A_533 : memref<1024xi32, #tpu.memory_space<vmem>>[vector<16xi32>], vector<16xi32>, vector<16xi1>
          %shift_right_logical3A_534 = arith.constant 4 : i32
          %shift_right_logical3A_535 = arith.shrui %while3A_479, %shift_right_logical3A_534 : i32
          %mul3A_536 = arith.constant 16 : i32
          %mul3A_537 = arith.muli %shift_right_logical3A_535, %mul3A_536 : i32
          %iota3A_538 = tpu.iota {dimensions = array<i32: 0>} : vector<16xi32>
          %add3A_539 = vector.broadcast %mul3A_537 : i32 to vector<16xi32>
          %add3A_540 = arith.addi %add3A_539, %iota3A_538 : vector<16xi32>
          %gather3A_541 = tpu.vector_load_idx %arg16[%add3A_540] : memref<1024xf32, #tpu.memory_space<vmem>>[vector<16xi32>], vector<16xf32>,
          %reduce_max3A_542 = arith.constant true
          %reduce_max3A_543 = vector.broadcast %reduce_max3A_542 : i1 to vector<16xi1>
          %reduce_max3A_544 = tpu.scan <max>, %gather3A_541 masked %reduce_max3A_543 : vector<16xf32>, vector<16xi1> -> vector<16xf32>
          %reduce_max3A_545 = vector.extract %reduce_max3A_544[15] : f32 from vector<16xf32>
          %broadcast_in_dim3A_546 = vector.broadcast %shift_right_logical3A_535 : i32 to vector<16xi32>
          %broadcast_in_dim3A_547 = vector.broadcast %reduce_max3A_545 : f32 to vector<16xf32>
          %iota3A_548 = tpu.iota {dimensions = array<i32: 0>} : vector<16xi32>
          %eq3A_549 = arith.constant 0 : i32
          %eq3A_550 = vector.broadcast %eq3A_549 : i32 to vector<16xi32>
          %eq3A_551 = arith.cmpi eq, %iota3A_548, %eq3A_550 : vector<16xi32>
          tpu.vector_store_idx %arg19[%broadcast_in_dim3A_546], %broadcast_in_dim3A_547 masked %eq3A_551 : memref<64xf32, #tpu.memory_space<vmem>>[vector<16xi32>], vector<16xf32>, vector<16xi1>
          %iota3A_552 = tpu.iota {dimensions = array<i32: 0>} : vector<16xi32>
          %get3A_553 = arith.constant 0 : index
          %get3A_554 = tpu.vector_load %arg19[%get3A_553] {strides = array<i32>} : memref<64xf32, #tpu.memory_space<vmem>>, vector<16xf32>,
          %get3A_555 = arith.constant 16 : index
          %get3A_556 = tpu.vector_load %arg19[%get3A_555] {strides = array<i32>} : memref<64xf32, #tpu.memory_space<vmem>>, vector<16xf32>,
          %gt3A_557 = arith.cmpf ogt, %get3A_556, %get3A_554 : vector<16xf32>
          %select_n3A_558 = arith.select %gt3A_557, %get3A_556, %get3A_554 : vector<16xi1>, vector<16xf32>
          %add3A_559 = arith.constant 16 : i32
          %add3A_560 = vector.broadcast %add3A_559 : i32 to vector<16xi32>
          %add3A_561 = arith.addi %iota3A_552, %add3A_560 : vector<16xi32>
          %select_n3A_562 = arith.select %gt3A_557, %add3A_561, %iota3A_552 : vector<16xi1>, vector<16xi32>
          %get3A_563 = arith.constant 32 : index
          %get3A_564 = tpu.vector_load %arg19[%get3A_563] {strides = array<i32>} : memref<64xf32, #tpu.memory_space<vmem>>, vector<16xf32>,
          %gt3A_565 = arith.cmpf ogt, %get3A_564, %select_n3A_558 : vector<16xf32>
          %select_n3A_566 = arith.select %gt3A_565, %get3A_564, %select_n3A_558 : vector<16xi1>, vector<16xf32>
          %add3A_567 = arith.constant 32 : i32
          %add3A_568 = vector.broadcast %add3A_567 : i32 to vector<16xi32>
          %add3A_569 = arith.addi %iota3A_552, %add3A_568 : vector<16xi32>
          %select_n3A_570 = arith.select %gt3A_565, %add3A_569, %select_n3A_562 : vector<16xi1>, vector<16xi32>
          %get3A_571 = arith.constant 48 : index
          %get3A_572 = tpu.vector_load %arg19[%get3A_571] {strides = array<i32>} : memref<64xf32, #tpu.memory_space<vmem>>, vector<16xf32>,
          %gt3A_573 = arith.cmpf ogt, %get3A_572, %select_n3A_566 : vector<16xf32>
          %select_n3A_574 = arith.select %gt3A_573, %get3A_572, %select_n3A_566 : vector<16xi1>, vector<16xf32>
          %add3A_575 = arith.constant 48 : i32
          %add3A_576 = vector.broadcast %add3A_575 : i32 to vector<16xi32>
          %add3A_577 = arith.addi %iota3A_552, %add3A_576 : vector<16xi32>
          %select_n3A_578 = arith.select %gt3A_573, %add3A_577, %select_n3A_570 : vector<16xi1>, vector<16xi32>
          %reduce_max3A_579 = arith.constant true
          %reduce_max3A_580 = vector.broadcast %reduce_max3A_579 : i1 to vector<16xi1>
          %reduce_max3A_581 = tpu.scan <max>, %select_n3A_574 masked %reduce_max3A_580 : vector<16xf32>, vector<16xi1> -> vector<16xf32>
          %reduce_max3A_582 = vector.extract %reduce_max3A_581[15] : f32 from vector<16xf32>
          %eq3A_583 = vector.broadcast %reduce_max3A_582 : f32 to vector<16xf32>
          %eq3A_584 = arith.cmpf oeq, %select_n3A_574, %eq3A_583 : vector<16xf32>
          %jit3A_585 = arith.constant 1073741824 : i32
          %broadcast_in_dim3A_586 = vector.broadcast %jit3A_585 : i32 to vector<16xi32>
          %select_n3A_587 = arith.select %eq3A_584, %select_n3A_578, %broadcast_in_dim3A_586 : vector<16xi1>, vector<16xi32>
          %reduce_min3A_588 = arith.constant true
          %reduce_min3A_589 = vector.broadcast %reduce_min3A_588 : i1 to vector<16xi1>
          %reduce_min3A_590 = arith.constant -2147483648 : i32
          %reduce_min3A_591 = vector.broadcast %reduce_min3A_590 : i32 to vector<16xi32>
          %reduce_min3A_592 = arith.xori %select_n3A_587, %reduce_min3A_591 : vector<16xi32>
          %reduce_min3A_593 = tpu.scan <min>, %reduce_min3A_592 masked %reduce_min3A_589 : vector<16xi32>, vector<16xi1> -> vector<16xi32>
          %reduce_min3A_594 = arith.xori %reduce_min3A_593, %reduce_min3A_591 : vector<16xi32>
          %reduce_min3A_595 = vector.extract %reduce_min3A_594[15] : i32 from vector<16xi32>
          %mul3A_596 = arith.constant 16 : i32
          %mul3A_597 = arith.muli %reduce_min3A_595, %mul3A_596 : i32
          %add3A_598 = vector.broadcast %mul3A_597 : i32 to vector<16xi32>
          %add3A_599 = arith.addi %add3A_598, %iota3A_552 : vector<16xi32>
          %gather3A_600 = tpu.vector_load_idx %arg16[%add3A_599] : memref<1024xf32, #tpu.memory_space<vmem>>[vector<16xi32>], vector<16xf32>,
          %mul3A_601 = arith.constant 16 : i32
          %mul3A_602 = arith.muli %reduce_min3A_595, %mul3A_601 : i32
          %eq3A_603 = vector.broadcast %reduce_max3A_582 : f32 to vector<16xf32>
          %eq3A_604 = arith.cmpf oeq, %gather3A_600, %eq3A_603 : vector<16xf32>
          %jit3A_605 = arith.constant 1073741824 : i32
          %broadcast_in_dim3A_606 = vector.broadcast %jit3A_605 : i32 to vector<16xi32>
          %select_n3A_607 = arith.select %eq3A_604, %iota3A_552, %broadcast_in_dim3A_606 : vector<16xi1>, vector<16xi32>
          %reduce_min3A_608 = arith.constant true
          %reduce_min3A_609 = vector.broadcast %reduce_min3A_608 : i1 to vector<16xi1>
          %reduce_min3A_610 = arith.constant -2147483648 : i32
          %reduce_min3A_611 = vector.broadcast %reduce_min3A_610 : i32 to vector<16xi32>
          %reduce_min3A_612 = arith.xori %select_n3A_607, %reduce_min3A_611 : vector<16xi32>
          %reduce_min3A_613 = tpu.scan <min>, %reduce_min3A_612 masked %reduce_min3A_609 : vector<16xi32>, vector<16xi1> -> vector<16xi32>
          %reduce_min3A_614 = arith.xori %reduce_min3A_613, %reduce_min3A_611 : vector<16xi32>
          %reduce_min3A_615 = vector.extract %reduce_min3A_614[15] : i32 from vector<16xi32>
          %add3A_616 = arith.addi %mul3A_602, %reduce_min3A_615 : i32
          %broadcast_in_dim3A_617 = vector.broadcast %add3A_616 : i32 to vector<16xi32>
          %gather3A_618 = tpu.vector_load_idx %arg17[%broadcast_in_dim3A_617] : memref<1024xi32, #tpu.memory_space<vmem>>[vector<16xi32>], vector<16xi32>,
          %reduce_max3A_619 = arith.constant true
          %reduce_max3A_620 = vector.broadcast %reduce_max3A_619 : i1 to vector<16xi1>
          %reduce_max3A_621 = arith.constant -2147483648 : i32
          %reduce_max3A_622 = vector.broadcast %reduce_max3A_621 : i32 to vector<16xi32>
          %reduce_max3A_623 = arith.xori %gather3A_618, %reduce_max3A_622 : vector<16xi32>
          %reduce_max3A_624 = tpu.scan <max>, %reduce_max3A_623 masked %reduce_max3A_620 : vector<16xi32>, vector<16xi1> -> vector<16xi32>
          %reduce_max3A_625 = arith.xori %reduce_max3A_624, %reduce_max3A_622 : vector<16xi32>
          %reduce_max3A_626 = vector.extract %reduce_max3A_625[15] : i32 from vector<16xi32>
          %broadcast_in_dim3A_627 = vector.broadcast %reduce_max3A_626 : i32 to vector<16xi32>
          %gather3A_628 = tpu.vector_load_idx %arg18[%broadcast_in_dim3A_627] : memref<1024xf32, #tpu.memory_space<vmem>>[vector<16xi32>], vector<16xf32>,
          %reduce_max3A_629 = arith.constant true
          %reduce_max3A_630 = vector.broadcast %reduce_max3A_629 : i1 to vector<16xi1>
          %reduce_max3A_631 = tpu.scan <max>, %gather3A_628 masked %reduce_max3A_630 : vector<16xf32>, vector<16xi1> -> vector<16xf32>
          %reduce_max3A_632 = vector.extract %reduce_max3A_631[15] : f32 from vector<16xf32>
          %eq3A_633 = arith.constant 0.000000e+00 : f32
          %eq3A_634 = arith.cmpf oeq, %reduce_max3A_632, %eq3A_633 : f32
          scf.yield %add3A_616, %reduce_max3A_626, %reduce_max3A_582, %eq3A_634 : i32, i32, f32, i1
        }
        %broadcast_in_dim3A_430 = vector.broadcast %while3A_429#0 : i32 to vector<16xi32>
        %gather3A_431 = tpu.vector_load_idx %arg25[%broadcast_in_dim3A_430] : memref<1024xi32, #tpu.memory_space<vmem>>[vector<16xi32>], vector<16xi32>,
        %reduce_max3A_432 = arith.constant true
        %reduce_max3A_433 = vector.broadcast %reduce_max3A_432 : i1 to vector<16xi1>
        %reduce_max3A_434 = arith.constant -2147483648 : i32
        %reduce_max3A_435 = vector.broadcast %reduce_max3A_434 : i32 to vector<16xi32>
        %reduce_max3A_436 = arith.xori %gather3A_431, %reduce_max3A_435 : vector<16xi32>
        %reduce_max3A_437 = tpu.scan <max>, %reduce_max3A_436 masked %reduce_max3A_433 : vector<16xi32>, vector<16xi1> -> vector<16xi32>
        %reduce_max3A_438 = arith.xori %reduce_max3A_437, %reduce_max3A_435 : vector<16xi32>
        %reduce_max3A_439 = vector.extract %reduce_max3A_438[15] : i32 from vector<16xi32>
        %broadcast_in_dim3A_440 = vector.broadcast %reduce_max3A_439 : i32 to vector<16xi32>
        %broadcast_in_dim3A_441 = vector.broadcast %while3A_429#1 : i32 to vector<16xi32>
        %iota3A_442 = tpu.iota {dimensions = array<i32: 0>} : vector<16xi32>
        %eq3A_443 = arith.constant 0 : i32
        %eq3A_444 = vector.broadcast %eq3A_443 : i32 to vector<16xi32>
        %eq3A_445 = arith.cmpi eq, %iota3A_442, %eq3A_444 : vector<16xi32>
        tpu.vector_store_idx %arg26[%broadcast_in_dim3A_440], %broadcast_in_dim3A_441 masked %eq3A_445 : memref<1024xi32, #tpu.memory_space<vmem>>[vector<16xi32>], vector<16xi32>, vector<16xi1>
        %broadcast_in_dim3A_446 = vector.broadcast %while3A_429#0 : i32 to vector<16xi32>
        %broadcast_in_dim3A_447 = arith.constant 0xFF800000 : f32
        %broadcast_in_dim3A_448 = vector.broadcast %broadcast_in_dim3A_447 : f32 to vector<16xf32>
        %iota3A_449 = tpu.iota {dimensions = array<i32: 0>} : vector<16xi32>
        %eq3A_450 = arith.constant 0 : i32
        %eq3A_451 = vector.broadcast %eq3A_450 : i32 to vector<16xi32>
        %eq3A_452 = arith.cmpi eq, %iota3A_449, %eq3A_451 : vector<16xi32>
        tpu.vector_store_idx %arg16[%broadcast_in_dim3A_446], %broadcast_in_dim3A_448 masked %eq3A_452 : memref<1024xf32, #tpu.memory_space<vmem>>[vector<16xi32>], vector<16xf32>, vector<16xi1>
        %shift_right_logical3A_453 = arith.constant 4 : i32
        %shift_right_logical3A_454 = arith.shrui %while3A_429#0, %shift_right_logical3A_453 : i32
        %mul3A_455 = arith.constant 16 : i32
        %mul3A_456 = arith.muli %shift_right_logical3A_454, %mul3A_455 : i32
        %iota3A_457 = tpu.iota {dimensions = array<i32: 0>} : vector<16xi32>
        %add3A_458 = vector.broadcast %mul3A_456 : i32 to vector<16xi32>
        %add3A_459 = arith.addi %add3A_458, %iota3A_457 : vector<16xi32>
        %gather3A_460 = tpu.vector_load_idx %arg16[%add3A_459] : memref<1024xf32, #tpu.memory_space<vmem>>[vector<16xi32>], vector<16xf32>,
        %reduce_max3A_461 = arith.constant true
        %reduce_max3A_462 = vector.broadcast %reduce_max3A_461 : i1 to vector<16xi1>
        %reduce_max3A_463 = tpu.scan <max>, %gather3A_460 masked %reduce_max3A_462 : vector<16xf32>, vector<16xi1> -> vector<16xf32>
        %reduce_max3A_464 = vector.extract %reduce_max3A_463[15] : f32 from vector<16xf32>
        %broadcast_in_dim3A_465 = vector.broadcast %shift_right_logical3A_454 : i32 to vector<16xi32>
        %broadcast_in_dim3A_466 = vector.broadcast %reduce_max3A_464 : f32 to vector<16xf32>
        %iota3A_467 = tpu.iota {dimensions = array<i32: 0>} : vector<16xi32>
        %eq3A_468 = arith.constant 0 : i32
        %eq3A_469 = vector.broadcast %eq3A_468 : i32 to vector<16xi32>
        %eq3A_470 = arith.cmpi eq, %iota3A_467, %eq3A_469 : vector<16xi32>
        tpu.vector_store_idx %arg19[%broadcast_in_dim3A_465], %broadcast_in_dim3A_466 masked %eq3A_470 : memref<64xf32, #tpu.memory_space<vmem>>[vector<16xi32>], vector<16xf32>, vector<16xi1>
        %broadcast_in_dim3A_471 = vector.broadcast %while3A_429#1 : i32 to vector<16xi32>
        %broadcast_in_dim3A_472 = arith.constant 0xFF800000 : f32
        %broadcast_in_dim3A_473 = vector.broadcast %broadcast_in_dim3A_472 : f32 to vector<16xf32>
        %iota3A_474 = tpu.iota {dimensions = array<i32: 0>} : vector<16xi32>
        %eq3A_475 = arith.constant 0 : i32
        %eq3A_476 = vector.broadcast %eq3A_475 : i32 to vector<16xi32>
        %eq3A_477 = arith.cmpi eq, %iota3A_474, %eq3A_476 : vector<16xi32>
        tpu.vector_store_idx %arg18[%broadcast_in_dim3A_471], %broadcast_in_dim3A_473 masked %eq3A_477 : memref<1024xf32, #tpu.memory_space<vmem>>[vector<16xi32>], vector<16xf32>, vector<16xi1>
        %while3A_478 = arith.constant 0 : i32
        scf.yield %while3A_478 : i32
      }
      %scan3A_125 = arith.constant 0 : i32
      %scan3A_126 = arith.constant 0 : i32
      %scan3A_127 = arith.constant 1024 : i32
      %scan3A_128 = arith.addi %scan3A_126, %scan3A_127 : i32
      %scan3A_129 = arith.constant 1 : i32
      %scan3A_130 = scf.for %scan3A_346 = %scan3A_126 to %scan3A_128 step %scan3A_129 iter_args(%scan3A_347 = %scan3A_125) -> (i32)  : i32 {
        %broadcast_in_dim3A_348 = vector.broadcast %scan3A_346 : i32 to vector<16xi32>
        %gather3A = tpu.vector_load_idx %arg26[%broadcast_in_dim3A_348] : memref<1024xi32, #tpu.memory_space<vmem>>[vector<16xi32>], vector<16xi32>,
        %reduce_max3A_349 = arith.constant true
        %reduce_max3A_350 = vector.broadcast %reduce_max3A_349 : i1 to vector<16xi1>
        %reduce_max3A_351 = arith.constant -2147483648 : i32
        %reduce_max3A_352 = vector.broadcast %reduce_max3A_351 : i32 to vector<16xi32>
        %reduce_max3A_353 = arith.xori %gather3A, %reduce_max3A_352 : vector<16xi32>
        %reduce_max3A_354 = tpu.scan <max>, %reduce_max3A_353 masked %reduce_max3A_350 : vector<16xi32>, vector<16xi1> -> vector<16xi32>
        %reduce_max3A_355 = arith.xori %reduce_max3A_354, %reduce_max3A_352 : vector<16xi32>
        %reduce_max3A_356 = vector.extract %reduce_max3A_355[15] : i32 from vector<16xi32>
        %lt3A = arith.cmpi slt, %scan3A_346, %convert_element_type3A_87 : i32
        %broadcast_in_dim3A_357 = vector.broadcast %reduce_max3A_356 : i32 to vector<16xi32>
        %gather3A_358 = tpu.vector_load_idx %arg32[%broadcast_in_dim3A_357] : memref<1024xi32, #tpu.memory_space<vmem>>[vector<16xi32>], vector<16xi32>,
        %reduce_max3A_359 = arith.constant true
        %reduce_max3A_360 = vector.broadcast %reduce_max3A_359 : i1 to vector<16xi1>
        %reduce_max3A_361 = arith.constant -2147483648 : i32
        %reduce_max3A_362 = vector.broadcast %reduce_max3A_361 : i32 to vector<16xi32>
        %reduce_max3A_363 = arith.xori %gather3A_358, %reduce_max3A_362 : vector<16xi32>
        %reduce_max3A_364 = tpu.scan <max>, %reduce_max3A_363 masked %reduce_max3A_360 : vector<16xi32>, vector<16xi1> -> vector<16xi32>
        %reduce_max3A_365 = arith.xori %reduce_max3A_364, %reduce_max3A_362 : vector<16xi32>
        %reduce_max3A_366 = vector.extract %reduce_max3A_365[15] : i32 from vector<16xi32>
        %eq3A_367 = arith.constant 1 : i32
        %eq3A_368 = arith.cmpi eq, %reduce_max3A_366, %eq3A_367 : i32
        %and3A_369 = arith.andi %lt3A, %eq3A_368 : i1
        %convert_element_type3A_370 = arith.extui %and3A_369 : i1 to i32
        %cond3A_371 = arith.constant 0 : i32
        %cond3A_372 = arith.cmpi ne, %convert_element_type3A_370, %cond3A_371 : i32
        scf.if %cond3A_372 {
          %broadcast_in_dim3A_377 = vector.broadcast %scan3A_346 : i32 to vector<16xi32>
          %gather3A_378 = tpu.vector_load_idx %arg23[%broadcast_in_dim3A_377] : memref<1024xf32, #tpu.memory_space<vmem>>[vector<16xi32>], vector<16xf32>,
          %reduce_max3A_379 = arith.constant true
          %reduce_max3A_380 = vector.broadcast %reduce_max3A_379 : i1 to vector<16xi1>
          %reduce_max3A_381 = tpu.scan <max>, %gather3A_378 masked %reduce_max3A_380 : vector<16xf32>, vector<16xi1> -> vector<16xf32>
          %reduce_max3A_382 = vector.extract %reduce_max3A_381[15] : f32 from vector<16xf32>
          %broadcast_in_dim3A_383 = vector.broadcast %scan3A_347 : i32 to vector<16xi32>
          %broadcast_in_dim3A_384 = vector.broadcast %reduce_max3A_382 : f32 to vector<16xf32>
          %iota3A_385 = tpu.iota {dimensions = array<i32: 0>} : vector<16xi32>
          %eq3A_386 = arith.constant 0 : i32
          %eq3A_387 = vector.broadcast %eq3A_386 : i32 to vector<16xi32>
          %eq3A_388 = arith.cmpi eq, %iota3A_385, %eq3A_387 : vector<16xi32>
          tpu.vector_store_idx %arg27[%broadcast_in_dim3A_383], %broadcast_in_dim3A_384 masked %eq3A_388 : memref<1024xf32, #tpu.memory_space<vmem>>[vector<16xi32>], vector<16xf32>, vector<16xi1>
          %broadcast_in_dim3A_389 = vector.broadcast %scan3A_346 : i32 to vector<16xi32>
          %gather3A_390 = tpu.vector_load_idx %arg24[%broadcast_in_dim3A_389] : memref<1024xi32, #tpu.memory_space<vmem>>[vector<16xi32>], vector<16xi32>,
          %reduce_max3A_391 = arith.constant true
          %reduce_max3A_392 = vector.broadcast %reduce_max3A_391 : i1 to vector<16xi1>
          %reduce_max3A_393 = arith.constant -2147483648 : i32
          %reduce_max3A_394 = vector.broadcast %reduce_max3A_393 : i32 to vector<16xi32>
          %reduce_max3A_395 = arith.xori %gather3A_390, %reduce_max3A_394 : vector<16xi32>
          %reduce_max3A_396 = tpu.scan <max>, %reduce_max3A_395 masked %reduce_max3A_392 : vector<16xi32>, vector<16xi1> -> vector<16xi32>
          %reduce_max3A_397 = arith.xori %reduce_max3A_396, %reduce_max3A_394 : vector<16xi32>
          %reduce_max3A_398 = vector.extract %reduce_max3A_397[15] : i32 from vector<16xi32>
          %broadcast_in_dim3A_399 = vector.broadcast %scan3A_347 : i32 to vector<16xi32>
          %broadcast_in_dim3A_400 = vector.broadcast %reduce_max3A_398 : i32 to vector<16xi32>
          %iota3A_401 = tpu.iota {dimensions = array<i32: 0>} : vector<16xi32>
          %eq3A_402 = arith.constant 0 : i32
          %eq3A_403 = vector.broadcast %eq3A_402 : i32 to vector<16xi32>
          %eq3A_404 = arith.cmpi eq, %iota3A_401, %eq3A_403 : vector<16xi32>
          tpu.vector_store_idx %arg28[%broadcast_in_dim3A_399], %broadcast_in_dim3A_400 masked %eq3A_404 : memref<1024xi32, #tpu.memory_space<vmem>>[vector<16xi32>], vector<16xi32>, vector<16xi1>
        } else {
        }
        %jit3A_373 = arith.constant 1 : i32
        %jit3A_374 = arith.constant 0 : i32
        %select_n3A_375 = arith.select %and3A_369, %jit3A_373, %jit3A_374 : i32
        %add3A_376 = arith.addi %scan3A_347, %select_n3A_375 : i32
        scf.yield %add3A_376 : i32
      }
      %scan3A_131 = arith.constant 1024 : i32
      %eq3A_132 = arith.constant 0 : i32
      %eq3A_133 = arith.cmpi eq, %scan3A_130, %eq3A_132 : i32
      %convert_element_type3A_134 = arith.extui %eq3A_133 : i1 to i32
      %cond3A_135 = arith.constant 0 : i32
      %cond3A_136 = arith.cmpi ne, %convert_element_type3A_134, %cond3A_135 : i32
      scf.if %cond3A_136 {
        %iota3A_346 = tpu.iota {dimensions = array<i32: 0>} : vector<16xi32>
        %get3A_347 = arith.constant 0 : index
        %get3A_348 = tpu.vector_load %arg23[%get3A_347] {strides = array<i32>} : memref<1024xf32, #tpu.memory_space<vmem>>, vector<16xf32>,
        %scan3A_349 = arith.constant 1 : i32
        %scan3A_350 = arith.constant 63 : i32
        %scan3A_351 = arith.addi %scan3A_349, %scan3A_350 : i32
        %scan3A_352 = arith.constant 1 : i32
        %scan3A_353:2 = scf.for %scan3A_395 = %scan3A_349 to %scan3A_351 step %scan3A_352 iter_args(%scan3A_396 = %get3A_348, %scan3A_397 = %iota3A_346) -> (vector<16xf32>, vector<16xi32>)  : i32 {
          %mul3A_398 = arith.constant 16 : i32
          %mul3A_399 = arith.muli %scan3A_395, %mul3A_398 : i32
          %get3A_400 = arith.index_cast %mul3A_399 : i32 to index
          %get3A_401 = tpu.vector_load %arg23[%get3A_400] {strides = array<i32>} : memref<1024xf32, #tpu.memory_space<vmem>>, vector<16xf32>,
          %gt3A = arith.cmpf ogt, %get3A_401, %scan3A_396 : vector<16xf32>
          %select_n3A_402 = arith.select %gt3A, %get3A_401, %scan3A_396 : vector<16xi1>, vector<16xf32>
          %mul3A_403 = arith.constant 16 : i32
          %mul3A_404 = arith.muli %scan3A_395, %mul3A_403 : i32
          %add3A_405 = vector.broadcast %mul3A_404 : i32 to vector<16xi32>
          %add3A_406 = arith.addi %iota3A_346, %add3A_405 : vector<16xi32>
          %select_n3A_407 = arith.select %gt3A, %add3A_406, %scan3A_397 : vector<16xi1>, vector<16xi32>
          scf.yield %select_n3A_402, %select_n3A_407 : vector<16xf32>, vector<16xi32>
        }
        %scan3A_354 = arith.constant 63 : i32
        %reduce_max3A_355 = arith.constant true
        %reduce_max3A_356 = vector.broadcast %reduce_max3A_355 : i1 to vector<16xi1>
        %reduce_max3A_357 = tpu.scan <max>, %scan3A_353#0 masked %reduce_max3A_356 : vector<16xf32>, vector<16xi1> -> vector<16xf32>
        %reduce_max3A_358 = vector.extract %reduce_max3A_357[15] : f32 from vector<16xf32>
        %eq3A_359 = vector.broadcast %reduce_max3A_358 : f32 to vector<16xf32>
        %eq3A_360 = arith.cmpf oeq, %scan3A_353#0, %eq3A_359 : vector<16xf32>
        %jit3A_361 = arith.constant 1073741824 : i32
        %broadcast_in_dim3A_362 = vector.broadcast %jit3A_361 : i32 to vector<16xi32>
        %select_n3A_363 = arith.select %eq3A_360, %scan3A_353#1, %broadcast_in_dim3A_362 : vector<16xi1>, vector<16xi32>
        %reduce_min3A_364 = arith.constant true
        %reduce_min3A_365 = vector.broadcast %reduce_min3A_364 : i1 to vector<16xi1>
        %reduce_min3A_366 = arith.constant -2147483648 : i32
        %reduce_min3A_367 = vector.broadcast %reduce_min3A_366 : i32 to vector<16xi32>
        %reduce_min3A_368 = arith.xori %select_n3A_363, %reduce_min3A_367 : vector<16xi32>
        %reduce_min3A_369 = tpu.scan <min>, %reduce_min3A_368 masked %reduce_min3A_365 : vector<16xi32>, vector<16xi1> -> vector<16xi32>
        %reduce_min3A_370 = arith.xori %reduce_min3A_369, %reduce_min3A_367 : vector<16xi32>
        %reduce_min3A_371 = vector.extract %reduce_min3A_370[15] : i32 from vector<16xi32>
        %broadcast_in_dim3A_372 = arith.constant 0 : i32
        %broadcast_in_dim3A_373 = vector.broadcast %broadcast_in_dim3A_372 : i32 to vector<16xi32>
        %broadcast_in_dim3A_374 = vector.broadcast %reduce_max3A_358 : f32 to vector<16xf32>
        %iota3A_375 = tpu.iota {dimensions = array<i32: 0>} : vector<16xi32>
        %eq3A_376 = arith.constant 0 : i32
        %eq3A_377 = vector.broadcast %eq3A_376 : i32 to vector<16xi32>
        %eq3A_378 = arith.cmpi eq, %iota3A_375, %eq3A_377 : vector<16xi32>
        tpu.vector_store_idx %arg27[%broadcast_in_dim3A_373], %broadcast_in_dim3A_374 masked %eq3A_378 : memref<1024xf32, #tpu.memory_space<vmem>>[vector<16xi32>], vector<16xf32>, vector<16xi1>
        %broadcast_in_dim3A_379 = vector.broadcast %reduce_min3A_371 : i32 to vector<16xi32>
        %gather3A = tpu.vector_load_idx %arg24[%broadcast_in_dim3A_379] : memref<1024xi32, #tpu.memory_space<vmem>>[vector<16xi32>], vector<16xi32>,
        %reduce_max3A_380 = arith.constant true
        %reduce_max3A_381 = vector.broadcast %reduce_max3A_380 : i1 to vector<16xi1>
        %reduce_max3A_382 = arith.constant -2147483648 : i32
        %reduce_max3A_383 = vector.broadcast %reduce_max3A_382 : i32 to vector<16xi32>
        %reduce_max3A_384 = arith.xori %gather3A, %reduce_max3A_383 : vector<16xi32>
        %reduce_max3A_385 = tpu.scan <max>, %reduce_max3A_384 masked %reduce_max3A_381 : vector<16xi32>, vector<16xi1> -> vector<16xi32>
        %reduce_max3A_386 = arith.xori %reduce_max3A_385, %reduce_max3A_383 : vector<16xi32>
        %reduce_max3A_387 = vector.extract %reduce_max3A_386[15] : i32 from vector<16xi32>
        %broadcast_in_dim3A_388 = arith.constant 0 : i32
        %broadcast_in_dim3A_389 = vector.broadcast %broadcast_in_dim3A_388 : i32 to vector<16xi32>
        %broadcast_in_dim3A_390 = vector.broadcast %reduce_max3A_387 : i32 to vector<16xi32>
        %iota3A_391 = tpu.iota {dimensions = array<i32: 0>} : vector<16xi32>
        %eq3A_392 = arith.constant 0 : i32
        %eq3A_393 = vector.broadcast %eq3A_392 : i32 to vector<16xi32>
        %eq3A_394 = arith.cmpi eq, %iota3A_391, %eq3A_393 : vector<16xi32>
        tpu.vector_store_idx %arg28[%broadcast_in_dim3A_389], %broadcast_in_dim3A_390 masked %eq3A_394 : memref<1024xi32, #tpu.memory_space<vmem>>[vector<16xi32>], vector<16xi32>, vector<16xi1>
      } else {
      }
      %eq3A_137 = arith.constant 0 : i32
      %eq3A_138 = arith.cmpi eq, %scan3A_130, %eq3A_137 : i32
      %jit3A = arith.constant 1 : i32
      %select_n3A = arith.select %eq3A_138, %jit3A, %scan3A_130 : i32
      %min3A = arith.constant 40 : i32
      %min3A_139 = arith.minsi %min3A, %select_n3A : i32
      %get3A = arith.constant 0 : index
      %get3A_140 = tpu.vector_load %arg33[%get3A] {strides = array<i32>} : memref<16xi32, #tpu.memory_space<vmem>>, vector<16xi32>,
      %eq3A_141 = arith.constant 0 : i32
      %eq3A_142 = vector.broadcast %eq3A_141 : i32 to vector<16xi32>
      %eq3A_143 = arith.cmpi eq, %iota3A, %eq3A_142 : vector<16xi32>
      %jit3A_144 = arith.constant -1073741824 : i32
      %broadcast_in_dim3A = vector.broadcast %jit3A_144 : i32 to vector<16xi32>
      %select_n3A_145 = arith.select %eq3A_143, %get3A_140, %broadcast_in_dim3A : vector<16xi1>, vector<16xi32>
      %reduce_max3A = arith.constant true
      %reduce_max3A_146 = vector.broadcast %reduce_max3A : i1 to vector<16xi1>
      %reduce_max3A_147 = arith.constant -2147483648 : i32
      %reduce_max3A_148 = vector.broadcast %reduce_max3A_147 : i32 to vector<16xi32>
      %reduce_max3A_149 = arith.xori %select_n3A_145, %reduce_max3A_148 : vector<16xi32>
      %reduce_max3A_150 = tpu.scan <max>, %reduce_max3A_149 masked %reduce_max3A_146 : vector<16xi32>, vector<16xi1> -> vector<16xi32>
      %reduce_max3A_151 = arith.xori %reduce_max3A_150, %reduce_max3A_148 : vector<16xi32>
      %reduce_max3A_152 = vector.extract %reduce_max3A_151[15] : i32 from vector<16xi32>
      %convert_element_type3A_153 = arith.sitofp %reduce_max3A_152 : i32 to f32
      %eq3A_154 = arith.constant 1 : i32
      %eq3A_155 = vector.broadcast %eq3A_154 : i32 to vector<16xi32>
      %eq3A_156 = arith.cmpi eq, %iota3A, %eq3A_155 : vector<16xi32>
      %jit3A_157 = arith.constant -1073741824 : i32
      %broadcast_in_dim3A_158 = vector.broadcast %jit3A_157 : i32 to vector<16xi32>
      %select_n3A_159 = arith.select %eq3A_156, %get3A_140, %broadcast_in_dim3A_158 : vector<16xi1>, vector<16xi32>
      %reduce_max3A_160 = arith.constant true
      %reduce_max3A_161 = vector.broadcast %reduce_max3A_160 : i1 to vector<16xi1>
      %reduce_max3A_162 = arith.constant -2147483648 : i32
      %reduce_max3A_163 = vector.broadcast %reduce_max3A_162 : i32 to vector<16xi32>
      %reduce_max3A_164 = arith.xori %select_n3A_159, %reduce_max3A_163 : vector<16xi32>
      %reduce_max3A_165 = tpu.scan <max>, %reduce_max3A_164 masked %reduce_max3A_161 : vector<16xi32>, vector<16xi1> -> vector<16xi32>
      %reduce_max3A_166 = arith.xori %reduce_max3A_165, %reduce_max3A_163 : vector<16xi32>
      %reduce_max3A_167 = vector.extract %reduce_max3A_166[15] : i32 from vector<16xi32>
      %convert_element_type3A_168 = arith.sitofp %reduce_max3A_167 : i32 to f32
      %scan3A_169 = arith.constant 0 : i32
      %scan3A_170 = arith.constant 0 : i32
      %scan3A_171 = arith.constant 40 : i32
      %scan3A_172 = arith.addi %scan3A_170, %scan3A_171 : i32
      %scan3A_173 = arith.constant 1 : i32
      %scan3A_174 = scf.for %scan3A_346 = %scan3A_170 to %scan3A_172 step %scan3A_173 iter_args(%scan3A_347 = %scan3A_169) -> (i32)  : i32 {
        %iota3A_348 = tpu.iota {dimensions = array<i32: 0>} : vector<16xi32>
        %get3A_349 = arith.constant 0 : index
        %get3A_350 = tpu.vector_load %arg27[%get3A_349] {strides = array<i32>} : memref<1024xf32, #tpu.memory_space<vmem>>, vector<16xf32>,
        %scan3A_351 = arith.constant 1 : i32
        %scan3A_352 = arith.constant 63 : i32
        %scan3A_353 = arith.addi %scan3A_351, %scan3A_352 : i32
        %scan3A_354 = arith.constant 1 : i32
        %scan3A_355:2 = scf.for %scan3A_440 = %scan3A_351 to %scan3A_353 step %scan3A_354 iter_args(%scan3A_441 = %get3A_350, %scan3A_442 = %iota3A_348) -> (vector<16xf32>, vector<16xi32>)  : i32 {
          %mul3A_443 = arith.constant 16 : i32
          %mul3A_444 = arith.muli %scan3A_440, %mul3A_443 : i32
          %get3A_445 = arith.index_cast %mul3A_444 : i32 to index
          %get3A_446 = tpu.vector_load %arg27[%get3A_445] {strides = array<i32>} : memref<1024xf32, #tpu.memory_space<vmem>>, vector<16xf32>,
          %gt3A = arith.cmpf ogt, %get3A_446, %scan3A_441 : vector<16xf32>
          %select_n3A_447 = arith.select %gt3A, %get3A_446, %scan3A_441 : vector<16xi1>, vector<16xf32>
          %mul3A_448 = arith.constant 16 : i32
          %mul3A_449 = arith.muli %scan3A_440, %mul3A_448 : i32
          %add3A_450 = vector.broadcast %mul3A_449 : i32 to vector<16xi32>
          %add3A_451 = arith.addi %iota3A_348, %add3A_450 : vector<16xi32>
          %select_n3A_452 = arith.select %gt3A, %add3A_451, %scan3A_442 : vector<16xi1>, vector<16xi32>
          scf.yield %select_n3A_447, %select_n3A_452 : vector<16xf32>, vector<16xi32>
        }
        %scan3A_356 = arith.constant 63 : i32
        %reduce_max3A_357 = arith.constant true
        %reduce_max3A_358 = vector.broadcast %reduce_max3A_357 : i1 to vector<16xi1>
        %reduce_max3A_359 = tpu.scan <max>, %scan3A_355#0 masked %reduce_max3A_358 : vector<16xf32>, vector<16xi1> -> vector<16xf32>
        %reduce_max3A_360 = vector.extract %reduce_max3A_359[15] : f32 from vector<16xf32>
        %eq3A_361 = vector.broadcast %reduce_max3A_360 : f32 to vector<16xf32>
        %eq3A_362 = arith.cmpf oeq, %scan3A_355#0, %eq3A_361 : vector<16xf32>
        %jit3A_363 = arith.constant 1073741824 : i32
        %broadcast_in_dim3A_364 = vector.broadcast %jit3A_363 : i32 to vector<16xi32>
        %select_n3A_365 = arith.select %eq3A_362, %scan3A_355#1, %broadcast_in_dim3A_364 : vector<16xi1>, vector<16xi32>
        %reduce_min3A_366 = arith.constant true
        %reduce_min3A_367 = vector.broadcast %reduce_min3A_366 : i1 to vector<16xi1>
        %reduce_min3A_368 = arith.constant -2147483648 : i32
        %reduce_min3A_369 = vector.broadcast %reduce_min3A_368 : i32 to vector<16xi32>
        %reduce_min3A_370 = arith.xori %select_n3A_365, %reduce_min3A_369 : vector<16xi32>
        %reduce_min3A_371 = tpu.scan <min>, %reduce_min3A_370 masked %reduce_min3A_367 : vector<16xi32>, vector<16xi1> -> vector<16xi32>
        %reduce_min3A_372 = arith.xori %reduce_min3A_371, %reduce_min3A_369 : vector<16xi32>
        %reduce_min3A_373 = vector.extract %reduce_min3A_372[15] : i32 from vector<16xi32>
        %broadcast_in_dim3A_374 = vector.broadcast %reduce_min3A_373 : i32 to vector<16xi32>
        %broadcast_in_dim3A_375 = arith.constant 0xFF800000 : f32
        %broadcast_in_dim3A_376 = vector.broadcast %broadcast_in_dim3A_375 : f32 to vector<16xf32>
        %iota3A_377 = tpu.iota {dimensions = array<i32: 0>} : vector<16xi32>
        %eq3A_378 = arith.constant 0 : i32
        %eq3A_379 = vector.broadcast %eq3A_378 : i32 to vector<16xi32>
        %eq3A_380 = arith.cmpi eq, %iota3A_377, %eq3A_379 : vector<16xi32>
        tpu.vector_store_idx %arg27[%broadcast_in_dim3A_374], %broadcast_in_dim3A_376 masked %eq3A_380 : memref<1024xf32, #tpu.memory_space<vmem>>[vector<16xi32>], vector<16xf32>, vector<16xi1>
        %broadcast_in_dim3A_381 = vector.broadcast %reduce_min3A_373 : i32 to vector<16xi32>
        %gather3A = tpu.vector_load_idx %arg28[%broadcast_in_dim3A_381] : memref<1024xi32, #tpu.memory_space<vmem>>[vector<16xi32>], vector<16xi32>,
        %reduce_max3A_382 = arith.constant true
        %reduce_max3A_383 = vector.broadcast %reduce_max3A_382 : i1 to vector<16xi1>
        %reduce_max3A_384 = arith.constant -2147483648 : i32
        %reduce_max3A_385 = vector.broadcast %reduce_max3A_384 : i32 to vector<16xi32>
        %reduce_max3A_386 = arith.xori %gather3A, %reduce_max3A_385 : vector<16xi32>
        %reduce_max3A_387 = tpu.scan <max>, %reduce_max3A_386 masked %reduce_max3A_383 : vector<16xi32>, vector<16xi1> -> vector<16xi32>
        %reduce_max3A_388 = arith.xori %reduce_max3A_387, %reduce_max3A_385 : vector<16xi32>
        %reduce_max3A_389 = vector.extract %reduce_max3A_388[15] : i32 from vector<16xi32>
        %lt3A = arith.cmpi slt, %scan3A_346, %min3A_139 : i32
        %and3A_390 = arith.constant 31 : i32
        %and3A_391 = arith.andi %reduce_max3A_389, %and3A_390 : i32
        %convert_element_type3A_392 = arith.sitofp %and3A_391 : i32 to f32
        %add3A_393 = arith.constant 5.000000e-01 : f32
        %add3A_394 = arith.addf %convert_element_type3A_392, %add3A_393 : f32
        %mul3A_395 = arith.constant 3.125000e-02 : f32
        %mul3A_396 = arith.mulf %add3A_394, %mul3A_395 : f32
        %mul3A_397 = arith.mulf %mul3A_396, %convert_element_type3A_168 : f32
        %shift_right_logical3A_398 = arith.constant 5 : i32
        %shift_right_logical3A_399 = arith.shrui %reduce_max3A_389, %shift_right_logical3A_398 : i32
        %convert_element_type3A_400 = arith.sitofp %shift_right_logical3A_399 : i32 to f32
        %add3A_401 = arith.constant 5.000000e-01 : f32
        %add3A_402 = arith.addf %convert_element_type3A_400, %add3A_401 : f32
        %mul3A_403 = arith.constant 3.125000e-02 : f32
        %mul3A_404 = arith.mulf %add3A_402, %mul3A_403 : f32
        %mul3A_405 = arith.mulf %mul3A_404, %convert_element_type3A_153 : f32
        %jit3A_406 = arith.constant 0.000000e+00 : f32
        %select_n3A_407 = arith.select %lt3A, %mul3A_397, %jit3A_406 : f32
        %broadcast_in_dim3A_408 = vector.broadcast %scan3A_346 : i32 to vector<16xi32>
        %broadcast_in_dim3A_409 = vector.broadcast %select_n3A_407 : f32 to vector<16xf32>
        %iota3A_410 = tpu.iota {dimensions = array<i32: 0>} : vector<16xi32>
        %eq3A_411 = arith.constant 0 : i32
        %eq3A_412 = vector.broadcast %eq3A_411 : i32 to vector<16xi32>
        %eq3A_413 = arith.cmpi eq, %iota3A_410, %eq3A_412 : vector<16xi32>
        tpu.vector_store_idx %arg35[%broadcast_in_dim3A_408], %broadcast_in_dim3A_409 masked %eq3A_413 : memref<48xf32, #tpu.memory_space<vmem>>[vector<16xi32>], vector<16xf32>, vector<16xi1>
        %jit3A_414 = arith.constant 0.000000e+00 : f32
        %select_n3A_415 = arith.select %lt3A, %mul3A_405, %jit3A_414 : f32
        %broadcast_in_dim3A_416 = vector.broadcast %scan3A_346 : i32 to vector<16xi32>
        %broadcast_in_dim3A_417 = vector.broadcast %select_n3A_415 : f32 to vector<16xf32>
        %iota3A_418 = tpu.iota {dimensions = array<i32: 0>} : vector<16xi32>
        %eq3A_419 = arith.constant 0 : i32
        %eq3A_420 = vector.broadcast %eq3A_419 : i32 to vector<16xi32>
        %eq3A_421 = arith.cmpi eq, %iota3A_418, %eq3A_420 : vector<16xi32>
        tpu.vector_store_idx %arg36[%broadcast_in_dim3A_416], %broadcast_in_dim3A_417 masked %eq3A_421 : memref<48xf32, #tpu.memory_space<vmem>>[vector<16xi32>], vector<16xf32>, vector<16xi1>
        %jit3A_422 = arith.constant 0.000000e+00 : f32
        %select_n3A_423 = arith.select %lt3A, %reduce_max3A_360, %jit3A_422 : f32
        %broadcast_in_dim3A_424 = vector.broadcast %scan3A_346 : i32 to vector<16xi32>
        %broadcast_in_dim3A_425 = vector.broadcast %select_n3A_423 : f32 to vector<16xf32>
        %iota3A_426 = tpu.iota {dimensions = array<i32: 0>} : vector<16xi32>
        %eq3A_427 = arith.constant 0 : i32
        %eq3A_428 = vector.broadcast %eq3A_427 : i32 to vector<16xi32>
        %eq3A_429 = arith.cmpi eq, %iota3A_426, %eq3A_428 : vector<16xi32>
        tpu.vector_store_idx %arg37[%broadcast_in_dim3A_424], %broadcast_in_dim3A_425 masked %eq3A_429 : memref<48xf32, #tpu.memory_space<vmem>>[vector<16xi32>], vector<16xf32>, vector<16xi1>
        %jit3A_430 = arith.constant 1 : i32
        %jit3A_431 = arith.constant -1 : i32
        %select_n3A_432 = arith.select %lt3A, %jit3A_430, %jit3A_431 : i32
        %broadcast_in_dim3A_433 = vector.broadcast %scan3A_346 : i32 to vector<16xi32>
        %broadcast_in_dim3A_434 = vector.broadcast %select_n3A_432 : i32 to vector<16xi32>
        %iota3A_435 = tpu.iota {dimensions = array<i32: 0>} : vector<16xi32>
        %eq3A_436 = arith.constant 0 : i32
        %eq3A_437 = vector.broadcast %eq3A_436 : i32 to vector<16xi32>
        %eq3A_438 = arith.cmpi eq, %iota3A_435, %eq3A_437 : vector<16xi32>
        tpu.vector_store_idx %arg38[%broadcast_in_dim3A_433], %broadcast_in_dim3A_434 masked %eq3A_438 : memref<48xi32, #tpu.memory_space<vmem>>[vector<16xi32>], vector<16xi32>, vector<16xi1>
        %scan3A_439 = arith.constant 0 : i32
        scf.yield %scan3A_439 : i32
      }
      %scan3A_175 = arith.constant 40 : i32
      %get3A_176 = arith.constant 0 : index
      %get3A_177 = tpu.vector_load %arg34[%get3A_176] {strides = array<i32>} : memref<16xf32, #tpu.memory_space<vmem>>, vector<16xf32>,
      %reduce_max3A_178 = arith.constant true
      %reduce_max3A_179 = vector.broadcast %reduce_max3A_178 : i1 to vector<16xi1>
      %reduce_max3A_180 = tpu.scan <max>, %get3A_177 masked %reduce_max3A_179 : vector<16xf32>, vector<16xi1> -> vector<16xf32>
      %reduce_max3A_181 = vector.extract %reduce_max3A_180[15] : f32 from vector<16xf32>
      %scan3A_182 = arith.constant 0 : i32
      %scan3A_183 = arith.constant 0 : i32
      %scan3A_184 = arith.constant 64 : i32
      %scan3A_185 = arith.addi %scan3A_183, %scan3A_184 : i32
      %scan3A_186 = arith.constant 1 : i32
      %scan3A_187 = scf.for %scan3A_346 = %scan3A_183 to %scan3A_185 step %scan3A_186 iter_args(%scan3A_347 = %scan3A_182) -> (i32)  : i32 {
        %mul3A_348 = arith.constant 16 : i32
        %mul3A_349 = arith.muli %scan3A_346, %mul3A_348 : i32
        %get3A_350 = arith.index_cast %mul3A_349 : i32 to index
        %get3A_351 = tpu.vector_load %arg31[%get3A_350] {strides = array<i32>} : memref<1024xf32, #tpu.memory_space<vmem>>, vector<16xf32>,
        %neg3A_352 = arith.constant 0.000000e+00 : f32
        %neg3A_353 = vector.broadcast %neg3A_352 : f32 to vector<16xf32>
        %neg3A_354 = arith.subf %neg3A_353, %get3A_351 : vector<16xf32>
        %swap3A = arith.index_cast %mul3A_349 : i32 to index
        %swap3A_355 = tpu.vector_load %arg20[%swap3A] {strides = array<i32>} : memref<1024xf32, #tpu.memory_space<vmem>>, vector<16xf32>,
        tpu.vector_store %arg20[%swap3A], %neg3A_354 {strides = array<i32>} : memref<1024xf32, #tpu.memory_space<vmem>>, vector<16xf32>,
        %scan3A_356 = arith.constant 0 : i32
        scf.yield %scan3A_356 : i32
      }
      %scan3A_188 = arith.constant 64 : i32
      %iota3A_189 = tpu.iota {dimensions = array<i32: 0>} : vector<16xi32>
      %get3A_190 = arith.constant 0 : index
      %get3A_191 = tpu.vector_load %arg20[%get3A_190] {strides = array<i32>} : memref<1024xf32, #tpu.memory_space<vmem>>, vector<16xf32>,
      %scan3A_192 = arith.constant 1 : i32
      %scan3A_193 = arith.constant 63 : i32
      %scan3A_194 = arith.addi %scan3A_192, %scan3A_193 : i32
      %scan3A_195 = arith.constant 1 : i32
      %scan3A_196:2 = scf.for %scan3A_346 = %scan3A_192 to %scan3A_194 step %scan3A_195 iter_args(%scan3A_347 = %get3A_191, %scan3A_348 = %iota3A_189) -> (vector<16xf32>, vector<16xi32>)  : i32 {
        %mul3A_349 = arith.constant 16 : i32
        %mul3A_350 = arith.muli %scan3A_346, %mul3A_349 : i32
        %get3A_351 = arith.index_cast %mul3A_350 : i32 to index
        %get3A_352 = tpu.vector_load %arg20[%get3A_351] {strides = array<i32>} : memref<1024xf32, #tpu.memory_space<vmem>>, vector<16xf32>,
        %gt3A = arith.cmpf ogt, %get3A_352, %scan3A_347 : vector<16xf32>
        %select_n3A_353 = arith.select %gt3A, %get3A_352, %scan3A_347 : vector<16xi1>, vector<16xf32>
        %mul3A_354 = arith.constant 16 : i32
        %mul3A_355 = arith.muli %scan3A_346, %mul3A_354 : i32
        %add3A_356 = vector.broadcast %mul3A_355 : i32 to vector<16xi32>
        %add3A_357 = arith.addi %iota3A_189, %add3A_356 : vector<16xi32>
        %select_n3A_358 = arith.select %gt3A, %add3A_357, %scan3A_348 : vector<16xi1>, vector<16xi32>
        scf.yield %select_n3A_353, %select_n3A_358 : vector<16xf32>, vector<16xi32>
      }
      %scan3A_197 = arith.constant 63 : i32
      %reduce_max3A_198 = arith.constant true
      %reduce_max3A_199 = vector.broadcast %reduce_max3A_198 : i1 to vector<16xi1>
      %reduce_max3A_200 = tpu.scan <max>, %scan3A_196#0 masked %reduce_max3A_199 : vector<16xf32>, vector<16xi1> -> vector<16xf32>
      %reduce_max3A_201 = vector.extract %reduce_max3A_200[15] : f32 from vector<16xf32>
      %eq3A_202 = vector.broadcast %reduce_max3A_201 : f32 to vector<16xf32>
      %eq3A_203 = arith.cmpf oeq, %scan3A_196#0, %eq3A_202 : vector<16xf32>
      %jit3A_204 = arith.constant 1073741824 : i32
      %broadcast_in_dim3A_205 = vector.broadcast %jit3A_204 : i32 to vector<16xi32>
      %select_n3A_206 = arith.select %eq3A_203, %scan3A_196#1, %broadcast_in_dim3A_205 : vector<16xi1>, vector<16xi32>
      %reduce_min3A = arith.constant true
      %reduce_min3A_207 = vector.broadcast %reduce_min3A : i1 to vector<16xi1>
      %reduce_min3A_208 = arith.constant -2147483648 : i32
      %reduce_min3A_209 = vector.broadcast %reduce_min3A_208 : i32 to vector<16xi32>
      %reduce_min3A_210 = arith.xori %select_n3A_206, %reduce_min3A_209 : vector<16xi32>
      %reduce_min3A_211 = tpu.scan <min>, %reduce_min3A_210 masked %reduce_min3A_207 : vector<16xi32>, vector<16xi1> -> vector<16xi32>
      %reduce_min3A_212 = arith.xori %reduce_min3A_211, %reduce_min3A_209 : vector<16xi32>
      %reduce_min3A_213 = vector.extract %reduce_min3A_212[15] : i32 from vector<16xi32>
      %broadcast_in_dim3A_214 = vector.broadcast %reduce_min3A_213 : i32 to vector<16xi32>
      %broadcast_in_dim3A_215 = arith.constant 0xFF800000 : f32
      %broadcast_in_dim3A_216 = vector.broadcast %broadcast_in_dim3A_215 : f32 to vector<16xf32>
      %iota3A_217 = tpu.iota {dimensions = array<i32: 0>} : vector<16xi32>
      %eq3A_218 = arith.constant 0 : i32
      %eq3A_219 = vector.broadcast %eq3A_218 : i32 to vector<16xi32>
      %eq3A_220 = arith.cmpi eq, %iota3A_217, %eq3A_219 : vector<16xi32>
      tpu.vector_store_idx %arg20[%broadcast_in_dim3A_214], %broadcast_in_dim3A_216 masked %eq3A_220 : memref<1024xf32, #tpu.memory_space<vmem>>[vector<16xi32>], vector<16xf32>, vector<16xi1>
      %and3A_221 = arith.constant 31 : i32
      %and3A_222 = arith.andi %reduce_min3A_213, %and3A_221 : i32
      %convert_element_type3A_223 = arith.sitofp %and3A_222 : i32 to f32
      %add3A = arith.constant 5.000000e-01 : f32
      %add3A_224 = arith.addf %convert_element_type3A_223, %add3A : f32
      %mul3A = arith.constant 3.125000e-02 : f32
      %mul3A_225 = arith.mulf %add3A_224, %mul3A : f32
      %mul3A_226 = arith.mulf %mul3A_225, %convert_element_type3A_168 : f32
      %shift_right_logical3A = arith.constant 5 : i32
      %shift_right_logical3A_227 = arith.shrui %reduce_min3A_213, %shift_right_logical3A : i32
      %convert_element_type3A_228 = arith.sitofp %shift_right_logical3A_227 : i32 to f32
      %add3A_229 = arith.constant 5.000000e-01 : f32
      %add3A_230 = arith.addf %convert_element_type3A_228, %add3A_229 : f32
      %mul3A_231 = arith.constant 3.125000e-02 : f32
      %mul3A_232 = arith.mulf %add3A_230, %mul3A_231 : f32
      %mul3A_233 = arith.mulf %mul3A_232, %convert_element_type3A_153 : f32
      %broadcast_in_dim3A_234 = arith.constant 40 : i32
      %broadcast_in_dim3A_235 = vector.broadcast %broadcast_in_dim3A_234 : i32 to vector<16xi32>
      %broadcast_in_dim3A_236 = vector.broadcast %mul3A_226 : f32 to vector<16xf32>
      %iota3A_237 = tpu.iota {dimensions = array<i32: 0>} : vector<16xi32>
      %eq3A_238 = arith.constant 0 : i32
      %eq3A_239 = vector.broadcast %eq3A_238 : i32 to vector<16xi32>
      %eq3A_240 = arith.cmpi eq, %iota3A_237, %eq3A_239 : vector<16xi32>
      tpu.vector_store_idx %arg35[%broadcast_in_dim3A_235], %broadcast_in_dim3A_236 masked %eq3A_240 : memref<48xf32, #tpu.memory_space<vmem>>[vector<16xi32>], vector<16xf32>, vector<16xi1>
      %broadcast_in_dim3A_241 = arith.constant 40 : i32
      %broadcast_in_dim3A_242 = vector.broadcast %broadcast_in_dim3A_241 : i32 to vector<16xi32>
      %broadcast_in_dim3A_243 = vector.broadcast %mul3A_233 : f32 to vector<16xf32>
      %iota3A_244 = tpu.iota {dimensions = array<i32: 0>} : vector<16xi32>
      %eq3A_245 = arith.constant 0 : i32
      %eq3A_246 = vector.broadcast %eq3A_245 : i32 to vector<16xi32>
      %eq3A_247 = arith.cmpi eq, %iota3A_244, %eq3A_246 : vector<16xi32>
      tpu.vector_store_idx %arg36[%broadcast_in_dim3A_242], %broadcast_in_dim3A_243 masked %eq3A_247 : memref<48xf32, #tpu.memory_space<vmem>>[vector<16xi32>], vector<16xf32>, vector<16xi1>
      %neg3A = arith.constant 0.000000e+00 : f32
      %neg3A_248 = arith.subf %neg3A, %reduce_max3A_201 : f32
      %mul3A_249 = arith.mulf %neg3A_248, %reduce_max3A_181 : f32
      %broadcast_in_dim3A_250 = arith.constant 40 : i32
      %broadcast_in_dim3A_251 = vector.broadcast %broadcast_in_dim3A_250 : i32 to vector<16xi32>
      %broadcast_in_dim3A_252 = vector.broadcast %mul3A_249 : f32 to vector<16xf32>
      %iota3A_253 = tpu.iota {dimensions = array<i32: 0>} : vector<16xi32>
      %eq3A_254 = arith.constant 0 : i32
      %eq3A_255 = vector.broadcast %eq3A_254 : i32 to vector<16xi32>
      %eq3A_256 = arith.cmpi eq, %iota3A_253, %eq3A_255 : vector<16xi32>
      tpu.vector_store_idx %arg37[%broadcast_in_dim3A_251], %broadcast_in_dim3A_252 masked %eq3A_256 : memref<48xf32, #tpu.memory_space<vmem>>[vector<16xi32>], vector<16xf32>, vector<16xi1>
      %broadcast_in_dim3A_257 = arith.constant 40 : i32
      %broadcast_in_dim3A_258 = vector.broadcast %broadcast_in_dim3A_257 : i32 to vector<16xi32>
      %broadcast_in_dim3A_259 = arith.constant 0 : i32
      %broadcast_in_dim3A_260 = vector.broadcast %broadcast_in_dim3A_259 : i32 to vector<16xi32>
      %iota3A_261 = tpu.iota {dimensions = array<i32: 0>} : vector<16xi32>
      %eq3A_262 = arith.constant 0 : i32
      %eq3A_263 = vector.broadcast %eq3A_262 : i32 to vector<16xi32>
      %eq3A_264 = arith.cmpi eq, %iota3A_261, %eq3A_263 : vector<16xi32>
      tpu.vector_store_idx %arg38[%broadcast_in_dim3A_258], %broadcast_in_dim3A_260 masked %eq3A_264 : memref<48xi32, #tpu.memory_space<vmem>>[vector<16xi32>], vector<16xi32>, vector<16xi1>
      %iota3A_265 = tpu.iota {dimensions = array<i32: 0>} : vector<16xi32>
      %get3A_266 = arith.constant 0 : index
      %get3A_267 = tpu.vector_load %arg20[%get3A_266] {strides = array<i32>} : memref<1024xf32, #tpu.memory_space<vmem>>, vector<16xf32>,
      %scan3A_268 = arith.constant 1 : i32
      %scan3A_269 = arith.constant 63 : i32
      %scan3A_270 = arith.addi %scan3A_268, %scan3A_269 : i32
      %scan3A_271 = arith.constant 1 : i32
      %scan3A_272:2 = scf.for %scan3A_346 = %scan3A_268 to %scan3A_270 step %scan3A_271 iter_args(%scan3A_347 = %get3A_267, %scan3A_348 = %iota3A_265) -> (vector<16xf32>, vector<16xi32>)  : i32 {
        %mul3A_349 = arith.constant 16 : i32
        %mul3A_350 = arith.muli %scan3A_346, %mul3A_349 : i32
        %get3A_351 = arith.index_cast %mul3A_350 : i32 to index
        %get3A_352 = tpu.vector_load %arg20[%get3A_351] {strides = array<i32>} : memref<1024xf32, #tpu.memory_space<vmem>>, vector<16xf32>,
        %gt3A = arith.cmpf ogt, %get3A_352, %scan3A_347 : vector<16xf32>
        %select_n3A_353 = arith.select %gt3A, %get3A_352, %scan3A_347 : vector<16xi1>, vector<16xf32>
        %mul3A_354 = arith.constant 16 : i32
        %mul3A_355 = arith.muli %scan3A_346, %mul3A_354 : i32
        %add3A_356 = vector.broadcast %mul3A_355 : i32 to vector<16xi32>
        %add3A_357 = arith.addi %iota3A_265, %add3A_356 : vector<16xi32>
        %select_n3A_358 = arith.select %gt3A, %add3A_357, %scan3A_348 : vector<16xi1>, vector<16xi32>
        scf.yield %select_n3A_353, %select_n3A_358 : vector<16xf32>, vector<16xi32>
      }
      %scan3A_273 = arith.constant 63 : i32
      %reduce_max3A_274 = arith.constant true
      %reduce_max3A_275 = vector.broadcast %reduce_max3A_274 : i1 to vector<16xi1>
      %reduce_max3A_276 = tpu.scan <max>, %scan3A_272#0 masked %reduce_max3A_275 : vector<16xf32>, vector<16xi1> -> vector<16xf32>
      %reduce_max3A_277 = vector.extract %reduce_max3A_276[15] : f32 from vector<16xf32>
      %eq3A_278 = vector.broadcast %reduce_max3A_277 : f32 to vector<16xf32>
      %eq3A_279 = arith.cmpf oeq, %scan3A_272#0, %eq3A_278 : vector<16xf32>
      %jit3A_280 = arith.constant 1073741824 : i32
      %broadcast_in_dim3A_281 = vector.broadcast %jit3A_280 : i32 to vector<16xi32>
      %select_n3A_282 = arith.select %eq3A_279, %scan3A_272#1, %broadcast_in_dim3A_281 : vector<16xi1>, vector<16xi32>
      %reduce_min3A_283 = arith.constant true
      %reduce_min3A_284 = vector.broadcast %reduce_min3A_283 : i1 to vector<16xi1>
      %reduce_min3A_285 = arith.constant -2147483648 : i32
      %reduce_min3A_286 = vector.broadcast %reduce_min3A_285 : i32 to vector<16xi32>
      %reduce_min3A_287 = arith.xori %select_n3A_282, %reduce_min3A_286 : vector<16xi32>
      %reduce_min3A_288 = tpu.scan <min>, %reduce_min3A_287 masked %reduce_min3A_284 : vector<16xi32>, vector<16xi1> -> vector<16xi32>
      %reduce_min3A_289 = arith.xori %reduce_min3A_288, %reduce_min3A_286 : vector<16xi32>
      %reduce_min3A_290 = vector.extract %reduce_min3A_289[15] : i32 from vector<16xi32>
      %broadcast_in_dim3A_291 = vector.broadcast %reduce_min3A_290 : i32 to vector<16xi32>
      %broadcast_in_dim3A_292 = arith.constant 0xFF800000 : f32
      %broadcast_in_dim3A_293 = vector.broadcast %broadcast_in_dim3A_292 : f32 to vector<16xf32>
      %iota3A_294 = tpu.iota {dimensions = array<i32: 0>} : vector<16xi32>
      %eq3A_295 = arith.constant 0 : i32
      %eq3A_296 = vector.broadcast %eq3A_295 : i32 to vector<16xi32>
      %eq3A_297 = arith.cmpi eq, %iota3A_294, %eq3A_296 : vector<16xi32>
      tpu.vector_store_idx %arg20[%broadcast_in_dim3A_291], %broadcast_in_dim3A_293 masked %eq3A_297 : memref<1024xf32, #tpu.memory_space<vmem>>[vector<16xi32>], vector<16xf32>, vector<16xi1>
      %and3A_298 = arith.constant 31 : i32
      %and3A_299 = arith.andi %reduce_min3A_290, %and3A_298 : i32
      %convert_element_type3A_300 = arith.sitofp %and3A_299 : i32 to f32
      %add3A_301 = arith.constant 5.000000e-01 : f32
      %add3A_302 = arith.addf %convert_element_type3A_300, %add3A_301 : f32
      %mul3A_303 = arith.constant 3.125000e-02 : f32
      %mul3A_304 = arith.mulf %add3A_302, %mul3A_303 : f32
      %mul3A_305 = arith.mulf %mul3A_304, %convert_element_type3A_168 : f32
      %shift_right_logical3A_306 = arith.constant 5 : i32
      %shift_right_logical3A_307 = arith.shrui %reduce_min3A_290, %shift_right_logical3A_306 : i32
      %convert_element_type3A_308 = arith.sitofp %shift_right_logical3A_307 : i32 to f32
      %add3A_309 = arith.constant 5.000000e-01 : f32
      %add3A_310 = arith.addf %convert_element_type3A_308, %add3A_309 : f32
      %mul3A_311 = arith.constant 3.125000e-02 : f32
      %mul3A_312 = arith.mulf %add3A_310, %mul3A_311 : f32
      %mul3A_313 = arith.mulf %mul3A_312, %convert_element_type3A_153 : f32
      %broadcast_in_dim3A_314 = arith.constant 41 : i32
      %broadcast_in_dim3A_315 = vector.broadcast %broadcast_in_dim3A_314 : i32 to vector<16xi32>
      %broadcast_in_dim3A_316 = vector.broadcast %mul3A_305 : f32 to vector<16xf32>
      %iota3A_317 = tpu.iota {dimensions = array<i32: 0>} : vector<16xi32>
      %eq3A_318 = arith.constant 0 : i32
      %eq3A_319 = vector.broadcast %eq3A_318 : i32 to vector<16xi32>
      %eq3A_320 = arith.cmpi eq, %iota3A_317, %eq3A_319 : vector<16xi32>
      tpu.vector_store_idx %arg35[%broadcast_in_dim3A_315], %broadcast_in_dim3A_316 masked %eq3A_320 : memref<48xf32, #tpu.memory_space<vmem>>[vector<16xi32>], vector<16xf32>, vector<16xi1>
      %broadcast_in_dim3A_321 = arith.constant 41 : i32
      %broadcast_in_dim3A_322 = vector.broadcast %broadcast_in_dim3A_321 : i32 to vector<16xi32>
      %broadcast_in_dim3A_323 = vector.broadcast %mul3A_313 : f32 to vector<16xf32>
      %iota3A_324 = tpu.iota {dimensions = array<i32: 0>} : vector<16xi32>
      %eq3A_325 = arith.constant 0 : i32
      %eq3A_326 = vector.broadcast %eq3A_325 : i32 to vector<16xi32>
      %eq3A_327 = arith.cmpi eq, %iota3A_324, %eq3A_326 : vector<16xi32>
      tpu.vector_store_idx %arg36[%broadcast_in_dim3A_322], %broadcast_in_dim3A_323 masked %eq3A_327 : memref<48xf32, #tpu.memory_space<vmem>>[vector<16xi32>], vector<16xf32>, vector<16xi1>
      %neg3A_328 = arith.constant 0.000000e+00 : f32
      %neg3A_329 = arith.subf %neg3A_328, %reduce_max3A_277 : f32
      %mul3A_330 = arith.mulf %neg3A_329, %reduce_max3A_181 : f32
      %broadcast_in_dim3A_331 = arith.constant 41 : i32
      %broadcast_in_dim3A_332 = vector.broadcast %broadcast_in_dim3A_331 : i32 to vector<16xi32>
      %broadcast_in_dim3A_333 = vector.broadcast %mul3A_330 : f32 to vector<16xf32>
      %iota3A_334 = tpu.iota {dimensions = array<i32: 0>} : vector<16xi32>
      %eq3A_335 = arith.constant 0 : i32
      %eq3A_336 = vector.broadcast %eq3A_335 : i32 to vector<16xi32>
      %eq3A_337 = arith.cmpi eq, %iota3A_334, %eq3A_336 : vector<16xi32>
      tpu.vector_store_idx %arg37[%broadcast_in_dim3A_332], %broadcast_in_dim3A_333 masked %eq3A_337 : memref<48xf32, #tpu.memory_space<vmem>>[vector<16xi32>], vector<16xf32>, vector<16xi1>
      %broadcast_in_dim3A_338 = arith.constant 41 : i32
      %broadcast_in_dim3A_339 = vector.broadcast %broadcast_in_dim3A_338 : i32 to vector<16xi32>
      %broadcast_in_dim3A_340 = arith.constant 0 : i32
      %broadcast_in_dim3A_341 = vector.broadcast %broadcast_in_dim3A_340 : i32 to vector<16xi32>
      %iota3A_342 = tpu.iota {dimensions = array<i32: 0>} : vector<16xi32>
      %eq3A_343 = arith.constant 0 : i32
      %eq3A_344 = vector.broadcast %eq3A_343 : i32 to vector<16xi32>
      %eq3A_345 = arith.cmpi eq, %iota3A_342, %eq3A_344 : vector<16xi32>
      tpu.vector_store_idx %arg38[%broadcast_in_dim3A_339], %broadcast_in_dim3A_341 masked %eq3A_345 : memref<48xi32, #tpu.memory_space<vmem>>[vector<16xi32>], vector<16xi32>, vector<16xi1>
      tpu.enqueue_dma source(%arg35 : memref<48xf32, #tpu.memory_space<vmem>>) target(%arg12 : memref<48xf32, #tpu.memory_space<hbm>>) target_semaphore(%arg39 : memref<!tpu.dma_semaphore, #tpu.memory_space<semaphore_mem>>)
      tpu.wait_dma2 semaphore(%arg39 : memref<!tpu.dma_semaphore, #tpu.memory_space<semaphore_mem>>) src(%arg35 : memref<48xf32, #tpu.memory_space<vmem>>) dst(%arg12 : memref<48xf32, #tpu.memory_space<hbm>>)
      tpu.enqueue_dma source(%arg36 : memref<48xf32, #tpu.memory_space<vmem>>) target(%arg13 : memref<48xf32, #tpu.memory_space<hbm>>) target_semaphore(%arg39 : memref<!tpu.dma_semaphore, #tpu.memory_space<semaphore_mem>>)
      tpu.wait_dma2 semaphore(%arg39 : memref<!tpu.dma_semaphore, #tpu.memory_space<semaphore_mem>>) src(%arg36 : memref<48xf32, #tpu.memory_space<vmem>>) dst(%arg13 : memref<48xf32, #tpu.memory_space<hbm>>)
      tpu.enqueue_dma source(%arg37 : memref<48xf32, #tpu.memory_space<vmem>>) target(%arg14 : memref<48xf32, #tpu.memory_space<hbm>>) target_semaphore(%arg39 : memref<!tpu.dma_semaphore, #tpu.memory_space<semaphore_mem>>)
      tpu.wait_dma2 semaphore(%arg39 : memref<!tpu.dma_semaphore, #tpu.memory_space<semaphore_mem>>) src(%arg37 : memref<48xf32, #tpu.memory_space<vmem>>) dst(%arg14 : memref<48xf32, #tpu.memory_space<hbm>>)
      tpu.enqueue_dma source(%arg38 : memref<48xi32, #tpu.memory_space<vmem>>) target(%arg15 : memref<48xi32, #tpu.memory_space<hbm>>) target_semaphore(%arg39 : memref<!tpu.dma_semaphore, #tpu.memory_space<semaphore_mem>>)
      tpu.wait_dma2 semaphore(%arg39 : memref<!tpu.dma_semaphore, #tpu.memory_space<semaphore_mem>>) src(%arg38 : memref<48xi32, #tpu.memory_space<vmem>>) dst(%arg15 : memref<48xi32, #tpu.memory_space<hbm>>)
    } else {
    }
    return
  }
}

module attributes {stable_mosaic.version = 14 : i64} {
  func.func @_prep_body(%arg0: memref<1024x1024xf32, #tpu.memory_space<vmem>>, %arg1: memref<1024x1xf32, #tpu.memory_space<vmem>>, %arg2: memref<1024x1xf32, #tpu.memory_space<vmem>>, %arg3: memref<1024x1xi32, #tpu.memory_space<vmem>>, %arg4: memref<1x1024xf32, #tpu.memory_space<vmem>>, %arg5: memref<1x1024xi32, #tpu.memory_space<vmem>>, %arg6: memref<1x1024xf32, #tpu.memory_space<vmem>>, %arg7: memref<1x128xf32, #tpu.memory_space<vmem>>) attributes {dimension_semantics = [], scalar_prefetch = 0 : i64, scratch_operands = 0 : i64, tpu.core_type = #tpu.core_type<tc>} {
    %get3A = arith.constant 0 : index
    %get3A_0 = arith.constant 0 : index
    %get3A_1 = vector.load %arg0[%get3A, %get3A_0] : memref<1024x1024xf32, #tpu.memory_space<vmem>>, vector<1024x1024xf32>
    %get3A_2 = arith.constant 0 : index
    %get3A_3 = arith.constant 0 : index
    %get3A_4 = vector.load %arg1[%get3A_2, %get3A_3] : memref<1024x1xf32, #tpu.memory_space<vmem>>, vector<1024x1xf32>
    %add3A = vector.broadcast %get3A_4 : vector<1024x1xf32> to vector<1024x1024xf32>
    %add3A_5 = arith.addf %get3A_1, %add3A : vector<1024x1024xf32>
    %reduce_max3A = arith.constant dense<0xFF800000> : vector<1024xf32>
    %reduce_max3A_6 = vector.multi_reduction <maximumf>, %add3A_5, %reduce_max3A [1] : vector<1024x1024xf32> to vector<1024xf32>
    %broadcast_in_dim3A = vector.shape_cast %reduce_max3A_6 : vector<1024xf32> to vector<1024x1xf32>
    %iota3A = tpu.iota {dimensions = array<i32: 1>} : vector<1024x1024xi32>
    %swap3A = arith.constant 0 : index
    %swap3A_7 = arith.constant 0 : index
    %swap3A_8 = vector.load %arg2[%swap3A, %swap3A_7] : memref<1024x1xf32, #tpu.memory_space<vmem>>, vector<1024x1xf32>
    tpu.vector_store %arg2[%swap3A, %swap3A_7], %broadcast_in_dim3A {strides = array<i32>} : memref<1024x1xf32, #tpu.memory_space<vmem>>, vector<1024x1xf32>,
    %eq3A = vector.broadcast %broadcast_in_dim3A : vector<1024x1xf32> to vector<1024x1024xf32>
    %eq3A_9 = arith.cmpf oeq, %add3A_5, %eq3A : vector<1024x1024xf32>
    %jit3A = arith.constant 1024 : i32
    %broadcast_in_dim3A_10 = vector.broadcast %jit3A : i32 to vector<1024x1024xi32>
    %select_n3A = arith.select %eq3A_9, %iota3A, %broadcast_in_dim3A_10 : vector<1024x1024xi1>, vector<1024x1024xi32>
    %reduce_min3A = arith.constant dense<2147483647> : vector<1024xi32>
    %reduce_min3A_11 = vector.multi_reduction <minsi>, %select_n3A, %reduce_min3A [1] : vector<1024x1024xi32> to vector<1024xi32>
    %broadcast_in_dim3A_12 = vector.shape_cast %reduce_min3A_11 : vector<1024xi32> to vector<1024x1xi32>
    %swap3A_13 = arith.constant 0 : index
    %swap3A_14 = arith.constant 0 : index
    %swap3A_15 = vector.load %arg3[%swap3A_13, %swap3A_14] : memref<1024x1xi32, #tpu.memory_space<vmem>>, vector<1024x1xi32>
    tpu.vector_store %arg3[%swap3A_13, %swap3A_14], %broadcast_in_dim3A_12 {strides = array<i32>} : memref<1024x1xi32, #tpu.memory_space<vmem>>, vector<1024x1xi32>,
    %reduce_max3A_16 = arith.constant dense<0xFF800000> : vector<1024xf32>
    %reduce_max3A_17 = vector.multi_reduction <maximumf>, %get3A_1, %reduce_max3A_16 [0] : vector<1024x1024xf32> to vector<1024xf32>
    %broadcast_in_dim3A_18 = vector.shape_cast %reduce_max3A_17 : vector<1024xf32> to vector<1x1024xf32>
    %iota3A_19 = tpu.iota {dimensions = array<i32: 0>} : vector<1024x1024xi32>
    %swap3A_20 = arith.constant 0 : index
    %swap3A_21 = arith.constant 0 : index
    %swap3A_22 = vector.load %arg4[%swap3A_20, %swap3A_21] : memref<1x1024xf32, #tpu.memory_space<vmem>>, vector<1x1024xf32>
    tpu.vector_store %arg4[%swap3A_20, %swap3A_21], %broadcast_in_dim3A_18 {strides = array<i32>} : memref<1x1024xf32, #tpu.memory_space<vmem>>, vector<1x1024xf32>,
    %eq3A_23 = vector.broadcast %broadcast_in_dim3A_18 : vector<1x1024xf32> to vector<1024x1024xf32>
    %eq3A_24 = arith.cmpf oeq, %get3A_1, %eq3A_23 : vector<1024x1024xf32>
    %jit3A_25 = arith.constant 1024 : i32
    %broadcast_in_dim3A_26 = vector.broadcast %jit3A_25 : i32 to vector<1024x1024xi32>
    %select_n3A_27 = arith.select %eq3A_24, %iota3A_19, %broadcast_in_dim3A_26 : vector<1024x1024xi1>, vector<1024x1024xi32>
    %reduce_min3A_28 = arith.constant dense<2147483647> : vector<1024xi32>
    %reduce_min3A_29 = vector.multi_reduction <minsi>, %select_n3A_27, %reduce_min3A_28 [0] : vector<1024x1024xi32> to vector<1024xi32>
    %broadcast_in_dim3A_30 = vector.shape_cast %reduce_min3A_29 : vector<1024xi32> to vector<1x1024xi32>
    %swap3A_31 = arith.constant 0 : index
    %swap3A_32 = arith.constant 0 : index
    %swap3A_33 = vector.load %arg5[%swap3A_31, %swap3A_32] : memref<1x1024xi32, #tpu.memory_space<vmem>>, vector<1x1024xi32>
    tpu.vector_store %arg5[%swap3A_31, %swap3A_32], %broadcast_in_dim3A_30 {strides = array<i32>} : memref<1x1024xi32, #tpu.memory_space<vmem>>, vector<1x1024xi32>,
    %eq3A_34 = arith.constant 0.000000e+00 : f32
    %eq3A_35 = vector.broadcast %eq3A_34 : f32 to vector<1024x1xf32>
    %eq3A_36 = arith.cmpf oeq, %get3A_4, %eq3A_35 : vector<1024x1xf32>
    %convert_element_type3A = arith.extui %eq3A_36 : vector<1024x1xi1> to vector<1024x1xi32>
    %convert_element_type3A_37 = arith.sitofp %convert_element_type3A : vector<1024x1xi32> to vector<1024x1xf32>
    %mul3A = vector.broadcast %convert_element_type3A_37 : vector<1024x1xf32> to vector<1024x1024xf32>
    %mul3A_38 = arith.mulf %get3A_1, %mul3A : vector<1024x1024xf32>
    %reduce_sum3A = arith.constant dense<0.000000e+00> : vector<1024xf32>
    %reduce_sum3A_39 = vector.multi_reduction <add>, %mul3A_38, %reduce_sum3A [0] : vector<1024x1024xf32> to vector<1024xf32>
    %broadcast_in_dim3A_40 = vector.shape_cast %reduce_sum3A_39 : vector<1024xf32> to vector<1x1024xf32>
    %swap3A_41 = arith.constant 0 : index
    %swap3A_42 = arith.constant 0 : index
    %swap3A_43 = vector.load %arg6[%swap3A_41, %swap3A_42] : memref<1x1024xf32, #tpu.memory_space<vmem>>, vector<1x1024xf32>
    tpu.vector_store %arg6[%swap3A_41, %swap3A_42], %broadcast_in_dim3A_40 {strides = array<i32>} : memref<1x1024xf32, #tpu.memory_space<vmem>>, vector<1x1024xf32>,
    %reduce_sum3A_44 = vector.shape_cast %convert_element_type3A_37 : vector<1024x1xf32> to vector<1x1024x1xf32>
    %reduce_sum3A_45 = arith.constant dense<0.000000e+00> : vector<1xf32>
    %reduce_sum3A_46 = vector.multi_reduction <add>, %reduce_sum3A_44, %reduce_sum3A_45 [1, 2] : vector<1x1024x1xf32> to vector<1xf32>
    %reduce_sum3A_47 = vector.shape_cast %reduce_sum3A_46 : vector<1xf32> to vector<1x1x1xf32>
    %reduce_sum3A_48 = vector.extract %reduce_sum3A_47[0, 0, 0] : f32 from vector<1x1x1xf32>
    %div3A = arith.constant 1.000000e+00 : f32
    %div3A_49 = arith.divf %div3A, %reduce_sum3A_48 : f32
    %broadcast_in_dim3A_50 = vector.broadcast %div3A_49 : f32 to vector<1x128xf32>
    %swap3A_51 = arith.constant 0 : index
    %swap3A_52 = arith.constant 0 : index
    %swap3A_53 = vector.load %arg7[%swap3A_51, %swap3A_52] : memref<1x128xf32, #tpu.memory_space<vmem>>, vector<1x128xf32>
    tpu.vector_store %arg7[%swap3A_51, %swap3A_52], %broadcast_in_dim3A_50 {strides = array<i32>} : memref<1x128xf32, #tpu.memory_space<vmem>>, vector<1x128xf32>,
    return
  }
}

</mosaic_0001>

<sc_bundles>
// kernel: kernel.4.cloned.1.call-start
scs
__scs_entry_jumppad:
0x0: {  	(pc) =	sbr.rel $0x88, $3  }
0x1: {  	(tag) =	ssettag $0x0;
	lr =	simm.s32 $0x1  }
0x2: {  	[smem:$0x3F9E] =	sst lr;
	_ =	strace $0xD0000000  }
0x3: {  	_ = 	snop  }
0x4: {  	_ = 	snop  }
0x5: {  	_ = 	snop  }
0x6: {  	_ = 	snop  }
0x7: {  	_ = 	snop  }
__scs_overlays_trampoline_lowered:
0x8: {  	[smem:$0x3FAD] =	sst s0  }
0x9: {  	[smem:$0x3FAE] =	sst s1  }
0xa: {  	[smem:$0x3FAF] =	sst s2  }
0xb: {  	[smem:$0x3FB0] =	sst s3  }
0xc: {  	[smem:$0x3FB1] =	sst s4  }
0xd: {  	[smem:$0x3FB2] =	sst s5  }
0xe: {  	[smem:$0x3FB3] =	sst s6  }
0xf: {  	[smem:$0x3FB4] =	sst s7  }
0x10: {  	[smem:$0x3FB5] =	sst s8  }
0x11: {  	[smem:$0x3FB6] =	sst s9;
	s0 =	simm.s32 @!p0 $0x0  }
0x12: {  	s1 =	sld [smem:$0x3F9C];
	s0 =	simm.s32 @p0 $0x1  }
0x13: {  	[smem:$0x3FB7] =	sst s0;
	s0 =	simm.s32 @!p1 $0x0  }
0x14: {  	s2 =	sld [smem:$0x3F9B];
	s0 =	simm.s32 @p1 $0x1  }
0x15: {  	[smem:$0x3FB8] =	sst s0;
	s0 =	simm.s32 @!p2 $0x0  }
0x16: {  	s3 =	sld [smem:$0x3FDB];
	s0 =	simm.s32 @p2 $0x1  }
0x17: {  	s4 =	simm.s32 $0x1BF5;
	[smem:$0x3FBA] =	sst s0  }
0x18: {  	s0 =	sld [smem:$0x3F9D];
	_ =	swait.ge [sflag:s4], $0x0  }
0x19: {  	s7 =	sld [smem:$0x3F9E]  }
0x1a: {  	s8 =	sadd.s32 $0xFFFFE003, lr  }
0x1b: {  	s9 =	sadd.s32 $0xFFFFFEF7, lr;
	s5 =	simm.s32 $0xFFFFFFFF;
	p2 =	slt.u32 s8, $0xFFFFF086  }
0x1c: {  	p1 =	slt.u32 s9, $0xF7A;
	s5 =	simm.s32 @!p2 $0x0  }
0x1d: {  	s5 =	simm.s32 @p1 $0x1;
	p0 =	seq.s32 s7, s2  }
0x1e: {  	s7 =	smul.u32 @!p0 $0xF7A, s2;
	p2 =	seq.s32 @!p0 s5, $0x0  }
0x1f: {  	s9 =	smul.u32 $0xF7A, s1;
	s8 =	simm.s32 @!p0 $0x1BF5;
	p2 =	por !p2, p0  }
0x20: {  	[sflag:s8] =	ssyncset.s32 @!p0 $0xFFFFF086;
	s6 =	sadd.s32 @!p0 s3, s7;
	s7 =	simm.s32 @!p0 $0x108  }
0x21: {  	s3 =	sadd.s32 s3, s9;
	s6 =	sadd.s32 @!p0 $0x88, s6;
	s7 =	simm.s32 @p2 $0x1082  }
0x22: {  	[simem:s7], [sflag:s8] =	dma.local @!p0 [hbm:s6], $0xF7A  }
0x23: {  	s9 =	sor.u32 $0xD0000000, s2;
	s6 =	simm.s32 $0x108;
	_ =	swait.ge @!p0 [sflag:s8], $0x0  }
0x24: {  	s3 =	sadd.s32 $0x88, s3;
	s6 =	simm.s32 @!p1 $0x1082;
	[sflag:s4] =	ssyncset.s32 $0xFFFFF086  }
0x25: {  	[simem:s6], [sflag:s4] =	dma.local [hbm:s3], $0xF7A  }
0x26: {  	[smem:$0x3F9E] =	sst s1;
	(tag) =	ssettag s2;
	_ =	strace s9  }
0x27: {  	s1 =	sld [smem:$0x3FAE]  }
0x28: {  	s2 =	sld [smem:$0x3FAF]  }
0x29: {  	s4 =	sld [smem:$0x3FB1]  }
0x2a: {  	p0 =	seq.s32 s5, $0x0;
	s5 =	sld [smem:$0x3FB2]  }
0x2b: {  	s6 =	sld [smem:$0x3FB3]  }
0x2c: {  	s7 =	sld [smem:$0x3FB4]  }
0x2d: {  	s3 =	simm.s32 $0x108;
	s8 =	sld [smem:$0x3FB5]  }
0x2e: {  	s3 =	simm.s32 @!p0 $0x1082;
	s9 =	sld [smem:$0x3FB6]  }
0x2f: {  	lr =	sadd.s32 s0, s3;
	s0 =	sld [smem:$0x3FAD]  }
0x30: {  	s3 =	sld [smem:$0x3FB0]  }
0x31: {  	[smem:$0x3FB9] =	sst s10  }
0x32: {  	s10 =	sld [smem:$0x3FB7];
	_ =	sdelay $0x3  }
0x33: {  	p0 =	seq.s32 s10, $0x1;
	s10 =	sld [smem:$0x3FB9];
	_ =	sdelay $0x3  }
0x34: {  	[smem:$0x3FB9] =	sst s10  }
0x35: {  	s10 =	sld [smem:$0x3FB8];
	_ =	sdelay $0x3  }
0x36: {  	p1 =	seq.s32 s10, $0x1;
	s10 =	sld [smem:$0x3FB9];
	_ =	sdelay $0x3  }
0x37: {  	[smem:$0x3FB9] =	sst s10  }
0x38: {  	s10 =	sld [smem:$0x3FBA]  }
0x39: {  	_ = 	snop;
	(pc) =	sbr.ind lr, $3  }
0x3a: {  	_ = 	snop  }
0x3b: {  	_ = 	snop  }
0x3c: {  	p2 =	seq.s32 s10, $0x1;
	s10 =	sld [smem:$0x3FB9]  }
0x3d: {  	_ =	shalt  }
0x3e: {  	_ =	shalt  }
0x3f: {  	_ =	shalt  }
0x40: {  	_ =	shalt  }
0x41: {  	_ =	shalt  }
0x42: {  	_ =	shalt  }
0x43: {  	_ =	shalt  }
0x44: {  	_ =	shalt  }
0x45: {  	_ =	shalt  }
0x46: {  	_ =	shalt  }
0x47: {  	_ =	shalt  }
0x48: {  	_ =	shalt  }
0x49: {  	_ =	shalt  }
0x4a: {  	_ =	shalt  }
0x4b: {  	_ =	shalt  }
0x4c: {  	_ =	shalt  }
0x4d: {  	_ =	shalt  }
0x4e: {  	_ =	shalt  }
0x4f: {  	_ =	shalt  }
0x50: {  	_ =	shalt  }
0x51: {  	_ =	shalt  }
0x52: {  	_ =	shalt  }
0x53: {  	_ =	shalt  }
0x54: {  	_ =	shalt  }
0x55: {  	_ =	shalt  }
0x56: {  	_ =	shalt  }
0x57: {  	_ =	shalt  }
0x58: {  	_ =	shalt  }
0x59: {  	_ =	shalt  }
0x5a: {  	_ =	shalt  }
0x5b: {  	_ =	shalt  }
0x5c: {  	_ =	shalt  }
0x5d: {  	_ =	shalt  }
0x5e: {  	_ =	shalt  }
0x5f: {  	_ =	shalt  }
0x60: {  	_ =	shalt  }
0x61: {  	_ =	shalt  }
0x62: {  	_ =	shalt  }
0x63: {  	_ =	shalt  }
0x64: {  	_ =	shalt  }
0x65: {  	_ =	shalt  }
0x66: {  	_ =	shalt  }
0x67: {  	_ =	shalt  }
0x68: {  	_ =	shalt  }
0x69: {  	_ =	shalt  }
0x6a: {  	_ =	shalt  }
0x6b: {  	_ =	shalt  }
0x6c: {  	_ =	shalt  }
0x6d: {  	_ =	shalt  }
0x6e: {  	_ =	shalt  }
0x6f: {  	_ =	shalt  }
0x70: {  	_ =	shalt  }
0x71: {  	_ =	shalt  }
0x72: {  	_ =	shalt  }
0x73: {  	_ =	shalt  }
0x74: {  	_ =	shalt  }
0x75: {  	_ =	shalt  }
0x76: {  	_ =	shalt  }
0x77: {  	_ =	shalt  }
0x78: {  	_ =	shalt  }
0x79: {  	_ =	shalt  }
0x7a: {  	_ =	shalt  }
0x7b: {  	_ =	shalt  }
0x7c: {  	_ =	shalt  }
0x7d: {  	_ =	shalt  }
0x7e: {  	_ =	shalt  }
0x7f: {  	_ =	shalt  }
0x80: {  	_ =	shalt  }
0x81: {  	_ =	shalt  }
0x82: {  	_ =	shalt  }
0x83: {  	_ =	shalt  }
0x84: {  	_ =	shalt  }
0x85: {  	_ =	shalt  }
0x86: {  	_ =	shalt  }
0x87: {  	_ =	shalt  }
.Lfunc_end0:
.L_simem_size_0:
called_computation_lowered:
.L_overlay_start_0:
0x88: {  	s2 =	sld [smem:$0x3FD9]  }
0x89: {  	s3 =	sld [smem:$0x3FFE];
	_ =	sdelay $0x1  }
0x8a: {  	s1 =	srdreg.scid  }
0x8b: {  	s0 =	sand.u32 $0x1, s1  }
0x8c: {  	s14 =	sshll.u32 s0, $0xA;
	s2 =	sadd.s32 s3, s2  }
0x8d: {  	s2 =	sadd.s32 s2, s14  }
0x8e: {  	[smem:$0x3FC5] =	sst s2  }
0x8f: {  	_ = 	snop  }
0x90: {  	s2 =	sld [smem:$0x3FD0];
	_ =	sdelay $0x2  }
0x91: {  	s4 =	simm.s32 $0xA;
	s5 =	simm.s32 $0x10;
	s15 =	sld [smem:$0x3FC9]  }
0x92: {  	[smem:s5], [sflag:s4] =	dma.local [hbm:s2], $0x1  }
0x93: {  	_ =	swait.eq [sflag:s4], $0x1  }
0x94: {  	[sflag:s4] =	ssyncset.done $0x0  }
0x95: {  	s16 =	sld [smem:$0x10];
	[sflag:s4] =	ssyncadd.s32 $0xFFFFFFFF  }
0x96: {  	s17 =	sld [smem:$0x11];
	(tm) =	ssettm $0x1  }
0x97: {  	s18 =	sld [smem:$0x3FFB];
	_ =	sdelay $0x3  }
0x98: {  	_ =	strace s18  }
0x99: {  	s5 =	sld [smem:$0x3FFC];
	_ =	sdelay $0x3  }
0x9a: {  	_ =	strace s5  }
0x9b: {  	s5 =	sld [smem:$0x3FFD];
	_ =	sdelay $0x3  }
0x9c: {  	_ =	strace s5  }
0x9d: {  	_ =	strace $0x8FFFFFFF  }
0x9e: {  	s19 =	sld [smem:$0x3FDB];
	_ =	sdelay $0x1  }
0x9f: {  	s6 =	simm.s32 $_scs_section_size  }
0xa0: {  	s7 =	simm.s32 $_size__tile_overlayer_lowered;
	s8 =	simm.s32 $_tile_overlayer_lowered  }
0xa1: {  	s22 =	simm.s32 $0x1BFF;
	s21 =	sshll.u32 s8, $0x1;
	s5 =	sadd.s32 s6, s19  }
0xa2: {  	s9 =	simm.s32 $0x0;
	s20 =	sshll.u32 s7, $0x1;
	s7 =	sadd.s32 s21, s5  }
0xa3: {  	[timem:s9], [sflag:s22] =	dma.local [hbm:s7], s20  }
0xa4: {  	_ =	swait.ge [sflag:s22], s20  }
0xa5: {  	s6 =	ssub.s32 $0x0, s20;
	[sflag:s22] =	ssyncset.done $0x0  }
0xa6: {  	[sflag:s22] =	ssyncadd.s32 s6;
	_ =	sdelay $0x1  }
0xa7: {  	s23 =	simm.s32 $0x1B8B  }
0xa8: {  	_ =	swait.ge [sflag:s23], $0x1  }
0xa9: {  	[sflag:s23] =	ssyncset.done $0x0  }
0xaa: {  	s25 =	simm.s32 $0x1B8E;
	s24 =	sld [smem:$0x3FFE];
	[sflag:s23] =	ssyncadd.s32 $0xFFFFFFFF  }
0xab: {  	s26 =	simm.s32 $execute0_lowered;
	[smem:$0x3FD2] =	sst s25  }
0xac: {  	s7 =	sshll.u32 s26, $0x1;
	_ =	strace $0x80000046;
	[dreg:$0x1] =	wrdreg $0xFFFFFFFF  }
0xad: {  	s28 =	simm.s32 $_size_execute0_lowered;
	s5 =	sadd.s32 s5, s7;
	[dreg:$0x0] =	wrdreg $0x0  }
0xae: {  	s7 =	sshll.u32 s28, $0x1;
	[dreg:$0x2] =	wrdreg s5  }
0xaf: {  	[dreg:$0x3] =	wrdreg s7  }
0xb0: {  	[dreg:$0x4] =	wrdreg $0xC0  }
0xb1: {  	_ =	task [dreg:s9], $0x5FFFF  }
0xb2: {  	[dreg:$0x1] =	wrdreg $0xFFFFFFFF  }
0xb3: {  	[dreg:$0x0] =	wrdreg $0x60  }
0xb4: {  	[dreg:$0x2] =	wrdreg s15  }
0xb5: {  	[dreg:$0x3] =	wrdreg s24  }
0xb6: {  	[dreg:$0x4] =	wrdreg s16  }
0xb7: {  	[dreg:$0x5] =	wrdreg s17  }
0xb8: {  	[dreg:$0x6] =	wrdreg $0x9  }
0xb9: {  	_ =	task.clear_ibuf [dreg:s9], $0x7FFFF;
	_ =	strace $0x90000046  }
0xba: {  	s29 =	simm.s32 $0x9;
	_ =	strace $0x80000048  }
0xbb: {  	_ =	swait.ge [sflag:s29], $0x1  }
0xbc: {  	[sflag:s29] =	ssyncadd.s32 $0xFFFFFFFF  }
0xbd: {  	_ =	strace $0x90000048  }
0xbe: {  	_ =	sfence  }
0xbf: {  	s30 =	sld [smem:$0x0];
	_ =	sdelay $0x2  }
0xc0: {  	s31 =	sshll.u32 s1, $0xD;
	s1 =	sshrl.u32 s1, $0x2  }
0xc1: {  	s3 =	sand.u32 $0x4000, s31;
	s1 =	sadd.s32 s1, s30  }
0xc2: {  	s0 =	sor.u32 s3, s0;
	s1 =	sshll.u32 s1, $0x11  }
0xc3: {  	s0 =	sor.u32 s1, s0  }
0xc4: {  	s0 =	sadd.s32 $0x8F2B, s0  }
0xc5: {  	[sflag:s0] =	ssyncadd.remote.s32 $0x1  }
0xc6: {  	_ =	sfence.sel $0xFFFF  }
0xc7: {  	[dreg:$0x0] =	wrdreg $0xFFFFFFFF;
	(pc) =	sbr.abs _section_cstart, $3  }
0xc8: {  	[dreg:$0x1] =	wrdreg $0xFFFFFFFF  }
0xc9: {  	_ =	task.clear_ibuf [dreg:s9], $0x2FFFF;
	_ =	strace $0x9FFFFFFF  }
0xca: {  	(tm) =	ssettm $0x7FFFFFFF  }
0xcb: {  	_ =	shalt  }
tec
execute0_lowered:
.L_overlay_start_1:
0x0: {  	(tag) =	ssettag $0x1  }
0x1: {  	s2 =	srdreg.scid  }
0x2: {  	s3 =	stileid.u32;
	s2 =	sand.u32 $0x1, s2  }
0x3: {  	s3 =	sor.u32 s3, s2  }
0x4: {  	p0 =	sne.s32 s3, $0x0  }
.Ltmp0:
0x5: {  	_ = 	snop;
	(pc) =	sbr.rel @!p0 .LBB2_1-.Ltmp0, $4  }
0x6: {  	_ = 	snop  }
0x7: {  	s0 =	rddreg [dreg:$0x0];
	s5 =	simm.s32 $0x0  }
0x8: {  	[smem:$0x7FF] =	sst s5  }
0x9: {  	s1 =	rddreg [dreg:$0x1];
	_ =	strace $0x80000047  }
.LBB2_52:
0xa: {  	_ =	sfence.sel $0x180000  }
0xb: {  	[bflag:$0x0] =	sbarrier.arrive $0xFFFF  }
0xc: {  	_ =	strace $0x90000047  }
0xd: {  	s0 =	stileid.u32;
	[bflag:$0x2] =	sbarrier.arrive $0xFFFF  }
0xe: {  	p0 =	sne.s32 s0, $0x0;
	s0 =	rddreg [dreg:$0x4]  }
0xf: {  	s0 =	sadd.s32 @!p0 $0x100000, s0  }
0x10: {  	[sflag:s0] =	ssyncadd.tile.s32 @!p0 $0x1;
	_ =	shalt  }
.LBB2_1:
0x11: {  	s3 =	sadd.s32 $0x21800, s1  }
0x12: {  	s18 =	sadd.s32 $0x21600, s1;
	[dreg:$0x5] =	wrdreg s3  }
0x13: {  	s6 =	sadd.s32 $0xE00, s1;
	s19 =	sadd.s32 $0x20E00, s1;
	[dreg:$0x6] =	wrdreg s18  }
0x14: {  	s20 =	sadd.s32 $0x21000, s1;
	s21 =	sadd.s32 $0x21200, s1;
	[dreg:$0x7] =	wrdreg s19  }
0x15: {  	s22 =	sadd.s32 $0xC00, s1;
	s2 =	ssub.s32 $0x2, s2;
	[dreg:$0x8] =	wrdreg s20  }
0x16: {  	s23 =	sadd.s32 $0x21400, s1;
	s24 =	sadd.s32 $0x21A00, s1;
	[dreg:$0x9] =	wrdreg s21  }
0x17: {  	s4 =	sadd.s32 $0x21C00, s1;
	s26 =	sadd.s32 $0x21E00, s1;
	[dreg:$0xa] =	wrdreg s22  }
0x18: {  	s28 =	simm.s32 $0x800;
	s29 =	simm.s32 $0x80;
	[dreg:$0xb] =	wrdreg s23  }
0x19: {  	s30 =	simm.s32 $0xC80;
	s31 =	simm.s32 $0x1080;
	[dreg:$0xc] =	wrdreg s24  }
0x1a: {  	s1 =	simm.s32 $0x1480;
	s7 =	simm.s32 $0x0;
	[dreg:$0xd] =	wrdreg s4  }
0x1b: {  	s25 =	sshrl.u32 s2, $0x1;
	[dreg:$0xe] =	wrdreg s26;
	s18 =	simm.s32 $0x1  }
0x1c: {  	v0 =	vlaneseq.u32;
	v3 =	vimm.f32 $-Inf;
	s19 =	simm.s32 $0x400;
	s23 =	simm.s32 $0x3C80;
	s26 =	simm.s32 $0xC00  }
0x1d: {  	v2 =	vimm.f32 $0.0e+00;
	vm0 =	vcmask $0x308;
	v1 =	vor.u32 $0x80000010, v0;
	s20 =	simm.s32 $0x2480;
	s21 =	simm.s32 $0x2880;
	s22 =	simm.s32 $0x2C80  }
0x1e: {  	v5 =	vimm.s32 $0x0;
	v8 =	vimm.s32 $0x28;
	v4 =	vor.u32 $0x80000020, v0;
	s24 =	simm.s32 $0x4180;
	s3 =	simm.s32 $0x4280;
	s4 =	simm.s32 $0x4300  }
0x1f: {  	v9 =	vimm.s32 $0x29;
	v6 =	vor.u32 $0x80000000, v0;
	v7 =	vor.u32 $0x80000030, v0;
	s17 =	ssub.s32 s2, s25;
	s2 =	simm.s32 $0x2080;
	s25 =	simm.s32 $0x4200  }
.LBB2_2:
0x20: {  	s8 =	simm.s32 $0x0;
	s9 =	rddreg [dreg:$0x5]  }
0x21: {  	[tilespmem:s8], [sflag:$0x1] =	stream.linear.gather [hbm4b:s9+s8], $0x400, $0x38;
	[tilespmem:$0x4380] =	vst v63  }
0x22: {  	_ =	swait.ge [sflag:s18], $0x400  }
0x23: {  	[sflag:s18] =	ssyncset.done $0x0  }
0x24: {  	s13 =	rddreg [dreg:$0x6];
	[sflag:s18] =	ssyncadd.s32 $0xFFFFFC00  }
0x25: {  	[tilespmem:s19], [sflag:$0x1] =	stream.linear.gather [hbm4b:s13+s8], $0x400, $0x38;
	[tilespmem:$0x4380] =	vst v63  }
0x26: {  	_ =	swait.ge [sflag:s18], $0x400  }
0x27: {  	[sflag:s18] =	ssyncset.done $0x0  }
0x28: {  	s10 =	simm.s32 $0x3080;
	s14 =	rddreg [dreg:$0x7];
	[sflag:s18] =	ssyncadd.s32 $0xFFFFFC00  }
0x29: {  	[tilespmem:s10], [sflag:$0x1] =	stream.linear.gather [hbm4b:s14+s8], $0x400, $0x38;
	[tilespmem:$0x4380] =	vst v63  }
0x2a: {  	_ =	swait.ge [sflag:s18], $0x400  }
0x2b: {  	[sflag:s18] =	ssyncset.done $0x0  }
0x2c: {  	s16 =	simm.s32 $0x3480;
	s15 =	rddreg [dreg:$0x8];
	[sflag:s18] =	ssyncadd.s32 $0xFFFFFC00  }
0x2d: {  	[tilespmem:s16], [sflag:$0x1] =	stream.linear.gather [hbm4b:s15+s8], $0x400, $0x38;
	[tilespmem:$0x4380] =	vst v63  }
0x2e: {  	_ =	swait.ge [sflag:s18], $0x400  }
0x2f: {  	[sflag:s18] =	ssyncset.done $0x0  }
0x30: {  	s11 =	simm.s32 $0x3880;
	s10 =	rddreg [dreg:$0x9];
	[sflag:s18] =	ssyncadd.s32 $0xFFFFFC00  }
0x31: {  	[tilespmem:s11], [sflag:$0x1] =	stream.linear.gather [hbm4b:s10+s8], $0x400, $0x38;
	[tilespmem:$0x4380] =	vst v63  }
0x32: {  	_ =	swait.ge [sflag:s18], $0x400  }
0x33: {  	[sflag:s18] =	ssyncset.done $0x0  }
0x34: {  	s12 =	rddreg [dreg:$0xa];
	[sflag:s18] =	ssyncadd.s32 $0xFFFFFC00  }
0x35: {  	[tilespmem:s23], [sflag:$0x1] =	stream.linear.gather [hbm4b:s12+s8], $0x400, $0x38;
	[tilespmem:$0x4380] =	vst v63  }
0x36: {  	_ =	swait.ge [sflag:s18], $0x400  }
0x37: {  	[sflag:s18] =	ssyncset.done $0x0  }
0x38: {  	[sflag:s18] =	ssyncadd.s32 $0xFFFFFC00  }
0x39: {  	s14 =	simm.s32 $0x4080;
	s13 =	rddreg [dreg:$0x2]  }
0x3a: {  	[tilespmem:s14], [sflag:$0x1] =	stream.linear.gather [hbm4b:s13+s8], $0x80, $0x38;
	[tilespmem:$0x4380] =	vst v63  }
0x3b: {  	_ =	swait.ge [sflag:s18], $0x80  }
0x3c: {  	[sflag:s18] =	ssyncset.done $0x0  }
0x3d: {  	s16 =	simm.s32 $0x4100;
	s15 =	rddreg [dreg:$0xb];
	[sflag:s18] =	ssyncadd.s32 $0xFFFFFF80  }
0x3e: {  	[tilespmem:s16], [sflag:$0x1] =	stream.linear.gather [hbm4b:s15+s8], $0x80, $0x38;
	[tilespmem:$0x4380] =	vst v63  }
0x3f: {  	_ =	swait.ge [sflag:s18], $0x80  }
0x40: {  	[sflag:s18] =	ssyncset.done $0x0  }
0x41: {  	s9 =	simm.s32 $0x0;
	s8 =	simm.s32 $0x40;
	[sflag:s18] =	ssyncadd.s32 $0xFFFFFF80  }
.LBB2_3:
0x42: {  	p0 =	sne.s32 s8, $0xFC0;
	[tilespmem:s9+$0x800] =	vst v2;
	s9 =	smov.u32 s8;
	s8 =	sadd.s32 $0x40, s8  }
.Ltmp1:
0x43: {  	(pc) =	sbr.rel @p0 .LBB2_3-.Ltmp1, $2  }
0x44: {  	_ =	sdelay $0x2  }
0x45: {  	s9 =	sshra.s32 s9, $0x2  }
0x46: {  	[tilespmem:s9+$0x800] =	vst v2;
	s8 =	simm.s32 $0x40;
	s9 =	simm.s32 $0x0  }
.LBB2_5:
0x47: {  	p0 =	sne.s32 s8, $0xFC0;
	[tilespmem:s9+$0x1880] =	vst v3;
	s9 =	smov.u32 s8;
	s8 =	sadd.s32 $0x40, s8  }
.Ltmp2:
0x48: {  	(pc) =	sbr.rel @p0 .LBB2_5-.Ltmp2, $2  }
0x49: {  	_ =	sdelay $0x2  }
0x4a: {  	s9 =	sshra.s32 s9, $0x2  }
0x4b: {  	[tilespmem:s9+$0x1880] =	vst v3;
	s8 =	simm.s32 $0x40;
	s9 =	simm.s32 $0x0  }
.LBB2_7:
0x4c: {  	p0 =	sne.s32 s8, $0xFC0;
	[tilespmem:s9+$0x1C80] =	vst v5;
	s9 =	smov.u32 s8;
	s8 =	sadd.s32 $0x40, s8  }
.Ltmp3:
0x4d: {  	(pc) =	sbr.rel @p0 .LBB2_7-.Ltmp3, $2  }
0x4e: {  	_ =	sdelay $0x2  }
0x4f: {  	s9 =	sshra.s32 s9, $0x2  }
0x50: {  	[tilespmem:s9+$0x1C80] =	vst v5;
	s8 =	simm.s32 $0x40;
	s9 =	simm.s32 $0x0  }
.LBB2_9:
0x51: {  	p0 =	sne.s32 s8, $0xFC0;
	[tilespmem:s9+$0x2080] =	vst v5;
	s9 =	smov.u32 s8;
	s8 =	sadd.s32 $0x40, s8  }
.Ltmp4:
0x52: {  	(pc) =	sbr.rel @p0 .LBB2_9-.Ltmp4, $2  }
0x53: {  	_ =	sdelay $0x2  }
0x54: {  	s9 =	sshra.s32 s9, $0x2  }
0x55: {  	[tilespmem:s9+$0x2080] =	vst v5;
	s8 =	simm.s32 $0x0;
	s9 =	simm.s32 $0x40;
	s10 =	simm.s32 $0x0  }
.LBB2_11:
0x56: {  	p0 =	sne.s32 s9, $0xFC0;
	[tilespmem:s10+$0x2480] =	vst v5;
	s10 =	smov.u32 s9;
	s9 =	sadd.s32 $0x40, s9  }
.Ltmp5:
0x57: {  	(pc) =	sbr.rel @p0 .LBB2_11-.Ltmp5, $2  }
0x58: {  	_ =	sdelay $0x2  }
0x59: {  	s10 =	sshra.s32 s10, $0x2  }
0x5a: {  	[tilespmem:s10+$0x2480] =	vst v5  }
.LBB2_13:
0x5b: {  	p0 =	sne.s32 s8, $0xFC0  }
.Ltmp6:
0x5c: {  	_ = 	snop;
	(pc) =	sbr.rel @p0 .LBB2_13-.Ltmp6, $3  }
0x5d: {  	_ =	sdelay $0x1  }
0x5e: {  	s9 =	sshra.s32 s8, $0x2  }
0x5f: {  	s8 =	sadd.s32 $0x40, s8;
	[tilespmem:s9+$0x2880] =	vst v3  }
0x60: {  	s8 =	simm.s32 $0x40;
	s9 =	simm.s32 $0x0  }
.LBB2_15:
0x61: {  	p0 =	sne.s32 s8, $0xFC0;
	[tilespmem:s9+$0x2C80] =	vst v5;
	s9 =	smov.u32 s8;
	s8 =	sadd.s32 $0x40, s8  }
.Ltmp7:
0x62: {  	(pc) =	sbr.rel @p0 .LBB2_15-.Ltmp7, $2  }
0x63: {  	_ =	sdelay $0x2  }
0x64: {  	s9 =	sshra.s32 s9, $0x2  }
0x65: {  	[tilespmem:s9+$0x2C80] =	vst v5  }
0x66: {  	[tilespmem:$0x4180] =	vst v2  }
0x67: {  	[tilespmem:$0x4190] =	vst v2  }
0x68: {  	[tilespmem:$0x41A0] =	vst v2  }
0x69: {  	[tilespmem:$0x4200] =	vst v2  }
0x6a: {  	[tilespmem:$0x4210] =	vst v2  }
0x6b: {  	[tilespmem:$0x4220] =	vst v2  }
0x6c: {  	s8 =	simm.s32 $0x0;
	[tilespmem:$0x4280] =	vst v2  }
0x6d: {  	[tilespmem:$0x4290] =	vst v2;
	v10 =	vor.u32 s8, v0  }
0x6e: {  	[tilespmem:$0x42A0] =	vst v2  }
0x6f: {  	[tilespmem:$0x4300] =	vst v5  }
0x70: {  	[tilespmem:$0x4310] =	vst v5  }
0x71: {  	[tilespmem:$0x4320] =	vst v5  }
0x72: {  	v10 =	vld.idx.msk [tilespmem:v10+s5+$0x0], $0xffff;
	_ =	sdelay $0x4  }
0x73: {  	(xrf0) =	vmax.scan.msk.f32 $0xffff, v10;
	_ =	sdelay $0x3  }
0x74: {  	s13 =	simm.s32 $0x10;
	v10 =	vmov s8  }
0x75: {  	v11 =	vor.u32 s13, v0  }
0x76: {  	v12, _, _ =	vpop (xrf0)  }
0x77: {  	v12 =	vbroadcast v12, $0xF  }
0x78: {  	s14 =	simm.s32 $0x3C80  }
0x79: {  	v13 =	vld [tilespmem:s14+$0x0];
	[tilespmem:v10+s26+$0x0] =	vst.idx.msk $0x1, v12  }
0x7a: {  	v10 =	vld.idx.msk [tilespmem:v11+s5+$0x0], $0xffff;
	_ =	sdelay $0x4  }
0x7b: {  	(xrf0) =	vmax.scan.msk.f32 $0xffff, v10;
	_ =	sdelay $0x2  }
0x7c: {  	s15 =	simm.s32 $0x1;
	v13 =	vcvt.s32.f32 v13  }
0x7d: {  	s16 =	simm.s32 $0x20;
	v10 =	vmov s15  }
0x7e: {  	(xrf2) =	vadd.scan.msk.f32 $0xffff, v13;
	v11 =	vor.u32 s16, v0  }
0x7f: {  	v12, _, _ =	vpop (xrf0)  }
0x80: {  	v12 =	vbroadcast v12, $0xF  }
0x81: {  	s11 =	simm.s32 $0x3C90  }
0x82: {  	v14 =	vld [tilespmem:s11+$0x0];
	[tilespmem:v10+s26+$0x0] =	vst.idx.msk $0x1, v12  }
0x83: {  	v10 =	vld.idx.msk [tilespmem:v11+s5+$0x0], $0xffff;
	_ =	sdelay $0x4  }
0x84: {  	(xrf0) =	vmax.scan.msk.f32 $0xffff, v10;
	v10, _, _ =	vpop (xrf2)  }
0x85: {  	(v2sf) =	vpush v10, $0xF;
	_ =	sdelay $0x2  }
0x86: {  	v11 =	vcvt.s32.f32 v14;
	_ =	sdelay $0x1  }
0x87: {  	(xrf2) =	vadd.scan.msk.f32 $0xffff, v11;
	_ =	sdelay $0x1  }
0x88: {  	s13 =	simm.s32 $0x2  }
0x89: {  	s10 =	simm.s32 $0x30;
	v10 =	vmov s13  }
0x8a: {  	v11 =	vor.u32 s10, v0  }
0x8b: {  	s9 =	simm.f32 $0.0e+00;
	v12, _, _ =	vpop (xrf0)  }
0x8c: {  	s12 =	simm.s32 $0x3;
	s8 =	simm.s32 $0x4;
	s13 =	simm.s32 $0x5;
	v12 =	vbroadcast v12, $0xF  }
.LBB2_17:
0x8d: {  	p0 =	sne.s32 s13, $0x3F;
	s11 =	sadd.s32 $0x10, s11  }
0x8e: {  	v13 =	vld [tilespmem:s11+$0x0];
	[tilespmem:v10+s26+$0x0] =	vst.idx.msk $0x1, v12  }
0x8f: {  	v10 =	vld.idx.msk [tilespmem:v11+s5+$0x0], $0xffff  }
0x90: {  	v11, _, _ =	vpop (xrf2);
	s14 =	spop (v2sf)  }
0x91: {  	(v2sf) =	vpush v11, $0xF;
	s9 =	sadd.f32 s14, s9;
	_ =	sdelay $0x1  }
0x92: {  	v11 =	vcvt.s32.f32 v13;
	_ =	sdelay $0x1  }
0x93: {  	(xrf0) =	vmax.scan.msk.f32 $0xffff, v10  }
0x94: {  	(xrf2) =	vadd.scan.msk.f32 $0xffff, v11;
	_ =	sdelay $0x1  }
.Ltmp8:
0x95: {  	(pc) =	sbr.rel @p0 .LBB2_17-.Ltmp8, $4  }
0x96: {  	s10 =	sadd.s32 $0x10, s10;
	v10 =	vmov s12;
	s12 =	smov.u32 s8;
	s8 =	smov.u32 s13  }
0x97: {  	v11 =	vor.u32 s10, v0  }
0x98: {  	v12, _, _ =	vpop (xrf0)  }
0x99: {  	s13 =	sadd.s32 $0x1, s13;
	v12 =	vbroadcast v12, $0xF  }
0x9a: {  	_ =	sdelay $0x2  }
0x9b: {  	s11 =	sadd.s32 $0x10, s11  }
0x9c: {  	v13 =	vld [tilespmem:s11+$0x0];
	[tilespmem:v10+s26+$0x0] =	vst.idx.msk $0x1, v12  }
0x9d: {  	v10 =	vld.idx.msk [tilespmem:v11+s5+$0x0], $0xffff;
	_ =	sdelay $0x4  }
0x9e: {  	(xrf0) =	vmax.scan.msk.f32 $0xffff, v10;
	_ =	sdelay $0x3  }
0x9f: {  	v10 =	vmov s12;
	_ =	sdelay $0x1  }
0xa0: {  	v11, _, _ =	vpop (xrf0)  }
0xa1: {  	s11 =	sadd.s32 $0x10, s11;
	v11 =	vbroadcast v11, $0xF  }
0xa2: {  	v12 =	vld [tilespmem:s11+$0x0]  }
0xa3: {  	s11 =	sadd.s32 $0x10, s11;
	[tilespmem:v10+s26+$0x0] =	vst.idx.msk $0x1, v11  }
0xa4: {  	v10 =	vld [tilespmem:s11+$0x0]  }
0xa5: {  	v11 =	vcvt.s32.f32 v13;
	_ =	sdelay $0x1  }
0xa6: {  	(xrf2) =	vadd.scan.msk.f32 $0xffff, v11;
	v11 =	vcvt.s32.f32 v12;
	_ =	sdelay $0x1  }
0xa7: {  	(xrf2) =	vadd.scan.msk.f32 $0xffff, v11;
	v10 =	vcvt.s32.f32 v10;
	_ =	sdelay $0x1  }
0xa8: {  	(xrf2) =	vadd.scan.msk.f32 $0xffff, v10;
	_ =	sdelay $0x3  }
0xa9: {  	v10, _, _ =	vpop (xrf2)  }
0xaa: {  	(v2sf) =	vpush v10, $0xF  }
0xab: {  	v10, _, _ =	vpop (xrf2)  }
0xac: {  	(v2sf) =	vpush v10, $0xF  }
0xad: {  	v10, _, _ =	vpop (xrf2)  }
0xae: {  	(v2sf) =	vpush v10, $0xF  }
0xaf: {  	v10, _, _ =	vpop (xrf2)  }
0xb0: {  	(v2sf) =	vpush v10, $0xF;
	_ =	sdelay $0x4  }
0xb1: {  	s10 =	sadd.s32 $0x10, s10  }
0xb2: {  	v10 =	vor.u32 s10, v0  }
0xb3: {  	s11 =	spop (v2sf)  }
0xb4: {  	s9 =	sadd.f32 s11, s9  }
0xb5: {  	s12 =	spop (v2sf)  }
0xb6: {  	s9 =	sadd.f32 s12, s9  }
0xb7: {  	v10 =	vld.idx.msk [tilespmem:v10+s5+$0x0], $0xffff;
	s13 =	spop (v2sf)  }
0xb8: {  	s9 =	sadd.f32 s13, s9  }
0xb9: {  	s14 =	spop (v2sf)  }
0xba: {  	s9 =	sadd.f32 s14, s9  }
0xbb: {  	s15 =	spop (v2sf)  }
0xbc: {  	(xrf0) =	vmax.scan.msk.f32 $0xffff, v10;
	s16 =	sadd.f32 s15, s9;
	_ =	sdelay $0x1  }
0xbd: {  	v10 =	vmov s8;
	s8 =	scvt.f32.s32 s16;
	_ =	sdelay $0x1  }
0xbe: {  	p0 =	slt.s32 s8, $0x1  }
.Ltmp9:
0xbf: {  	_ = 	snop;
	(pc) =	sbr.rel @!p0 .LBB2_19-.Ltmp9, $3  }
0xc0: {  	v11, _, _ =	vpop (xrf0)  }
0xc1: {  	v11 =	vbroadcast v11, $0xF;
	_ =	sdelay $0x1  }
0xc2: {  	s9 =	simm.s32 $0x0;
	[tilespmem:v10+s26+$0x0] =	vst.idx.msk $0x1, v11  }
.LBB2_25:
0xc3: {  	s9 =	simm.s32 $0x0;
	s10 =	simm.s32 $0x0;
	s11 =	simm.s32 $0x0  }
.LBB2_26:
0xc4: {  	v10 =	vmov s11;
	_ =	sdelay $0x4  }
0xc5: {  	v11 =	vld.idx.msk [tilespmem:v10+s23+$0x0], $0xffff;
	_ =	sdelay $0x4  }
0xc6: {  	v11 =	vxor.u32 $0x80000000, v11  }
0xc7: {  	(xrf0) =	vmax.scan.msk.u32 $0xffff, v11;
	_ =	sdelay $0x5  }
0xc8: {  	v11, _, _ =	vpop (xrf0)  }
0xc9: {  	(v2sf) =	vpush v11, $0xF;
	_ =	sdelay $0xe  }
0xca: {  	s12 =	spop (v2sf)  }
0xcb: {  	p0 =	sne.s32 s12, $0x80000001  }
0xcc: {  	s13 =	simm.s32 @!p0 $0x1080  }
0xcd: {  	v11 =	vld.idx.msk @!p0 [tilespmem:v10+s13+$0x0], $0xffff;
	_ =	sdelay $0x4  }
0xce: {  	v11 =	vxor.u32 @!p0 $0x80000000, v11  }
0xcf: {  	(xrf0) =	vmax.scan.msk.u32 @!p0 $0xffff, v11;
	_ =	sdelay $0x5  }
0xd0: {  	v11, _, _ =	vpop @!p0 (xrf0)  }
0xd1: {  	(v2sf) =	vpush @!p0 v11, $0xF;
	_ =	sdelay $0x4  }
0xd2: {  	s13 =	simm.s32 @!p0 $0x1480  }
0xd3: {  	v10 =	vld.idx.msk @!p0 [tilespmem:v10+s13+$0x0], $0xffff;
	_ =	sdelay $0x4  }
0xd4: {  	(xrf0) =	vmax.scan.msk.f32 @!p0 $0xffff, v10;
	_ =	sdelay $0x3  }
0xd5: {  	s11 =	sadd.s32 $0x1, s11;
	v10 =	vmov @!p0 s10;
	s13 =	spop @!p0 (v2sf)  }
0xd6: {  	p1 =	seq.s32 s12, $0x80000001;
	s12 =	simm.s32 $0x1;
	s13 =	sxor.u32 @!p0 $0x80000000, s13  }
0xd7: {  	s12 =	simm.s32 @!p1 $0x0;
	p1 =	seq.s32 s11, $0x400;
	v11, _, _ =	vpop @!p0 (xrf0);
	v12 =	vmov @!p0 s13  }
.Ltmp10:
0xd8: {  	v11 =	vbroadcast @!p0 v11, $0xF;
	(pc) =	sbr.rel @!p1 .LBB2_26-.Ltmp10, $4  }
0xd9: {  	s13 =	simm.s32 @!p0 $0x1880  }
0xda: {  	s14 =	simm.s32 @!p0 $0x1C80;
	[tilespmem:v10+s13+$0x0] =	vst.idx.msk @!p0 $0x1, v11  }
0xdb: {  	s13 =	simm.s32 @!p0 $0x2080;
	[tilespmem:v10+s14+$0x0] =	vst.idx.msk @!p0 $0x1, v12  }
0xdc: {  	s10 =	sadd.s32 s12, s10;
	[tilespmem:v12+s13+$0x0] =	vst.idx.msk @!p0 $0x1, v10  }
0xdd: {  	s10 =	simm.s32 $0x800  }
0xde: {  	s11 =	simm.s32 $0x3080;
	v10 =	vld [tilespmem:s10+$0x0]  }
0xdf: {  	v11 =	vld [tilespmem:s11+$0x0];
	_ =	sdelay $0x3  }
0xe0: {  	vm1 =	vlt.f32 v10, $0.0e+00  }
0xe1: {  	v10 =	vnsel vm1, $0xFF800000, v11  }
0xe2: {  	s13 =	simm.s32 $0x3480;
	[tilespmem:s9+$0x0] =	vst v10  }
0xe3: {  	v10 =	vld [tilespmem:s13+$0x0];
	_ =	sdelay $0x1  }
0xe4: {  	v11 =	vor.u32 s9, v0;
	_ =	sdelay $0x1  }
0xe5: {  	s12 =	simm.s32 $0x400  }
0xe6: {  	[tilespmem:s12+$0x0] =	vst v10  }
0xe7: {  	[tilespmem:s10+$0x0] =	vst v2  }
0xe8: {  	v10 =	vld.idx.msk [tilespmem:v11+s5+$0x0], $0xffff;
	_ =	sdelay $0x4  }
0xe9: {  	(xrf0) =	vmax.scan.msk.f32 $0xffff, v10;
	_ =	sdelay $0x3  }
0xea: {  	v10 =	vmov s9;
	_ =	sdelay $0x1  }
0xeb: {  	v11, _, _ =	vpop (xrf0)  }
0xec: {  	s14 =	simm.s32 $0x410;
	v11 =	vbroadcast v11, $0xF  }
0xed: {  	s15 =	simm.s32 $0x10;
	s13 =	simm.s32 $0x3490;
	s12 =	simm.s32 $0x1  }
.LBB2_28:
0xee: {  	[tilespmem:v10+s26+$0x0] =	vst.idx.msk $0x1, v11;
	s10 =	sadd.s32 $0x10, s10;
	s11 =	sadd.s32 $0x10, s11;
	s9 =	sadd.s32 $0x10, s9  }
0xef: {  	p0 =	seq.s32 s12, $0x3F;
	s16 =	smov.u32 s12;
	s12 =	sadd.s32 $0x1, s12;
	v10 =	vld [tilespmem:s10+$0x0]  }
0xf0: {  	v11 =	vld [tilespmem:s11+$0x0];
	_ =	sdelay $0x3  }
0xf1: {  	vm1 =	vlt.f32 v10, $0.0e+00  }
0xf2: {  	v10 =	vnsel vm1, $0xFF800000, v11  }
0xf3: {  	[tilespmem:s9+$0x0] =	vst v10  }
0xf4: {  	v10 =	vld [tilespmem:s13+$0x0];
	_ =	sdelay $0x1  }
0xf5: {  	v11 =	vor.u32 s15, v0;
	_ =	sdelay $0x2  }
0xf6: {  	[tilespmem:s14+$0x0] =	vst v10  }
0xf7: {  	[tilespmem:s10+$0x0] =	vst v2  }
0xf8: {  	v10 =	vld.idx.msk [tilespmem:v11+s5+$0x0], $0xffff;
	_ =	sdelay $0x5  }
0xf9: {  	(xrf0) =	vmax.scan.msk.f32 $0xffff, v10;
	_ =	sdelay $0x3  }
.Ltmp11:
0xfa: {  	v10 =	vmov s16;
	(pc) =	sbr.rel @!p0 .LBB2_28-.Ltmp11, $4  }
0xfb: {  	_ = 	snop  }
0xfc: {  	v11, _, _ =	vpop (xrf0)  }
0xfd: {  	v11 =	vbroadcast v11, $0xF  }
0xfe: {  	s15 =	sadd.s32 $0x10, s15;
	s13 =	sadd.s32 $0x10, s13;
	s14 =	sadd.s32 $0x10, s14  }
0xff: {  	p0 =	sgt.s32 s8, $0x0  }
.Ltmp12:
0x100: {  	_ = 	snop;
	(pc) =	sbr.rel @p0 .LBB2_30-.Ltmp12, $2  }
0x101: {  	_ =	sdelay $0x2  }
0x102: {  	[tilespmem:v10+s26+$0x0] =	vst.idx.msk $0x1, v11;
	s9 =	simm.s32 $0x0  }
.LBB2_35:
0x103: {  	s9 =	simm.s32 $0x0  }
0x104: {  	v10 =	vmov s9;
	_ =	sdelay $0x4  }
0x105: {  	v11 =	vld.idx.msk [tilespmem:v10+s20+$0x0], $0xffff;
	_ =	sdelay $0x4  }
0x106: {  	v11 =	vxor.u32 $0x80000000, v11  }
0x107: {  	(xrf0) =	vmax.scan.msk.u32 $0xffff, v11;
	_ =	sdelay $0x5  }
0x108: {  	v11, _, _ =	vpop (xrf0)  }
0x109: {  	(v2sf) =	vpush v11, $0xF;
	_ =	sdelay $0xe  }
0x10a: {  	s10 =	spop (v2sf)  }
0x10b: {  	s10 =	sxor.u32 $0x80000000, s10  }
0x10c: {  	v11 =	vmov s10;
	_ =	sdelay $0x4  }
0x10d: {  	v11 =	vld.idx.msk [tilespmem:v11+s23+$0x0], $0xffff;
	_ =	sdelay $0x4  }
0x10e: {  	v11 =	vxor.u32 $0x80000000, v11  }
0x10f: {  	(xrf0) =	vmax.scan.msk.u32 $0xffff, v11;
	_ =	sdelay $0x5  }
0x110: {  	v11, _, _ =	vpop (xrf0)  }
0x111: {  	(v2sf) =	vpush v11, $0xF;
	_ =	sdelay $0xe  }
0x112: {  	s16 =	spop (v2sf)  }
0x113: {  	p0 =	sgt.s32 s8, $0x0;
	p1 =	seq.s32 s16, $0x80000001  }
0x114: {  	p0 =	por !p0, !p1  }
0x115: {  	p1 =	por !p0, !p0  }
0x116: {  	s10 =	simm.s32 @p1 $0x1880  }
0x117: {  	v11 =	vld.idx.msk @p1 [tilespmem:v10+s10+$0x0], $0xffff;
	_ =	sdelay $0x4  }
0x118: {  	(xrf0) =	vmax.scan.msk.f32 @p1 $0xffff, v11;
	_ =	sdelay $0x3  }
0x119: {  	v11 =	vmov @p1 s9;
	_ =	sdelay $0x1  }
0x11a: {  	v12, _, _ =	vpop @p1 (xrf0)  }
0x11b: {  	v12 =	vbroadcast @p1 v12, $0xF  }
0x11c: {  	s9 =	simm.s32 @p1 $0x2880  }
0x11d: {  	[tilespmem:v11+s9+$0x0] =	vst.idx.msk @p1 $0x1, v12;
	s9 =	simm.s32 @p1 $0x1C80  }
0x11e: {  	v10 =	vld.idx.msk @p1 [tilespmem:v10+s9+$0x0], $0xffff;
	_ =	sdelay $0x4  }
0x11f: {  	v10 =	vxor.u32 @p1 $0x80000000, v10  }
0x120: {  	(xrf0) =	vmax.scan.msk.u32 @p1 $0xffff, v10;
	_ =	sdelay $0x5  }
0x121: {  	v10, _, _ =	vpop @p1 (xrf0)  }
0x122: {  	(v2sf) =	vpush @p1 v10, $0xF;
	_ =	sdelay $0xc  }
0x123: {  	s11 =	simm.s32 $0x1  }
0x124: {  	s9 =	simm.s32 $0x1;
	v10 =	vmov s11  }
0x125: {  	s9 =	simm.s32 @!p1 $0x0;
	s10 =	spop @p1 (v2sf)  }
0x126: {  	s9 =	sadd.s32 $0x0, s9;
	s10 =	sxor.u32 @p1 $0x80000000, s10  }
0x127: {  	s12 =	simm.s32 $0x2;
	s13 =	simm.s32 @p1 $0x2C80;
	v12 =	vmov @p1 s10;
	s10 =	smov.u32 s9  }
.LBB2_36:
0x128: {  	[tilespmem:v11+s13+$0x0] =	vst.idx.msk @p1 $0x1, v12;
	s13 =	smov.u32 s12;
	s12 =	sadd.s32 $0x1, s12  }
0x129: {  	p0 =	sne.s32 s12, $0x400;
	v11 =	vld.idx.msk [tilespmem:v10+s20+$0x0], $0xffff;
	_ =	sdelay $0x5  }
0x12a: {  	v11 =	vxor.u32 $0x80000000, v11  }
0x12b: {  	(xrf0) =	vmax.scan.msk.u32 $0xffff, v11;
	_ =	sdelay $0x5  }
0x12c: {  	v11, _, _ =	vpop (xrf0)  }
0x12d: {  	(v2sf) =	vpush v11, $0xF;
	_ =	sdelay $0xe  }
0x12e: {  	s14 =	spop (v2sf)  }
0x12f: {  	s14 =	sxor.u32 $0x80000000, s14  }
0x130: {  	v11 =	vmov s14;
	_ =	sdelay $0x4  }
0x131: {  	v11 =	vld.idx.msk [tilespmem:v11+s23+$0x0], $0xffff;
	_ =	sdelay $0x5  }
0x132: {  	v11 =	vxor.u32 $0x80000000, v11  }
0x133: {  	(xrf0) =	vmax.scan.msk.u32 $0xffff, v11;
	_ =	sdelay $0x5  }
0x134: {  	v11, _, _ =	vpop (xrf0)  }
0x135: {  	(v2sf) =	vpush v11, $0xF;
	_ =	sdelay $0xe  }
0x136: {  	s14 =	spop (v2sf)  }
0x137: {  	p1 =	slt.s32 s11, s8;
	s11 =	smov.u32 s13;
	p2 =	seq.s32 s14, $0x80000001  }
0x138: {  	p1 =	por !p1, !p2  }
0x139: {  	s14 =	simm.s32 $0x1;
	p1 =	por !p1, !p1  }
0x13a: {  	s13 =	simm.s32 @p1 $0x1880;
	s14 =	simm.s32 @!p1 $0x0  }
0x13b: {  	v11 =	vld.idx.msk @p1 [tilespmem:v10+s13+$0x0], $0xffff;
	s9 =	sadd.s32 s14, s9;
	_ =	sdelay $0x5  }
0x13c: {  	(xrf0) =	vmax.scan.msk.f32 @p1 $0xffff, v11;
	_ =	sdelay $0x3  }
0x13d: {  	v11 =	vmov @p1 s10;
	s10 =	smov.u32 s9;
	_ =	sdelay $0x1  }
0x13e: {  	v12, _, _ =	vpop @p1 (xrf0)  }
0x13f: {  	v12 =	vbroadcast @p1 v12, $0xF  }
0x140: {  	s13 =	simm.s32 @p1 $0x2880  }
0x141: {  	[tilespmem:v11+s13+$0x0] =	vst.idx.msk @p1 $0x1, v12;
	s13 =	simm.s32 @p1 $0x1C80  }
0x142: {  	v10 =	vld.idx.msk @p1 [tilespmem:v10+s13+$0x0], $0xffff;
	_ =	sdelay $0x5  }
0x143: {  	v10 =	vxor.u32 @p1 $0x80000000, v10  }
0x144: {  	(xrf0) =	vmax.scan.msk.u32 @p1 $0xffff, v10;
	_ =	sdelay $0x5  }
0x145: {  	v10, _, _ =	vpop @p1 (xrf0)  }
0x146: {  	(v2sf) =	vpush @p1 v10, $0xF;
	_ =	sdelay $0xc  }
.Ltmp13:
0x147: {  	(pc) =	sbr.rel @p0 .LBB2_36-.Ltmp13, $4  }
0x148: {  	v10 =	vmov s11  }
0x149: {  	s13 =	spop @p1 (v2sf)  }
0x14a: {  	s13 =	sxor.u32 @p1 $0x80000000, s13  }
0x14b: {  	v12 =	vmov @p1 s13;
	s13 =	simm.s32 @p1 $0x2C80  }
0x14c: {  	_ =	sdelay $0x3  }
0x14d: {  	[tilespmem:v11+s13+$0x0] =	vst.idx.msk @p1 $0x1, v12  }
0x14e: {  	v11 =	vld.idx.msk [tilespmem:v10+s20+$0x0], $0xffff;
	_ =	sdelay $0x4  }
0x14f: {  	v11 =	vxor.u32 $0x80000000, v11  }
0x150: {  	(xrf0) =	vmax.scan.msk.u32 $0xffff, v11;
	_ =	sdelay $0x5  }
0x151: {  	v11, _, _ =	vpop (xrf0)  }
0x152: {  	(v2sf) =	vpush v11, $0xF;
	_ =	sdelay $0xe  }
0x153: {  	s12 =	spop (v2sf)  }
0x154: {  	s12 =	sxor.u32 $0x80000000, s12  }
0x155: {  	v11 =	vmov s12;
	_ =	sdelay $0x4  }
0x156: {  	v11 =	vld.idx.msk [tilespmem:v11+s23+$0x0], $0xffff;
	_ =	sdelay $0x4  }
0x157: {  	v11 =	vxor.u32 $0x80000000, v11  }
0x158: {  	(xrf0) =	vmax.scan.msk.u32 $0xffff, v11;
	_ =	sdelay $0x5  }
0x159: {  	v11, _, _ =	vpop (xrf0)  }
0x15a: {  	(v2sf) =	vpush v11, $0xF;
	_ =	sdelay $0xe  }
0x15b: {  	s16 =	spop (v2sf)  }
0x15c: {  	p0 =	slt.s32 s11, s8;
	p6 =	seq.s32 s16, $0x80000001  }
0x15d: {  	p0 =	por !p0, !p6  }
0x15e: {  	p0 =	por !p0, !p0  }
0x15f: {  	s8 =	simm.s32 @p0 $0x1880  }
0x160: {  	v11 =	vld.idx.msk @p0 [tilespmem:v10+s8+$0x0], $0xffff;
	_ =	sdelay $0x4  }
0x161: {  	(xrf0) =	vmax.scan.msk.f32 @p0 $0xffff, v11;
	_ =	sdelay $0x3  }
0x162: {  	v11 =	vmov @p0 s10;
	_ =	sdelay $0x1  }
0x163: {  	v12, _, _ =	vpop @p0 (xrf0)  }
0x164: {  	v12 =	vbroadcast @p0 v12, $0xF  }
0x165: {  	s8 =	simm.s32 @p0 $0x2880  }
0x166: {  	[tilespmem:v11+s8+$0x0] =	vst.idx.msk @p0 $0x1, v12;
	s8 =	simm.s32 @p0 $0x1C80  }
0x167: {  	v10 =	vld.idx.msk @p0 [tilespmem:v10+s8+$0x0], $0xffff;
	_ =	sdelay $0x4  }
0x168: {  	v10 =	vxor.u32 @p0 $0x80000000, v10  }
0x169: {  	(xrf0) =	vmax.scan.msk.u32 @p0 $0xffff, v10;
	_ =	sdelay $0x5  }
0x16a: {  	v10, _, _ =	vpop @p0 (xrf0)  }
0x16b: {  	(v2sf) =	vpush @p0 v10, $0xF;
	_ =	sdelay $0x9  }
0x16c: {  	s8 =	simm.s32 $0x1  }
0x16d: {  	s8 =	simm.s32 @!p0 $0x0  }
0x16e: {  	s8 =	sadd.s32 s8, s9  }
0x16f: {  	p1 =	sne.s32 s8, $0x0  }
.Ltmp14:
0x170: {  	_ = 	snop;
	(pc) =	sbr.rel @p1 .LBB2_41-.Ltmp14, $4  }
0x171: {  	s10 =	spop @p0 (v2sf)  }
0x172: {  	s9 =	sxor.u32 @p0 $0x80000000, s10  }
0x173: {  	v10 =	vmov @p0 s9;
	s9 =	simm.s32 @p0 $0x2C80  }
0x174: {  	[tilespmem:v11+s9+$0x0] =	vst.idx.msk @p0 $0x1, v10  }
0x175: {  	s9 =	simm.s32 $0x1890;
	v11 =	vld [tilespmem:$0x1880]  }
0x176: {  	v12 =	vld [tilespmem:s9+$0x0];
	_ =	sdelay $0x3  }
0x177: {  	s10 =	simm.s32 $0x10  }
0x178: {  	v10 =	vlaneseq.u32;
	s9 =	simm.s32 $0x20;
	v13 =	vor.u32 s10, v0;
	s10 =	simm.s32 $0x18A0;
	vm1 =	vgt.f32 v12, v11  }
.LBB2_39:
0x179: {  	p0 =	sne.s32 s9, $0x3F0;
	v11 =	vsel vm1, v12, v11;
	v12 =	vld [tilespmem:s10+$0x0];
	v10 =	vsel vm1, v13, v10;
	s11 =	smov.u32 s9;
	s9 =	sadd.s32 $0x10, s9  }
.Ltmp15:
0x17a: {  	(pc) =	sbr.rel @p0 .LBB2_39-.Ltmp15, $2  }
0x17b: {  	_ =	sdelay $0x2  }
0x17c: {  	s10 =	sadd.s32 $0x10, s10;
	v13 =	vor.u32 s11, v0;
	vm1 =	vgt.f32 v12, v11  }
0x17d: {  	v11 =	vsel vm1, v12, v11  }
0x17e: {  	(xrf0) =	vmax.scan.msk.f32 $0xffff, v11;
	_ =	sdelay $0x5  }
0x17f: {  	v63, _, _ =	vpop (xrf0)  }
0x180: {  	v12 =	vbroadcast v63, $0xF  }
0x181: {  	v10 =	vsel vm1, v13, v10  }
0x182: {  	v10 =	vxor.u32 $0x80000000, v10;
	vm1 =	veq.f32 v11, v12  }
0x183: {  	v10 =	vnsel vm1, $0xC0000000, v10  }
0x184: {  	(xrf0) =	vmin.scan.msk.u32 $0xffff, v10;
	_ =	sdelay $0x5  }
0x185: {  	v10, _, _ =	vpop (xrf0)  }
0x186: {  	(v2sf) =	vpush v10, $0xF;
	_ =	sdelay $0xe  }
0x187: {  	s9 =	spop (v2sf)  }
0x188: {  	s9 =	sxor.u32 $0x80000000, s9  }
0x189: {  	v10 =	vmov s9;
	_ =	sdelay $0x3  }
0x18a: {  	s15 =	simm.s32 $0x1C80;
	[tilespmem:v5+s21+$0x0] =	vst.idx.msk $0x1, v12  }
0x18b: {  	v10 =	vld.idx.msk [tilespmem:v10+s15+$0x0], $0xffff;
	_ =	sdelay $0x4  }
0x18c: {  	v10 =	vxor.u32 $0x80000000, v10  }
0x18d: {  	(xrf0) =	vmax.scan.msk.u32 $0xffff, v10;
	_ =	sdelay $0x5  }
0x18e: {  	v10, _, _ =	vpop (xrf0)  }
0x18f: {  	(v2sf) =	vpush v10, $0xF;
	_ =	sdelay $0xe  }
0x190: {  	s16 =	spop (v2sf)  }
0x191: {  	s9 =	sxor.u32 $0x80000000, s16  }
0x192: {  	v10 =	vmov s9  }
0x193: {  	[tilespmem:v5+s22+$0x0] =	vst.idx.msk $0x1, v10  }
.LBB2_41:
0x194: {  	v10 =	vld [tilespmem:$0x4080];
	_ =	sdelay $0x3  }
0x195: {  	vm1 =	vmmov $0x1  }
0x196: {  	v11 =	vnsel vm1, $0xC0000000, v10  }
0x197: {  	v10 =	vsel vm0, $0xC0000000, v10;
	v11 =	vxor.u32 $0x80000000, v11  }
0x198: {  	v10 =	vxor.u32 $0x80000000, v10;
	(xrf0) =	vmax.scan.msk.u32 $0xffff, v11  }
0x199: {  	(xrf0) =	vmax.scan.msk.u32 $0xffff, v10;
	_ =	sdelay $0x4  }
0x19a: {  	v10, _, _ =	vpop (xrf0)  }
0x19b: {  	(v2sf) =	vpush v10, $0xF;
	v10, _, _ =	vpop (xrf0)  }
0x19c: {  	(v2sf) =	vpush v10, $0xF;
	_ =	sdelay $0xd  }
0x19d: {  	s10 =	smax.u32 s8, $0x1;
	s9 =	spop (v2sf)  }
0x19e: {  	p0 =	slt.s32 s10, $0x28;
	s16 =	spop (v2sf)  }
0x19f: {  	s10 =	simm.s32 @!p0 $0x28;
	s9 =	sxor.u32 $0x80000000, s9;
	s11 =	sxor.u32 $0x80000000, s16  }
0x1a0: {  	s8 =	scvt.s32.f32 s9;
	s9 =	scvt.s32.f32 s11;
	s11 =	simm.s32 $0x0  }
.LBB2_42:
0x1a1: {  	s12 =	simm.s32 $0x2890;
	v11 =	vld [tilespmem:$0x2880]  }
0x1a2: {  	v12 =	vld [tilespmem:s12+$0x0];
	_ =	sdelay $0x3  }
0x1a3: {  	s13 =	simm.s32 $0x10  }
0x1a4: {  	v10 =	vlaneseq.u32;
	s12 =	simm.s32 $0x20;
	v13 =	vor.u32 s13, v0;
	s13 =	simm.s32 $0x28A0;
	vm1 =	vgt.f32 v12, v11  }
.LBB2_43:
0x1a5: {  	p0 =	sne.s32 s12, $0x3F0;
	v11 =	vsel vm1, v12, v11;
	v12 =	vld [tilespmem:s13+$0x0];
	v10 =	vsel vm1, v13, v10;
	s14 =	smov.u32 s12;
	s12 =	sadd.s32 $0x10, s12  }
.Ltmp16:
0x1a6: {  	(pc) =	sbr.rel @p0 .LBB2_43-.Ltmp16, $2  }
0x1a7: {  	_ =	sdelay $0x2  }
0x1a8: {  	s13 =	sadd.s32 $0x10, s13;
	v13 =	vor.u32 s14, v0;
	vm1 =	vgt.f32 v12, v11  }
0x1a9: {  	v11 =	vsel vm1, v12, v11  }
0x1aa: {  	(xrf0) =	vmax.scan.msk.f32 $0xffff, v11;
	_ =	sdelay $0x5  }
0x1ab: {  	v63, _, _ =	vpop (xrf0)  }
0x1ac: {  	v14 =	vbroadcast v63, $0xF  }
0x1ad: {  	v10 =	vsel vm1, v13, v10  }
0x1ae: {  	v10 =	vxor.u32 $0x80000000, v10;
	vm1 =	veq.f32 v11, v14  }
0x1af: {  	v10 =	vnsel vm1, $0xC0000000, v10  }
0x1b0: {  	(xrf0) =	vmin.scan.msk.u32 $0xffff, v10;
	_ =	sdelay $0x5  }
0x1b1: {  	(v2sf) =	vpush v63, $0xF;
	v10, _, _ =	vpop (xrf0)  }
0x1b2: {  	(v2sf) =	vpush v10, $0xF;
	_ =	sdelay $0xd  }
0x1b3: {  	s12 =	spop (v2sf)  }
0x1b4: {  	s13 =	spop (v2sf)  }
0x1b5: {  	s13 =	sxor.u32 $0x80000000, s13  }
0x1b6: {  	v10 =	vmov s13;
	_ =	sdelay $0x4  }
0x1b7: {  	[tilespmem:v10+s21+$0x0] =	vst.idx.msk $0x1, v3  }
0x1b8: {  	v10 =	vld.idx.msk [tilespmem:v10+s22+$0x0], $0xffff;
	_ =	sdelay $0x4  }
0x1b9: {  	v10 =	vxor.u32 $0x80000000, v10  }
0x1ba: {  	(xrf0) =	vmax.scan.msk.u32 $0xffff, v10;
	_ =	sdelay $0x5  }
0x1bb: {  	v10, _, _ =	vpop (xrf0)  }
0x1bc: {  	(v2sf) =	vpush v10, $0xF;
	_ =	sdelay $0xe  }
0x1bd: {  	s16 =	spop (v2sf)  }
0x1be: {  	s14 =	sand.u32 $0x1F, s16;
	s13 =	sshrl.u32 s16, $0x5  }
0x1bf: {  	s14 =	scvt.s32.f32 s14;
	s13 =	sxor.u32 $0x4000000, s13  }
0x1c0: {  	s13 =	scvt.s32.f32 s13  }
0x1c1: {  	s14 =	sadd.f32 $5.000000000e-01, s14  }
0x1c2: {  	s13 =	sadd.f32 $5.000000000e-01, s13  }
0x1c3: {  	s14 =	smul.f32 $3.125000000e-02, s14  }
0x1c4: {  	v10 =	vmov s11;
	s13 =	smul.f32 $3.125000000e-02, s13  }
0x1c5: {  	s14 =	smul.f32 s9, s14  }
0x1c6: {  	p0 =	slt.s32 s11, s10;
	s13 =	smul.f32 s8, s13  }
0x1c7: {  	s14 =	simm.s32 @!p0 $0x0  }
0x1c8: {  	v11 =	vmov s14;
	s13 =	simm.s32 @!p0 $0x0  }
0x1c9: {  	s11 =	sadd.s32 $0x1, s11;
	[tilespmem:v10+s24+$0x0] =	vst.idx.msk $0x1, v11;
	v11 =	vmov s13;
	s13 =	simm.s32 $0x1  }
0x1ca: {  	s12 =	simm.s32 @!p0 $0x0;
	s13 =	simm.s32 @!p0 $0xFFFFFFFF;
	p0 =	sne.s32 s11, $0x28  }
.Ltmp17:
0x1cb: {  	_ = 	snop;
	(pc) =	sbr.rel @p0 .LBB2_42-.Ltmp17, $4  }
0x1cc: {  	_ = 	snop  }
0x1cd: {  	[tilespmem:v10+s25+$0x0] =	vst.idx.msk $0x1, v11;
	v11 =	vmov s12  }
0x1ce: {  	[tilespmem:v10+s3+$0x0] =	vst.idx.msk $0x1, v11;
	v11 =	vmov s13  }
0x1cf: {  	[tilespmem:v10+s4+$0x0] =	vst.idx.msk $0x1, v11  }
0x1d0: {  	s10 =	simm.s32 $0x0  }
0x1d1: {  	v11 =	vld [tilespmem:s10+$0x3880]  }
0x1d2: {  	v10 =	vld [tilespmem:$0x4100];
	s11 =	simm.s32 $0x40  }
.LBB2_46:
0x1d3: {  	p0 =	sne.s32 s11, $0xFC0  }
.Ltmp18:
0x1d4: {  	_ = 	snop;
	(pc) =	sbr.rel @p0 .LBB2_46-.Ltmp18, $4  }
0x1d5: {  	_ = 	snop  }
0x1d6: {  	s12 =	sshra.s32 s11, $0x2;
	s11 =	sadd.s32 $0x40, s11;
	v12 =	vsub.f32 $0.0e+00, v11  }
0x1d7: {  	v11 =	vld [tilespmem:s12+$0x3880]  }
0x1d8: {  	[tilespmem:s10+$0xC80] =	vst v12;
	s10 =	smov.u32 s12  }
0x1d9: {  	_ =	sdelay $0x2  }
0x1da: {  	v11 =	vsub.f32 $0.0e+00, v11;
	_ =	sdelay $0x1  }
0x1db: {  	[tilespmem:s10+$0xC80] =	vst v11  }
0x1dc: {  	s16 =	simm.s32 $0xC90;
	v12 =	vld [tilespmem:$0xC80]  }
0x1dd: {  	v13 =	vld [tilespmem:s16+$0x0];
	_ =	sdelay $0x3  }
0x1de: {  	s11 =	simm.s32 $0x10  }
0x1df: {  	v14 =	vor.u32 s11, v0;
	s11 =	simm.s32 $0xCA0;
	v11 =	vlaneseq.u32;
	s10 =	simm.s32 $0x20;
	vm1 =	vgt.f32 v13, v12  }
.LBB2_48:
0x1e0: {  	p0 =	sne.s32 s10, $0x3F0;
	v12 =	vsel vm1, v13, v12;
	v13 =	vld [tilespmem:s11+$0x0];
	v11 =	vsel vm1, v14, v11;
	s12 =	smov.u32 s10;
	s10 =	sadd.s32 $0x10, s10  }
.Ltmp19:
0x1e1: {  	(pc) =	sbr.rel @p0 .LBB2_48-.Ltmp19, $2  }
0x1e2: {  	_ =	sdelay $0x2  }
0x1e3: {  	s11 =	sadd.s32 $0x10, s11;
	v14 =	vor.u32 s12, v0;
	vm1 =	vgt.f32 v13, v12  }
0x1e4: {  	v12 =	vsel vm1, v13, v12;
	(xrf0) =	vmax.scan.msk.f32 $0xffff, v10  }
0x1e5: {  	(xrf0) =	vmax.scan.msk.f32 $0xffff, v12;
	_ =	sdelay $0x4  }
0x1e6: {  	v10, _, _ =	vpop (xrf0)  }
0x1e7: {  	v13, _, _ =	vpop (xrf0)  }
0x1e8: {  	v15 =	vbroadcast v13, $0xF  }
0x1e9: {  	v11 =	vsel vm1, v14, v11  }
0x1ea: {  	v11 =	vxor.u32 $0x80000000, v11;
	vm1 =	veq.f32 v12, v15  }
0x1eb: {  	v11 =	vnsel vm1, $0xC0000000, v11  }
0x1ec: {  	(xrf0) =	vmin.scan.msk.u32 $0xffff, v11;
	_ =	sdelay $0x4  }
0x1ed: {  	(v2sf) =	vpush v10, $0xF  }
0x1ee: {  	(v2sf) =	vpush v13, $0xF;
	v10, _, _ =	vpop (xrf0)  }
0x1ef: {  	(v2sf) =	vpush v10, $0xF;
	_ =	sdelay $0xc  }
0x1f0: {  	s10 =	spop (v2sf)  }
0x1f1: {  	s11 =	spop (v2sf)  }
0x1f2: {  	s12 =	spop (v2sf)  }
0x1f3: {  	s13 =	sxor.u32 $0x80000000, s12;
	s12 =	sand.u32 $0x1F, s12  }
0x1f4: {  	s12 =	scvt.s32.f32 s12;
	s14 =	sshrl.u32 s13, $0x5  }
0x1f5: {  	s14 =	scvt.s32.f32 s14  }
0x1f6: {  	s12 =	sadd.f32 $5.000000000e-01, s12  }
0x1f7: {  	v10 =	vmov s13;
	s14 =	sadd.f32 $5.000000000e-01, s14  }
0x1f8: {  	s12 =	smul.f32 $3.125000000e-02, s12  }
0x1f9: {  	s13 =	smul.f32 $3.125000000e-02, s14  }
0x1fa: {  	s11 =	ssub.f32 $0.0e+00, s11;
	s12 =	smul.f32 s9, s12  }
0x1fb: {  	s13 =	smul.f32 s8, s13  }
0x1fc: {  	s11 =	smul.f32 s11, s10;
	[tilespmem:v10+s30+$0x0] =	vst.idx.msk $0x1, v3;
	v10 =	vmov s12  }
0x1fd: {  	[tilespmem:v8+s24+$0x0] =	vst.idx.msk $0x1, v10;
	v10 =	vmov s13  }
0x1fe: {  	[tilespmem:v8+s25+$0x0] =	vst.idx.msk $0x1, v10;
	v10 =	vmov s11  }
0x1ff: {  	[tilespmem:v8+s3+$0x0] =	vst.idx.msk $0x1, v10  }
0x200: {  	[tilespmem:v8+s4+$0x0] =	vst.idx.msk $0x1, v5  }
0x201: {  	s15 =	simm.s32 $0xC90;
	v11 =	vld [tilespmem:$0xC80]  }
0x202: {  	v12 =	vld [tilespmem:s15+$0x0];
	_ =	sdelay $0x3  }
0x203: {  	s16 =	simm.s32 $0x10  }
0x204: {  	v13 =	vor.u32 s16, v0;
	s12 =	simm.s32 $0xCA0;
	s11 =	simm.s32 $0x20;
	v10 =	vlaneseq.u32;
	vm1 =	vgt.f32 v12, v11  }
.LBB2_50:
0x205: {  	p0 =	sne.s32 s11, $0x3F0;
	v11 =	vsel vm1, v12, v11;
	v12 =	vld [tilespmem:s12+$0x0];
	v10 =	vsel vm1, v13, v10;
	s13 =	smov.u32 s11;
	s11 =	sadd.s32 $0x10, s11  }
.Ltmp20:
0x206: {  	(pc) =	sbr.rel @p0 .LBB2_50-.Ltmp20, $2  }
0x207: {  	_ =	sdelay $0x2  }
0x208: {  	s12 =	sadd.s32 $0x10, s12;
	v13 =	vor.u32 s13, v0;
	vm1 =	vgt.f32 v12, v11  }
0x209: {  	v11 =	vsel vm1, v12, v11  }
0x20a: {  	(xrf0) =	vmax.scan.msk.f32 $0xffff, v11;
	_ =	sdelay $0x5  }
0x20b: {  	v63, _, _ =	vpop (xrf0)  }
0x20c: {  	v14 =	vbroadcast v63, $0xF  }
0x20d: {  	v10 =	vsel vm1, v13, v10  }
0x20e: {  	v10 =	vxor.u32 $0x80000000, v10;
	vm1 =	veq.f32 v11, v14  }
0x20f: {  	v10 =	vnsel vm1, $0xC0000000, v10  }
0x210: {  	(xrf0) =	vmin.scan.msk.u32 $0xffff, v10;
	_ =	sdelay $0x5  }
0x211: {  	(v2sf) =	vpush v63, $0xF;
	v10, _, _ =	vpop (xrf0)  }
0x212: {  	(v2sf) =	vpush v10, $0xF;
	_ =	sdelay $0xd  }
0x213: {  	s11 =	spop (v2sf)  }
0x214: {  	s12 =	spop (v2sf)  }
0x215: {  	s13 =	sxor.u32 $0x80000000, s12;
	s12 =	sand.u32 $0x1F, s12  }
0x216: {  	s12 =	scvt.s32.f32 s12;
	s14 =	sshrl.u32 s13, $0x5  }
0x217: {  	s14 =	scvt.s32.f32 s14  }
0x218: {  	s12 =	sadd.f32 $5.000000000e-01, s12  }
0x219: {  	v10 =	vmov s13;
	s16 =	sadd.f32 $5.000000000e-01, s14  }
0x21a: {  	s12 =	smul.f32 $3.125000000e-02, s12  }
0x21b: {  	s13 =	smul.f32 $3.125000000e-02, s16  }
0x21c: {  	s11 =	ssub.f32 $0.0e+00, s11;
	s9 =	smul.f32 s9, s12  }
0x21d: {  	s8 =	smul.f32 s8, s13  }
0x21e: {  	[tilespmem:v10+s30+$0x0] =	vst.idx.msk $0x1, v3;
	s12 =	smul.f32 s11, s10;
	v10 =	vmov s9  }
0x21f: {  	[tilespmem:v9+s24+$0x0] =	vst.idx.msk $0x1, v10;
	v10 =	vmov s8  }
0x220: {  	[tilespmem:v9+s25+$0x0] =	vst.idx.msk $0x1, v10;
	v10 =	vmov s12  }
0x221: {  	[tilespmem:v9+s3+$0x0] =	vst.idx.msk $0x1, v10  }
0x222: {  	s13 =	rddreg [dreg:$0xc];
	[tilespmem:v9+s4+$0x0] =	vst.idx.msk $0x1, v5  }
0x223: {  	[hbm4b:s13+s5] =	stream.linear.scatter [tilespmem:s24], [sflag:$0x1], $0x80, $0x38;
	[tilespmem:$0x4380] =	vst v63  }
0x224: {  	_ =	swait.ge [sflag:s18], $0x80  }
0x225: {  	[sflag:s18] =	ssyncset.done $0x0  }
0x226: {  	s14 =	rddreg [dreg:$0xd];
	[sflag:s18] =	ssyncadd.s32 $0xFFFFFF80  }
0x227: {  	[hbm4b:s14+s5] =	stream.linear.scatter [tilespmem:s25], [sflag:$0x1], $0x80, $0x38;
	[tilespmem:$0x4380] =	vst v63  }
0x228: {  	_ =	swait.ge [sflag:s18], $0x80  }
0x229: {  	[sflag:s18] =	ssyncset.done $0x0  }
0x22a: {  	s15 =	rddreg [dreg:$0xe];
	[sflag:s18] =	ssyncadd.s32 $0xFFFFFF80  }
0x22b: {  	[hbm4b:s15+s5] =	stream.linear.scatter [tilespmem:s3], [sflag:$0x1], $0x80, $0x38;
	[tilespmem:$0x4380] =	vst v63  }
0x22c: {  	_ =	swait.ge [sflag:s18], $0x80  }
0x22d: {  	[sflag:s18] =	ssyncset.done $0x0  }
0x22e: {  	s7 =	sadd.s32 $0x1, s7;
	[sflag:s18] =	ssyncadd.s32 $0xFFFFFF80  }
0x22f: {  	p0 =	sne.s32 s7, s17;
	s16 =	rddreg [dreg:$0x3]  }
0x230: {  	[hbm4b:s16+s5] =	stream.linear.scatter [tilespmem:s4], [sflag:$0x1], $0x80, $0x38;
	[tilespmem:$0x4380] =	vst v63  }
.Ltmp21:
0x231: {  	_ = 	snop;
	(pc) =	sbr.rel @p0 .LBB2_2-.Ltmp21, $4  }
.Ltmp22:
0x232: {  	_ = 	snop;
	(pc) =	sbr.rel @!p0 .LBB2_52-.Ltmp22, $4  }
0x233: {  	_ =	swait.ge [sflag:s18], $0x80  }
0x234: {  	[sflag:s18] =	ssyncset.done $0x0  }
0x235: {  	[sflag:s18] =	ssyncadd.s32 $0xFFFFFF80  }
0x236: {  	_ = 	snop  }
.LBB2_24:
0x237: {  	_ = 	snop  }
0x238: {  	s12 =	sand.u32 $0xFFFFFFF0, s10  }
0x239: {  	v11 =	vor.u32 s12, v0;
	_ =	sdelay $0x1  }
0x23a: {  	[tilespmem:v10+s31+$0x0] =	vst.idx.msk $0x1, v12;
	v13 =	vmov s11  }
0x23b: {  	[tilespmem:v10+s1+$0x0] =	vst.idx.msk $0x1, v13  }
0x23c: {  	[tilespmem:v10+s5+$0x0] =	vst.idx.msk $0x1, v3  }
0x23d: {  	v10 =	vld.idx.msk [tilespmem:v11+s5+$0x0], $0xffff;
	_ =	sdelay $0x4  }
0x23e: {  	(xrf0) =	vmax.scan.msk.f32 $0xffff, v10  }
0x23f: {  	s16 =	sshrl.u32 s10, $0x4  }
0x240: {  	v10 =	vmov s16  }
0x241: {  	v10 =	vbroadcast v10, $0x0  }
0x242: {  	s9 =	sadd.s32 $0x1, s9  }
0x243: {  	p0 =	sne.s32 s9, s8  }
.Ltmp23:
0x244: {  	v11, _, _ =	vpop (xrf0);
	(pc) =	sbr.rel @!p0 .LBB2_25-.Ltmp23, $3  }
0x245: {  	v11 =	vbroadcast v11, $0xF;
	_ =	sdelay $0x1  }
0x246: {  	[tilespmem:v10+s26+$0x0] =	vst.idx.msk $0x1, v11  }
0x247: {  	[tilespmem:v12+s28+$0x0] =	vst.idx.msk $0x1, v3  }
.LBB2_19:
0x248: {  	v10 =	vld [tilespmem:$0xC00]  }
0x249: {  	v11 =	vld [tilespmem:$0xC10];
	_ =	sdelay $0x1  }
0x24a: {  	v12 =	vld [tilespmem:$0xC20];
	_ =	sdelay $0x1  }
0x24b: {  	v13 =	vld [tilespmem:$0xC30]  }
0x24c: {  	vm1 =	vgt.f32 v11, v10  }
0x24d: {  	v10 =	vsel vm1, v11, v10  }
0x24e: {  	vm2 =	vgt.f32 v12, v10  }
0x24f: {  	v10 =	vsel vm2, v12, v10  }
0x250: {  	vm3 =	vgt.f32 v13, v10  }
0x251: {  	v10 =	vsel vm3, v13, v10  }
0x252: {  	(xrf0) =	vmax.scan.msk.f32 $0xffff, v10;
	_ =	sdelay $0x5  }
0x253: {  	v11, _, _ =	vpop (xrf0)  }
0x254: {  	v13 =	vsel vm1, v1, v6;
	v12 =	vbroadcast v11, $0xF  }
0x255: {  	v13 =	vsel vm2, v4, v13  }
0x256: {  	vm1 =	veq.f32 v10, v12;
	v10 =	vsel vm3, v7, v13  }
0x257: {  	v10 =	vnsel vm1, $0xC0000000, v10  }
0x258: {  	(xrf0) =	vmin.scan.msk.u32 $0xffff, v10;
	_ =	sdelay $0x5  }
0x259: {  	(v2sf) =	vpush v11, $0xF;
	v10, _, _ =	vpop (xrf0)  }
0x25a: {  	(v2sf) =	vpush v10, $0xF;
	_ =	sdelay $0xd  }
0x25b: {  	s11 =	spop (v2sf)  }
0x25c: {  	s10 =	spop (v2sf)  }
0x25d: {  	s10 =	sshll.u32 s10, $0x4  }
0x25e: {  	v10 =	vor.u32 s10, v0;
	_ =	sdelay $0x4  }
0x25f: {  	v10 =	vld.idx.msk [tilespmem:v10+s5+$0x0], $0xffff;
	_ =	sdelay $0x4  }
0x260: {  	vm1 =	veq.f32 v10, v12  }
0x261: {  	v10 =	vnsel vm1, $0xC0000000, v6  }
0x262: {  	(xrf0) =	vmin.scan.msk.u32 $0xffff, v10;
	_ =	sdelay $0x5  }
0x263: {  	v10, _, _ =	vpop (xrf0)  }
0x264: {  	(v2sf) =	vpush v10, $0xF;
	_ =	sdelay $0xe  }
0x265: {  	s12 =	spop (v2sf)  }
0x266: {  	s10 =	sadd.s32 s12, s10  }
0x267: {  	s10 =	sadd.s32 $0x80000000, s10  }
0x268: {  	v10 =	vmov s10;
	_ =	sdelay $0x4  }
0x269: {  	v11 =	vld.idx.msk [tilespmem:v10+s19+$0x0], $0xffff;
	_ =	sdelay $0x4  }
0x26a: {  	v11 =	vxor.u32 $0x80000000, v11  }
0x26b: {  	(xrf0) =	vmax.scan.msk.u32 $0xffff, v11;
	_ =	sdelay $0x5  }
0x26c: {  	v11, _, _ =	vpop (xrf0)  }
0x26d: {  	(v2sf) =	vpush v11, $0xF;
	_ =	sdelay $0xe  }
0x26e: {  	s15 =	spop (v2sf)  }
0x26f: {  	s12 =	sxor.u32 $0x80000000, s15  }
0x270: {  	v12 =	vmov s12;
	_ =	sdelay $0x4  }
0x271: {  	v11 =	vld.idx.msk [tilespmem:v12+s28+$0x0], $0xffff;
	_ =	sdelay $0x4  }
0x272: {  	(xrf0) =	vmax.scan.msk.f32 $0xffff, v11;
	_ =	sdelay $0x5  }
0x273: {  	v11, _, _ =	vpop (xrf0)  }
0x274: {  	(v2sf) =	vpush v11, $0xF;
	_ =	sdelay $0xe  }
0x275: {  	s16 =	spop (v2sf)  }
0x276: {  	p0 =	seq.f32 s16, $0.0e+00  }
.Ltmp24:
0x277: {  	_ = 	snop;
	(pc) =	sbr.rel @p0 .LBB2_24-.Ltmp24, $1  }
0x278: {  	_ =	sdelay $0x3  }
.LBB2_20:
0x279: {  	s11 =	sshll.u32 s10, $0xA;
	s12 =	sshll.u32 s10, $0x7  }
0x27a: {  	s11 =	sand.u32 $0xFFFFE000, s11;
	s12 =	sand.u32 $0x380, s12  }
0x27b: {  	s11 =	sor.u32 s12, s11  }
0x27c: {  	s11 =	sshrl.u32 s11, $0x3  }
0x27d: {  	s11 =	sadd.s32 s0, s11  }
0x27e: {  	[tilespmem:s30], [sflag:$0x1] =	stream.strided.gather [hbm4b:s11+s29], $0x400, s19, s29, $0x38;
	[tilespmem:$0x4380] =	vst v63  }
0x27f: {  	_ =	swait.ge [sflag:s18], $0x400  }
0x280: {  	[sflag:s18] =	ssyncset.done $0x0  }
0x281: {  	[sflag:s18] =	ssyncadd.s32 $0xFFFFFC00  }
0x282: {  	v10 =	vld [tilespmem:$0xC80]  }
0x283: {  	s16 =	simm.s32 $0xC90;
	v11 =	vld [tilespmem:$0x800]  }
0x284: {  	s12 =	simm.s32 $0x810;
	v12 =	vld [tilespmem:s16+$0x0]  }
0x285: {  	v13 =	vld [tilespmem:s12+$0x0];
	_ =	sdelay $0x3  }
0x286: {  	s13 =	simm.s32 $0x20;
	s14 =	simm.s32 $0xCA0;
	s11 =	simm.s32 $0x10;
	v11 =	vadd.f32 v11, v10;
	v10 =	vlaneseq.u32  }
.LBB2_21:
0x287: {  	v14 =	vadd.f32 v13, v12;
	v12 =	vld [tilespmem:s14+$0x0];
	s12 =	sadd.s32 $0x10, s12;
	s15 =	smov.u32 s13;
	p0 =	sne.s32 s13, $0x3F0  }
.Ltmp25:
0x288: {  	s13 =	sadd.s32 $0x10, s13;
	v13 =	vld [tilespmem:s12+$0x0];
	(pc) =	sbr.rel @p0 .LBB2_21-.Ltmp25, $3  }
0x289: {  	v15 =	vor.u32 s11, v0;
	s11 =	smov.u32 s15;
	vm1 =	vgt.f32 v14, v11  }
0x28a: {  	v11 =	vsel vm1, v14, v11;
	v10 =	vsel vm1, v15, v10;
	_ =	sdelay $0x1  }
0x28b: {  	s14 =	sadd.s32 $0x10, s14  }
0x28c: {  	v12 =	vadd.f32 v13, v12;
	_ =	sdelay $0x1  }
0x28d: {  	vm1 =	vgt.f32 v12, v11  }
0x28e: {  	v11 =	vsel vm1, v12, v11  }
0x28f: {  	(xrf0) =	vmax.scan.msk.f32 $0xffff, v11;
	_ =	sdelay $0x5  }
0x290: {  	v12, _, _ =	vpop (xrf0)  }
0x291: {  	v13 =	vor.u32 s11, v0;
	v12 =	vbroadcast v12, $0xF  }
0x292: {  	v10 =	vsel vm1, v13, v10  }
0x293: {  	v10 =	vxor.u32 $0x80000000, v10;
	vm1 =	veq.f32 v11, v12  }
0x294: {  	v10 =	vnsel vm1, $0xC0000000, v10  }
0x295: {  	(xrf0) =	vmin.scan.msk.u32 $0xffff, v10;
	_ =	sdelay $0x5  }
0x296: {  	v10, _, _ =	vpop (xrf0)  }
0x297: {  	(v2sf) =	vpush v10, $0xF;
	_ =	sdelay $0xb  }
0x298: {  	v10 =	vmov s10  }
0x299: {  	s15 =	sand.u32 $0xFFFFFFF0, s10  }
0x29a: {  	v11 =	vor.u32 s15, v0  }
0x29b: {  	s16 =	spop (v2sf)  }
0x29c: {  	s11 =	sxor.u32 $0x80000000, s16  }
0x29d: {  	[tilespmem:v10+s5+$0x0] =	vst.idx.msk $0x1, v12;
	v12 =	vmov s11  }
0x29e: {  	[tilespmem:v10+s19+$0x0] =	vst.idx.msk $0x1, v12  }
0x29f: {  	v10 =	vld.idx.msk [tilespmem:v11+s5+$0x0], $0xffff;
	_ =	sdelay $0x4  }
0x2a0: {  	(xrf0) =	vmax.scan.msk.f32 $0xffff, v10  }
0x2a1: {  	s12 =	sshrl.u32 s10, $0x4  }
0x2a2: {  	v10 =	vmov s12  }
0x2a3: {  	v10 =	vbroadcast v10, $0x0;
	_ =	sdelay $0x2  }
0x2a4: {  	v11, _, _ =	vpop (xrf0)  }
0x2a5: {  	v11 =	vbroadcast v11, $0xF;
	_ =	sdelay $0x1  }
0x2a6: {  	[tilespmem:v10+s26+$0x0] =	vst.idx.msk $0x1, v11  }
0x2a7: {  	v10 =	vld [tilespmem:$0xC00]  }
0x2a8: {  	v11 =	vld [tilespmem:$0xC10];
	_ =	sdelay $0x1  }
0x2a9: {  	v12 =	vld [tilespmem:$0xC20];
	_ =	sdelay $0x1  }
0x2aa: {  	v13 =	vld [tilespmem:$0xC30]  }
0x2ab: {  	vm1 =	vgt.f32 v11, v10  }
0x2ac: {  	v10 =	vsel vm1, v11, v10  }
0x2ad: {  	vm2 =	vgt.f32 v12, v10  }
0x2ae: {  	v10 =	vsel vm2, v12, v10  }
0x2af: {  	vm3 =	vgt.f32 v13, v10  }
0x2b0: {  	v10 =	vsel vm3, v13, v10  }
0x2b1: {  	(xrf0) =	vmax.scan.msk.f32 $0xffff, v10;
	_ =	sdelay $0x5  }
0x2b2: {  	v11, _, _ =	vpop (xrf0)  }
0x2b3: {  	v13 =	vsel vm1, v1, v6;
	v12 =	vbroadcast v11, $0xF  }
0x2b4: {  	v13 =	vsel vm2, v4, v13  }
0x2b5: {  	vm1 =	veq.f32 v10, v12;
	v10 =	vsel vm3, v7, v13  }
0x2b6: {  	v10 =	vnsel vm1, $0xC0000000, v10  }
0x2b7: {  	(xrf0) =	vmin.scan.msk.u32 $0xffff, v10;
	_ =	sdelay $0x5  }
0x2b8: {  	v10, _, _ =	vpop (xrf0)  }
0x2b9: {  	(v2sf) =	vpush v10, $0xF;
	_ =	sdelay $0xe  }
0x2ba: {  	s13 =	spop (v2sf)  }
0x2bb: {  	s10 =	sshll.u32 s13, $0x4  }
0x2bc: {  	v10 =	vor.u32 s10, v0;
	_ =	sdelay $0x4  }
0x2bd: {  	v10 =	vld.idx.msk [tilespmem:v10+s5+$0x0], $0xffff;
	_ =	sdelay $0x4  }
0x2be: {  	vm1 =	veq.f32 v10, v12  }
0x2bf: {  	v10 =	vnsel vm1, $0xC0000000, v6  }
0x2c0: {  	(xrf0) =	vmin.scan.msk.u32 $0xffff, v10;
	_ =	sdelay $0x5  }
0x2c1: {  	v10, _, _ =	vpop (xrf0)  }
0x2c2: {  	(v2sf) =	vpush v10, $0xF;
	_ =	sdelay $0xe  }
0x2c3: {  	s14 =	spop (v2sf)  }
0x2c4: {  	s10 =	sadd.s32 s14, s10  }
0x2c5: {  	s10 =	sadd.s32 $0x80000000, s10  }
0x2c6: {  	v10 =	vmov s10;
	_ =	sdelay $0x4  }
0x2c7: {  	v12 =	vld.idx.msk [tilespmem:v10+s19+$0x0], $0xffff;
	_ =	sdelay $0x4  }
0x2c8: {  	v12 =	vxor.u32 $0x80000000, v12  }
0x2c9: {  	(xrf0) =	vmax.scan.msk.u32 $0xffff, v12;
	_ =	sdelay $0x5  }
0x2ca: {  	v12, _, _ =	vpop (xrf0)  }
0x2cb: {  	(v2sf) =	vpush v12, $0xF;
	_ =	sdelay $0xe  }
0x2cc: {  	s15 =	spop (v2sf)  }
0x2cd: {  	s11 =	sxor.u32 $0x80000000, s15  }
0x2ce: {  	v12 =	vmov s11;
	_ =	sdelay $0x4  }
0x2cf: {  	v13 =	vld.idx.msk [tilespmem:v12+s28+$0x0], $0xffff;
	_ =	sdelay $0x4  }
0x2d0: {  	(xrf0) =	vmax.scan.msk.f32 $0xffff, v13;
	_ =	sdelay $0x5  }
0x2d1: {  	v13, _, _ =	vpop (xrf0)  }
0x2d2: {  	(v2sf) =	vpush v13, $0xF;
	_ =	sdelay $0xe  }
0x2d3: {  	s16 =	spop (v2sf)  }
0x2d4: {  	p0 =	sne.f32 s16, $0.0e+00  }
.Ltmp26:
0x2d5: {  	_ = 	snop;
	(pc) =	sbr.rel @p0 .LBB2_20-.Ltmp26, $1  }
0x2d6: {  	_ =	sdelay $0x3  }
0x2d7: {  	(v2sf) =	vpush v11, $0xF;
	_ =	sdelay $0xa  }
.Ltmp27:
0x2d8: {  	_ = 	snop;
	(pc) =	sbr.rel .LBB2_24-.Ltmp27, $2  }
0x2d9: {  	_ =	sdelay $0x2  }
0x2da: {  	s11 =	spop (v2sf)  }
.LBB2_34:
0x2db: {  	_ =	sdelay $0x3  }
0x2dc: {  	v12 =	vld.idx.msk [tilespmem:v10+s2+$0x0], $0xffff;
	_ =	sdelay $0x4  }
0x2dd: {  	v12 =	vxor.u32 $0x80000000, v12  }
0x2de: {  	(xrf0) =	vmax.scan.msk.u32 $0xffff, v12;
	_ =	sdelay $0x5  }
0x2df: {  	v12, _, _ =	vpop (xrf0)  }
0x2e0: {  	(v2sf) =	vpush v12, $0xF;
	_ =	sdelay $0xe  }
0x2e1: {  	s11 =	spop (v2sf)  }
0x2e2: {  	s11 =	sxor.u32 $0x80000000, s11  }
0x2e3: {  	v62 =	vmov s11  }
0x2e4: {  	s15 =	sand.u32 $0xFFFFFFF0, s10  }
0x2e5: {  	v13 =	vor.u32 s15, v0;
	_ =	sdelay $0x2  }
0x2e6: {  	[tilespmem:v62+s20+$0x0] =	vst.idx.msk $0x1, v11  }
0x2e7: {  	[tilespmem:v10+s5+$0x0] =	vst.idx.msk $0x1, v3  }
0x2e8: {  	v10 =	vld.idx.msk [tilespmem:v13+s5+$0x0], $0xffff;
	_ =	sdelay $0x4  }
0x2e9: {  	(xrf0) =	vmax.scan.msk.f32 $0xffff, v10  }
0x2ea: {  	s16 =	sshrl.u32 s10, $0x4  }
0x2eb: {  	v10 =	vmov s16  }
0x2ec: {  	v10 =	vbroadcast v10, $0x0  }
0x2ed: {  	s9 =	sadd.s32 $0x1, s9  }
0x2ee: {  	p0 =	sne.s32 s9, s8  }
.Ltmp28:
0x2ef: {  	v63, _, _ =	vpop (xrf0);
	(pc) =	sbr.rel @!p0 .LBB2_35-.Ltmp28, $3  }
0x2f0: {  	v12 =	vbroadcast v63, $0xF;
	_ =	sdelay $0x1  }
0x2f1: {  	[tilespmem:v10+s26+$0x0] =	vst.idx.msk $0x1, v12  }
0x2f2: {  	[tilespmem:v11+s28+$0x0] =	vst.idx.msk $0x1, v3  }
.LBB2_30:
0x2f3: {  	v10 =	vld [tilespmem:$0xC00]  }
0x2f4: {  	v11 =	vld [tilespmem:$0xC10];
	_ =	sdelay $0x1  }
0x2f5: {  	v12 =	vld [tilespmem:$0xC20];
	_ =	sdelay $0x1  }
0x2f6: {  	v13 =	vld [tilespmem:$0xC30]  }
0x2f7: {  	vm1 =	vgt.f32 v11, v10  }
0x2f8: {  	v10 =	vsel vm1, v11, v10  }
0x2f9: {  	vm2 =	vgt.f32 v12, v10  }
0x2fa: {  	v10 =	vsel vm2, v12, v10  }
0x2fb: {  	vm3 =	vgt.f32 v13, v10  }
0x2fc: {  	v10 =	vsel vm3, v13, v10  }
0x2fd: {  	(xrf0) =	vmax.scan.msk.f32 $0xffff, v10;
	_ =	sdelay $0x5  }
0x2fe: {  	v11, _, _ =	vpop (xrf0)  }
0x2ff: {  	v62 =	vsel vm1, v1, v6;
	v11 =	vbroadcast v11, $0xF  }
0x300: {  	v12 =	vsel vm2, v4, v62  }
0x301: {  	vm1 =	veq.f32 v10, v11;
	v10 =	vsel vm3, v7, v12  }
0x302: {  	v10 =	vnsel vm1, $0xC0000000, v10  }
0x303: {  	(xrf0) =	vmin.scan.msk.u32 $0xffff, v10;
	_ =	sdelay $0x5  }
0x304: {  	v10, _, _ =	vpop (xrf0)  }
0x305: {  	(v2sf) =	vpush v10, $0xF;
	_ =	sdelay $0xe  }
0x306: {  	s10 =	spop (v2sf)  }
0x307: {  	s10 =	sshll.u32 s10, $0x4  }
0x308: {  	v10 =	vor.u32 s10, v0;
	_ =	sdelay $0x4  }
0x309: {  	v10 =	vld.idx.msk [tilespmem:v10+s5+$0x0], $0xffff;
	_ =	sdelay $0x4  }
0x30a: {  	vm1 =	veq.f32 v10, v11  }
0x30b: {  	v10 =	vnsel vm1, $0xC0000000, v6  }
0x30c: {  	(xrf0) =	vmin.scan.msk.u32 $0xffff, v10;
	_ =	sdelay $0x5  }
0x30d: {  	v10, _, _ =	vpop (xrf0)  }
0x30e: {  	(v2sf) =	vpush v10, $0xF;
	_ =	sdelay $0xe  }
0x30f: {  	s11 =	spop (v2sf)  }
0x310: {  	s10 =	sadd.s32 s11, s10  }
0x311: {  	s10 =	sadd.s32 $0x80000000, s10  }
0x312: {  	v10 =	vmov s10;
	_ =	sdelay $0x4  }
0x313: {  	v11 =	vld.idx.msk [tilespmem:v10+s19+$0x0], $0xffff;
	_ =	sdelay $0x4  }
0x314: {  	v11 =	vxor.u32 $0x80000000, v11  }
0x315: {  	(xrf0) =	vmax.scan.msk.u32 $0xffff, v11;
	_ =	sdelay $0x5  }
0x316: {  	v11, _, _ =	vpop (xrf0)  }
0x317: {  	(v2sf) =	vpush v11, $0xF;
	_ =	sdelay $0xe  }
0x318: {  	s15 =	spop (v2sf)  }
0x319: {  	s11 =	sxor.u32 $0x80000000, s15  }
0x31a: {  	v11 =	vmov s11;
	_ =	sdelay $0x4  }
0x31b: {  	v63 =	vld.idx.msk [tilespmem:v11+s28+$0x0], $0xffff;
	_ =	sdelay $0x4  }
0x31c: {  	(xrf0) =	vmax.scan.msk.f32 $0xffff, v63;
	_ =	sdelay $0x5  }
0x31d: {  	v12, _, _ =	vpop (xrf0)  }
0x31e: {  	(v2sf) =	vpush v12, $0xF;
	_ =	sdelay $0xe  }
0x31f: {  	s16 =	spop (v2sf)  }
0x320: {  	p0 =	seq.f32 s16, $0.0e+00  }
.Ltmp29:
0x321: {  	_ = 	snop;
	(pc) =	sbr.rel @p0 .LBB2_34-.Ltmp29, $1  }
0x322: {  	_ =	sdelay $0x3  }
.LBB2_31:
0x323: {  	s11 =	sshll.u32 s10, $0xA;
	s12 =	sshll.u32 s10, $0x7  }
0x324: {  	s11 =	sand.u32 $0xFFFFE000, s11;
	s12 =	sand.u32 $0x380, s12  }
0x325: {  	s11 =	sor.u32 s12, s11  }
0x326: {  	s11 =	sshrl.u32 s11, $0x3  }
0x327: {  	s11 =	sadd.s32 s6, s11  }
0x328: {  	[tilespmem:s30], [sflag:$0x1] =	stream.strided.gather [hbm4b:s11+s29], $0x400, s19, s29, $0x38;
	[tilespmem:$0x4380] =	vst v63  }
0x329: {  	_ =	swait.ge [sflag:s18], $0x400  }
0x32a: {  	[sflag:s18] =	ssyncset.done $0x0  }
0x32b: {  	[sflag:s18] =	ssyncadd.s32 $0xFFFFFC00  }
0x32c: {  	v10 =	vld [tilespmem:$0xC80]  }
0x32d: {  	s16 =	simm.s32 $0xC90;
	v11 =	vld [tilespmem:$0x800]  }
0x32e: {  	s12 =	simm.s32 $0x810;
	v12 =	vld [tilespmem:s16+$0x0]  }
0x32f: {  	v13 =	vld [tilespmem:s12+$0x0];
	_ =	sdelay $0x3  }
0x330: {  	s13 =	simm.s32 $0x20;
	s14 =	simm.s32 $0xCA0;
	s11 =	simm.s32 $0x10;
	v11 =	vadd.f32 v11, v10;
	v10 =	vlaneseq.u32  }
.LBB2_32:
0x331: {  	v14 =	vadd.f32 v13, v12;
	v12 =	vld [tilespmem:s14+$0x0];
	s12 =	sadd.s32 $0x10, s12;
	s15 =	smov.u32 s13;
	p0 =	sne.s32 s13, $0x3F0  }
.Ltmp30:
0x332: {  	s13 =	sadd.s32 $0x10, s13;
	v13 =	vld [tilespmem:s12+$0x0];
	(pc) =	sbr.rel @p0 .LBB2_32-.Ltmp30, $3  }
0x333: {  	v15 =	vor.u32 s11, v0;
	s11 =	smov.u32 s15;
	vm1 =	vgt.f32 v14, v11  }
0x334: {  	v11 =	vsel vm1, v14, v11;
	v10 =	vsel vm1, v15, v10;
	_ =	sdelay $0x1  }
0x335: {  	s14 =	sadd.s32 $0x10, s14  }
0x336: {  	v12 =	vadd.f32 v13, v12;
	_ =	sdelay $0x1  }
0x337: {  	vm1 =	vgt.f32 v12, v11  }
0x338: {  	v11 =	vsel vm1, v12, v11  }
0x339: {  	(xrf0) =	vmax.scan.msk.f32 $0xffff, v11;
	_ =	sdelay $0x5  }
0x33a: {  	v58, _, _ =	vpop (xrf0)  }
0x33b: {  	v59 =	vor.u32 s11, v0;
	v12 =	vbroadcast v58, $0xF  }
0x33c: {  	v10 =	vsel vm1, v59, v10  }
0x33d: {  	v10 =	vxor.u32 $0x80000000, v10;
	vm1 =	veq.f32 v11, v12  }
0x33e: {  	v10 =	vnsel vm1, $0xC0000000, v10  }
0x33f: {  	(xrf0) =	vmin.scan.msk.u32 $0xffff, v10;
	_ =	sdelay $0x5  }
0x340: {  	v10, _, _ =	vpop (xrf0)  }
0x341: {  	(v2sf) =	vpush v10, $0xF;
	_ =	sdelay $0xb  }
0x342: {  	v10 =	vmov s10  }
0x343: {  	s15 =	sand.u32 $0xFFFFFFF0, s10  }
0x344: {  	v11 =	vor.u32 s15, v0  }
0x345: {  	s16 =	spop (v2sf)  }
0x346: {  	s11 =	sxor.u32 $0x80000000, s16  }
0x347: {  	[tilespmem:v10+s5+$0x0] =	vst.idx.msk $0x1, v12;
	v60 =	vmov s11  }
0x348: {  	[tilespmem:v10+s19+$0x0] =	vst.idx.msk $0x1, v60  }
0x349: {  	v10 =	vld.idx.msk [tilespmem:v11+s5+$0x0], $0xffff;
	_ =	sdelay $0x4  }
0x34a: {  	(xrf0) =	vmax.scan.msk.f32 $0xffff, v10  }
0x34b: {  	s12 =	sshrl.u32 s10, $0x4  }
0x34c: {  	v10 =	vmov s12  }
0x34d: {  	v10 =	vbroadcast v10, $0x0;
	_ =	sdelay $0x2  }
0x34e: {  	v11, _, _ =	vpop (xrf0)  }
0x34f: {  	v11 =	vbroadcast v11, $0xF;
	_ =	sdelay $0x1  }
0x350: {  	[tilespmem:v10+s26+$0x0] =	vst.idx.msk $0x1, v11  }
0x351: {  	v10 =	vld [tilespmem:$0xC00]  }
0x352: {  	v11 =	vld [tilespmem:$0xC10];
	_ =	sdelay $0x1  }
0x353: {  	v12 =	vld [tilespmem:$0xC20];
	_ =	sdelay $0x1  }
0x354: {  	v61 =	vld [tilespmem:$0xC30]  }
0x355: {  	vm1 =	vgt.f32 v11, v10  }
0x356: {  	v10 =	vsel vm1, v11, v10  }
0x357: {  	vm2 =	vgt.f32 v12, v10  }
0x358: {  	v10 =	vsel vm2, v12, v10  }
0x359: {  	vm3 =	vgt.f32 v61, v10  }
0x35a: {  	v10 =	vsel vm3, v61, v10  }
0x35b: {  	(xrf0) =	vmax.scan.msk.f32 $0xffff, v10;
	_ =	sdelay $0x5  }
0x35c: {  	v11, _, _ =	vpop (xrf0)  }
0x35d: {  	v62 =	vsel vm1, v1, v6;
	v11 =	vbroadcast v11, $0xF  }
0x35e: {  	v12 =	vsel vm2, v4, v62  }
0x35f: {  	vm1 =	veq.f32 v10, v11;
	v10 =	vsel vm3, v7, v12  }
0x360: {  	v10 =	vnsel vm1, $0xC0000000, v10  }
0x361: {  	(xrf0) =	vmin.scan.msk.u32 $0xffff, v10;
	_ =	sdelay $0x5  }
0x362: {  	v10, _, _ =	vpop (xrf0)  }
0x363: {  	(v2sf) =	vpush v10, $0xF;
	_ =	sdelay $0xe  }
0x364: {  	s13 =	spop (v2sf)  }
0x365: {  	s10 =	sshll.u32 s13, $0x4  }
0x366: {  	v10 =	vor.u32 s10, v0;
	_ =	sdelay $0x4  }
0x367: {  	v10 =	vld.idx.msk [tilespmem:v10+s5+$0x0], $0xffff;
	_ =	sdelay $0x4  }
0x368: {  	vm1 =	veq.f32 v10, v11  }
0x369: {  	v10 =	vnsel vm1, $0xC0000000, v6  }
0x36a: {  	(xrf0) =	vmin.scan.msk.u32 $0xffff, v10;
	_ =	sdelay $0x5  }
0x36b: {  	v10, _, _ =	vpop (xrf0)  }
0x36c: {  	(v2sf) =	vpush v10, $0xF;
	_ =	sdelay $0xe  }
0x36d: {  	s14 =	spop (v2sf)  }
0x36e: {  	s10 =	sadd.s32 s14, s10  }
0x36f: {  	s10 =	sadd.s32 $0x80000000, s10  }
0x370: {  	v10 =	vmov s10;
	_ =	sdelay $0x4  }
0x371: {  	v11 =	vld.idx.msk [tilespmem:v10+s19+$0x0], $0xffff;
	_ =	sdelay $0x4  }
0x372: {  	v11 =	vxor.u32 $0x80000000, v11  }
0x373: {  	(xrf0) =	vmax.scan.msk.u32 $0xffff, v11;
	_ =	sdelay $0x5  }
0x374: {  	v11, _, _ =	vpop (xrf0)  }
0x375: {  	(v2sf) =	vpush v11, $0xF;
	_ =	sdelay $0xe  }
0x376: {  	s15 =	spop (v2sf)  }
0x377: {  	s11 =	sxor.u32 $0x80000000, s15  }
0x378: {  	v11 =	vmov s11;
	_ =	sdelay $0x4  }
0x379: {  	v63 =	vld.idx.msk [tilespmem:v11+s28+$0x0], $0xffff;
	_ =	sdelay $0x4  }
0x37a: {  	(xrf0) =	vmax.scan.msk.f32 $0xffff, v63;
	_ =	sdelay $0x5  }
0x37b: {  	v12, _, _ =	vpop (xrf0)  }
0x37c: {  	(v2sf) =	vpush v12, $0xF;
	_ =	sdelay $0xe  }
0x37d: {  	s16 =	spop (v2sf)  }
0x37e: {  	p0 =	sne.f32 s16, $0.0e+00  }
.Ltmp31:
0x37f: {  	_ = 	snop;
	(pc) =	sbr.rel @p0 .LBB2_31-.Ltmp31, $4  }
.Ltmp32:
0x380: {  	_ = 	snop;
	(pc) =	sbr.rel @!p0 .LBB2_34-.Ltmp32, $4  }
0x381: {  	_ = 	snop  }
0x382: {  	_ = 	snop  }
0x383: {  	_ = 	snop  }
0x384: {  	_ = 	snop  }
.Lfunc_end2:
_tile_overlayer_lowered:
.L_overlay_start_2:
0x385: {  	(tag) =	ssettag $0x2  }
0x386: {  	s0 =	rddreg [dreg:$0x0];
	s2 =	stileid.u32  }
0x387: {  	s1 =	rddreg [dreg:$0x1];
	p0 =	sne.s32 s2, $0x0  }
0x388: {  	s3 =	rddreg [dreg:$0x2];
	[bflag:$0x3] =	sbarrier.arrive $0xFFFF;
	s2 =	simm.s32 @!p0 $0x1C02  }
0x389: {  	[timem:s3], [sflag:s2] =	dma.local @!p0 [hbm:s0], s1  }
0x38a: {  	s0 =	simm.s32 @!p0 $0x2  }
0x38b: {  	_ =	swait.ge @!p0 [sflag:s0], s1  }
0x38c: {  	s1 =	ssub.s32 @!p0 $0x0, s1;
	[sflag:s0] =	ssyncset.done @!p0 $0x0  }
0x38d: {  	[sflag:s0] =	ssyncadd.s32 @!p0 s1  }
0x38e: {  	[bflag:$0x3] =	sbarrier.arrive $0xFFFF  }
0x38f: {  	_ =	shalt  }

</sc_bundles>
